<compile_context>
chip_gen: v7x
topology: tpu7x:2x2x1
jax: 0.10.2.dev20260603
libtpu: 0.0.44.dev20260713+nightly
codegen_flags: <defaults>
</compile_context>

<pallas_src>
import functools

import jax
import jax.numpy as jnp
from jax import lax
from jax.experimental import pallas as pl
from jax.experimental.pallas import tpu as pltpu
from jax.experimental.pallas import tpu_sc as plsc

D_MODEL = 64
SCALE = 8.0

NC = 2
NS = 16
LANES = 16
NW = NC * NS

CHUNK = 128
SUB = 128
NSUB = CHUNK // SUB
NBUF = 8


@jax.jit
def _embed_flat(idx_flat, table):
    num_idx = idx_flat.shape[0]
    assert num_idx % (NW * NBUF * CHUNK) == 0
    n_w = num_idx // NW
    n_ch = n_w // CHUNK

    mesh = plsc.VectorSubcoreMesh(
        core_axis_name="c", subcore_axis_name="s",
        num_cores=NC, num_subcores=NS)

    @functools.partial(
        pl.kernel,
        mesh=mesh,
        out_type=jax.ShapeDtypeStruct((num_idx, D_MODEL), jnp.float32),
        scratch_types=[
            pltpu.VMEM((n_w,), jnp.int32),
            pltpu.VMEM((NBUF, CHUNK, D_MODEL), jnp.float32),
            [pltpu.SemaphoreType.DMA] * NBUF,
            [pltpu.SemaphoreType.DMA] * NBUF,
        ],
        compiler_params=pltpu.CompilerParams(use_tc_tiling_on_sc=False),
    )
    def k(idx_hbm, table_hbm, out_hbm, idx_v, rows_v, sg, so):
        wid = lax.axis_index("s") * NC + lax.axis_index("c")
        base = wid * n_w
        head = (NBUF - 1) * CHUNK
        pltpu.sync_copy(idx_hbm.at[pl.ds(base, head)],
                        idx_v.at[pl.ds(0, head)])

        def fire_gather(b, g):
            for j in range(NSUB):
                pltpu.async_copy(
                    table_hbm.at[idx_v.at[pl.ds(g * CHUNK + j * SUB, SUB)]],
                    rows_v.at[b].at[pl.ds(j * SUB, SUB)],
                    sg[b])

        def wait_gather(b):
            for j in range(NSUB):
                pltpu.make_async_copy(
                    table_hbm.at[idx_v.at[pl.ds(j * SUB, SUB)]],
                    rows_v.at[b].at[pl.ds(j * SUB, SUB)],
                    sg[b]).wait()

        def fire_out(b, g):
            pltpu.async_copy(
                rows_v.at[b], out_hbm.at[pl.ds(base + g * CHUNK, CHUNK)],
                so[b])

        def wait_out(b):
            pltpu.make_async_copy(
                rows_v.at[b], out_hbm.at[pl.ds(base, CHUNK)], so[b]).wait()

        def scale(b):
            @plsc.parallel_loop(0, CHUNK, unroll=8)
            def _(i):
                for d in range(D_MODEL // LANES):
                    sl = pl.ds(d * LANES, LANES)
                    rows_v[b, i, sl] = rows_v[b, i, sl] * SCALE

        for b in range(NBUF - 1):
            fire_gather(b, b)
        pltpu.sync_copy(idx_hbm.at[pl.ds(base + head, n_w - head)],
                        idx_v.at[pl.ds(head, n_w - head)])

        def outer(t, _):
            for b in range(NBUF):
                g = t * NBUF + b
                gn = g + NBUF - 1
                bn = (b + NBUF - 1) % NBUF

                @pl.when(gn < n_ch)
                def _():
                    @pl.when(gn >= NBUF)
                    def _():
                        wait_out(bn)
                    fire_gather(bn, gn)

                wait_gather(b)
                scale(b)
                fire_out(b, g)
            return ()

        lax.fori_loop(0, n_ch // NBUF, outer, ())
        for b in range(NBUF):
            wait_out(b)

    return k(idx_flat, table)


def kernel(x, table):
    b, l = x.shape
    out = _embed_flat(x.reshape(b * l).astype(jnp.int32), table)
    return out.reshape(b, l, D_MODEL)

# --- scband reference (transcript-rebuilt; emitter-appended) ---
"""Pipeline reference for scband-embeddings-16544214024345 (READ-ONLY COPY).

The authoritative reference and input builder live on the scoring server;
editing this copy changes nothing except your own understanding.
"""

import jax, jax.numpy as jnp
import numpy as np

VOCAB = 1000000
D_MODEL = 64
B = 16384
L = 50

def setup_inputs(seed: int = 0) -> dict:
    key = jax.random.key(seed)
    k_idx, k_tab = jax.random.split(key)
    x = jax.random.randint(k_idx, (B, L), 0, VOCAB, dtype=jnp.int64 if jax.config.jax_enable_x64 else jnp.int32)
    table = jax.random.normal(k_tab, (VOCAB, D_MODEL), dtype=jnp.float32) * 0.02
    return {"x": x, "table": table}

def reference(x, table):
    emb = jnp.take(table, x, axis=0)
    return emb * jnp.sqrt(jnp.asarray(D_MODEL, dtype=jnp.float32))

if __name__ == "__main__":
    import jax
    _d = setup_inputs()
    print(jax.jit(kernel)(*tuple(_d.values())))

</pallas_src>

<mosaic_0001>
#map = affine_map<(d0, d1) -> (0)>
#map1 = affine_map<(d0, d1) -> (0, 0)>
module attributes {stable_mosaic.version = 14 : i64} {
  func.func @k(%arg0: i32, %arg1: i32, %arg2: memref<819200xi32, #tpu.memory_space<hbm>>, %arg3: memref<1000000x64xf32, #tpu.memory_space<hbm>>, %arg4: memref<819200x64xf32, #tpu.memory_space<hbm>>, %arg5: memref<25600xi32, #tpu.memory_space<vmem>>, %arg6: memref<8x128x64xf32, #tpu.memory_space<vmem>>, %arg7: memref<!tpu.dma_semaphore, #tpu.memory_space<semaphore_mem>>, %arg8: memref<!tpu.dma_semaphore, #tpu.memory_space<semaphore_mem>>, %arg9: memref<!tpu.dma_semaphore, #tpu.memory_space<semaphore_mem>>, %arg10: memref<!tpu.dma_semaphore, #tpu.memory_space<semaphore_mem>>, %arg11: memref<!tpu.dma_semaphore, #tpu.memory_space<semaphore_mem>>, %arg12: memref<!tpu.dma_semaphore, #tpu.memory_space<semaphore_mem>>, %arg13: memref<!tpu.dma_semaphore, #tpu.memory_space<semaphore_mem>>, %arg14: memref<!tpu.dma_semaphore, #tpu.memory_space<semaphore_mem>>, %arg15: memref<!tpu.dma_semaphore, #tpu.memory_space<semaphore_mem>>, %arg16: memref<!tpu.dma_semaphore, #tpu.memory_space<semaphore_mem>>, %arg17: memref<!tpu.dma_semaphore, #tpu.memory_space<semaphore_mem>>, %arg18: memref<!tpu.dma_semaphore, #tpu.memory_space<semaphore_mem>>, %arg19: memref<!tpu.dma_semaphore, #tpu.memory_space<semaphore_mem>>, %arg20: memref<!tpu.dma_semaphore, #tpu.memory_space<semaphore_mem>>, %arg21: memref<!tpu.dma_semaphore, #tpu.memory_space<semaphore_mem>>, %arg22: memref<!tpu.dma_semaphore, #tpu.memory_space<semaphore_mem>>) attributes {dimension_semantics = [#tpu.dimension_semantics<core_parallel>, #tpu.dimension_semantics<subcore_parallel>], iteration_bounds = array<i64: 2, 16>, scalar_prefetch = 0 : i64, scratch_operands = 18 : i64, tpu.core_type = #tpu.core_type<sc_vector_subcore>, window_params = [{transform_indices = #map}, {transform_indices = #map1}, {transform_indices = #map1}]} {
    %mul3A = arith.constant 2 : i32
    %mul3A_0 = arith.muli %arg1, %mul3A : i32
    %add3A = arith.addi %mul3A_0, %arg0 : i32
    %mul3A_1 = arith.constant 25600 : i32
    %mul3A_2 = arith.muli %add3A, %mul3A_1 : i32
    "tpu.region"() ({
      %run_scoped3A = tpu.sem_alloc : memref<!tpu.dma_semaphore, #tpu.memory_space<semaphore_mem>>
      %dma_start3A_202 = arith.constant 0 : i32
      %dma_start3A_203 = tpu.memref_slice %arg5[%dma_start3A_202] : memref<25600xi32, #tpu.memory_space<vmem>> -> memref<896xi32, #tpu.memory_space<vmem>>
      %dma_start3A_204 = tpu.memref_slice %arg2[%mul3A_2] : memref<819200xi32, #tpu.memory_space<hbm>> -> memref<896xi32, #tpu.memory_space<hbm>>
      %dma_start3A_205 = arith.constant 0 : i32
      %dma_start3A_206 = tpu.memref_slice %arg5[%dma_start3A_205] : memref<25600xi32, #tpu.memory_space<vmem>> -> memref<896xi32, #tpu.memory_space<vmem>>
      %dma_start3A_207 = tpu.memref_slice %arg2[%mul3A_2] : memref<819200xi32, #tpu.memory_space<hbm>> -> memref<896xi32, #tpu.memory_space<hbm>>
      tpu.enqueue_dma source(%dma_start3A_207 : memref<896xi32, #tpu.memory_space<hbm>>) target(%dma_start3A_206 : memref<896xi32, #tpu.memory_space<vmem>>) target_semaphore(%run_scoped3A : memref<!tpu.dma_semaphore, #tpu.memory_space<semaphore_mem>>)
      %dma_wait3A_208 = arith.constant 0 : i32
      %dma_wait3A_209 = tpu.memref_slice %arg5[%dma_wait3A_208] : memref<25600xi32, #tpu.memory_space<vmem>> -> memref<896xi32, #tpu.memory_space<vmem>>
      %dma_wait3A_210 = tpu.memref_slice %arg2[%mul3A_2] : memref<819200xi32, #tpu.memory_space<hbm>> -> memref<896xi32, #tpu.memory_space<hbm>>
      %dma_wait3A_211 = arith.constant 0 : i32
      %dma_wait3A_212 = tpu.memref_slice %arg5[%dma_wait3A_211] : memref<25600xi32, #tpu.memory_space<vmem>> -> memref<896xi32, #tpu.memory_space<vmem>>
      %dma_wait3A_213 = tpu.memref_slice %arg2[%mul3A_2] : memref<819200xi32, #tpu.memory_space<hbm>> -> memref<896xi32, #tpu.memory_space<hbm>>
      tpu.wait_dma2 semaphore(%run_scoped3A : memref<!tpu.dma_semaphore, #tpu.memory_space<semaphore_mem>>) src(%dma_wait3A_213 : memref<896xi32, #tpu.memory_space<hbm>>) dst(%dma_wait3A_212 : memref<896xi32, #tpu.memory_space<vmem>>)
      tpu.yield
    }) : () -> ()
    %dma_start3A = arith.constant 0 : i32
    %dma_start3A_3 = arith.constant 0 : i32
    %dma_start3A_4 = arith.constant 0 : i32
    %dma_start3A_5 = tpu.memref_slice %arg6[%dma_start3A, %dma_start3A_3, %dma_start3A_4] : memref<8x128x64xf32, #tpu.memory_space<vmem>> -> memref<1x128x64xf32, #tpu.memory_space<vmem>>
    %dma_start3A_6 = tpu.memref_squeeze %dma_start3A_5 : memref<1x128x64xf32, #tpu.memory_space<vmem>> -> memref<128x64xf32, #tpu.memory_space<vmem>>
    %dma_start3A_7 = arith.constant 0 : i32
    %dma_start3A_8 = arith.constant 0 : i32
    %dma_start3A_9 = tpu.memref_slice %dma_start3A_6[%dma_start3A_7, %dma_start3A_8] : memref<128x64xf32, #tpu.memory_space<vmem>> -> memref<128x64xf32, #tpu.memory_space<vmem>>
    %dma_start3A_10 = arith.constant 0 : i32
    %dma_start3A_11 = tpu.memref_slice %arg5[%dma_start3A_10] : memref<25600xi32, #tpu.memory_space<vmem>> -> memref<128xi32, #tpu.memory_space<vmem>>
    %dma_start3A_12 = arith.constant 0 : i32
    %dma_start3A_13 = arith.constant 0 : i32
    %dma_start3A_14 = tpu.memref_slice %arg3[%dma_start3A_12, %dma_start3A_13] : memref<1000000x64xf32, #tpu.memory_space<hbm>> -> memref<1000000x64xf32, #tpu.memory_space<hbm>>
    tpu.enqueue_indirect_dma source(%dma_start3A_14 : memref<1000000x64xf32, #tpu.memory_space<hbm>>) target(%dma_start3A_9 : memref<128x64xf32, #tpu.memory_space<vmem>>) offsets(%dma_start3A_11 : memref<128xi32, #tpu.memory_space<vmem>>) semaphore(%arg7 : memref<!tpu.dma_semaphore, #tpu.memory_space<semaphore_mem>>)
    %dma_start3A_15 = arith.constant 1 : i32
    %dma_start3A_16 = arith.constant 0 : i32
    %dma_start3A_17 = arith.constant 0 : i32
    %dma_start3A_18 = tpu.memref_slice %arg6[%dma_start3A_15, %dma_start3A_16, %dma_start3A_17] : memref<8x128x64xf32, #tpu.memory_space<vmem>> -> memref<1x128x64xf32, #tpu.memory_space<vmem>>
    %dma_start3A_19 = tpu.memref_squeeze %dma_start3A_18 : memref<1x128x64xf32, #tpu.memory_space<vmem>> -> memref<128x64xf32, #tpu.memory_space<vmem>>
    %dma_start3A_20 = arith.constant 0 : i32
    %dma_start3A_21 = arith.constant 0 : i32
    %dma_start3A_22 = tpu.memref_slice %dma_start3A_19[%dma_start3A_20, %dma_start3A_21] : memref<128x64xf32, #tpu.memory_space<vmem>> -> memref<128x64xf32, #tpu.memory_space<vmem>>
    %dma_start3A_23 = arith.constant 128 : i32
    %dma_start3A_24 = tpu.memref_slice %arg5[%dma_start3A_23] : memref<25600xi32, #tpu.memory_space<vmem>> -> memref<128xi32, #tpu.memory_space<vmem>>
    %dma_start3A_25 = arith.constant 0 : i32
    %dma_start3A_26 = arith.constant 0 : i32
    %dma_start3A_27 = tpu.memref_slice %arg3[%dma_start3A_25, %dma_start3A_26] : memref<1000000x64xf32, #tpu.memory_space<hbm>> -> memref<1000000x64xf32, #tpu.memory_space<hbm>>
    tpu.enqueue_indirect_dma source(%dma_start3A_27 : memref<1000000x64xf32, #tpu.memory_space<hbm>>) target(%dma_start3A_22 : memref<128x64xf32, #tpu.memory_space<vmem>>) offsets(%dma_start3A_24 : memref<128xi32, #tpu.memory_space<vmem>>) semaphore(%arg8 : memref<!tpu.dma_semaphore, #tpu.memory_space<semaphore_mem>>)
    %dma_start3A_28 = arith.constant 2 : i32
    %dma_start3A_29 = arith.constant 0 : i32
    %dma_start3A_30 = arith.constant 0 : i32
    %dma_start3A_31 = tpu.memref_slice %arg6[%dma_start3A_28, %dma_start3A_29, %dma_start3A_30] : memref<8x128x64xf32, #tpu.memory_space<vmem>> -> memref<1x128x64xf32, #tpu.memory_space<vmem>>
    %dma_start3A_32 = tpu.memref_squeeze %dma_start3A_31 : memref<1x128x64xf32, #tpu.memory_space<vmem>> -> memref<128x64xf32, #tpu.memory_space<vmem>>
    %dma_start3A_33 = arith.constant 0 : i32
    %dma_start3A_34 = arith.constant 0 : i32
    %dma_start3A_35 = tpu.memref_slice %dma_start3A_32[%dma_start3A_33, %dma_start3A_34] : memref<128x64xf32, #tpu.memory_space<vmem>> -> memref<128x64xf32, #tpu.memory_space<vmem>>
    %dma_start3A_36 = arith.constant 256 : i32
    %dma_start3A_37 = tpu.memref_slice %arg5[%dma_start3A_36] : memref<25600xi32, #tpu.memory_space<vmem>> -> memref<128xi32, #tpu.memory_space<vmem>>
    %dma_start3A_38 = arith.constant 0 : i32
    %dma_start3A_39 = arith.constant 0 : i32
    %dma_start3A_40 = tpu.memref_slice %arg3[%dma_start3A_38, %dma_start3A_39] : memref<1000000x64xf32, #tpu.memory_space<hbm>> -> memref<1000000x64xf32, #tpu.memory_space<hbm>>
    tpu.enqueue_indirect_dma source(%dma_start3A_40 : memref<1000000x64xf32, #tpu.memory_space<hbm>>) target(%dma_start3A_35 : memref<128x64xf32, #tpu.memory_space<vmem>>) offsets(%dma_start3A_37 : memref<128xi32, #tpu.memory_space<vmem>>) semaphore(%arg9 : memref<!tpu.dma_semaphore, #tpu.memory_space<semaphore_mem>>)
    %dma_start3A_41 = arith.constant 3 : i32
    %dma_start3A_42 = arith.constant 0 : i32
    %dma_start3A_43 = arith.constant 0 : i32
    %dma_start3A_44 = tpu.memref_slice %arg6[%dma_start3A_41, %dma_start3A_42, %dma_start3A_43] : memref<8x128x64xf32, #tpu.memory_space<vmem>> -> memref<1x128x64xf32, #tpu.memory_space<vmem>>
    %dma_start3A_45 = tpu.memref_squeeze %dma_start3A_44 : memref<1x128x64xf32, #tpu.memory_space<vmem>> -> memref<128x64xf32, #tpu.memory_space<vmem>>
    %dma_start3A_46 = arith.constant 0 : i32
    %dma_start3A_47 = arith.constant 0 : i32
    %dma_start3A_48 = tpu.memref_slice %dma_start3A_45[%dma_start3A_46, %dma_start3A_47] : memref<128x64xf32, #tpu.memory_space<vmem>> -> memref<128x64xf32, #tpu.memory_space<vmem>>
    %dma_start3A_49 = arith.constant 384 : i32
    %dma_start3A_50 = tpu.memref_slice %arg5[%dma_start3A_49] : memref<25600xi32, #tpu.memory_space<vmem>> -> memref<128xi32, #tpu.memory_space<vmem>>
    %dma_start3A_51 = arith.constant 0 : i32
    %dma_start3A_52 = arith.constant 0 : i32
    %dma_start3A_53 = tpu.memref_slice %arg3[%dma_start3A_51, %dma_start3A_52] : memref<1000000x64xf32, #tpu.memory_space<hbm>> -> memref<1000000x64xf32, #tpu.memory_space<hbm>>
    tpu.enqueue_indirect_dma source(%dma_start3A_53 : memref<1000000x64xf32, #tpu.memory_space<hbm>>) target(%dma_start3A_48 : memref<128x64xf32, #tpu.memory_space<vmem>>) offsets(%dma_start3A_50 : memref<128xi32, #tpu.memory_space<vmem>>) semaphore(%arg10 : memref<!tpu.dma_semaphore, #tpu.memory_space<semaphore_mem>>)
    %dma_start3A_54 = arith.constant 4 : i32
    %dma_start3A_55 = arith.constant 0 : i32
    %dma_start3A_56 = arith.constant 0 : i32
    %dma_start3A_57 = tpu.memref_slice %arg6[%dma_start3A_54, %dma_start3A_55, %dma_start3A_56] : memref<8x128x64xf32, #tpu.memory_space<vmem>> -> memref<1x128x64xf32, #tpu.memory_space<vmem>>
    %dma_start3A_58 = tpu.memref_squeeze %dma_start3A_57 : memref<1x128x64xf32, #tpu.memory_space<vmem>> -> memref<128x64xf32, #tpu.memory_space<vmem>>
    %dma_start3A_59 = arith.constant 0 : i32
    %dma_start3A_60 = arith.constant 0 : i32
    %dma_start3A_61 = tpu.memref_slice %dma_start3A_58[%dma_start3A_59, %dma_start3A_60] : memref<128x64xf32, #tpu.memory_space<vmem>> -> memref<128x64xf32, #tpu.memory_space<vmem>>
    %dma_start3A_62 = arith.constant 512 : i32
    %dma_start3A_63 = tpu.memref_slice %arg5[%dma_start3A_62] : memref<25600xi32, #tpu.memory_space<vmem>> -> memref<128xi32, #tpu.memory_space<vmem>>
    %dma_start3A_64 = arith.constant 0 : i32
    %dma_start3A_65 = arith.constant 0 : i32
    %dma_start3A_66 = tpu.memref_slice %arg3[%dma_start3A_64, %dma_start3A_65] : memref<1000000x64xf32, #tpu.memory_space<hbm>> -> memref<1000000x64xf32, #tpu.memory_space<hbm>>
    tpu.enqueue_indirect_dma source(%dma_start3A_66 : memref<1000000x64xf32, #tpu.memory_space<hbm>>) target(%dma_start3A_61 : memref<128x64xf32, #tpu.memory_space<vmem>>) offsets(%dma_start3A_63 : memref<128xi32, #tpu.memory_space<vmem>>) semaphore(%arg11 : memref<!tpu.dma_semaphore, #tpu.memory_space<semaphore_mem>>)
    %dma_start3A_67 = arith.constant 5 : i32
    %dma_start3A_68 = arith.constant 0 : i32
    %dma_start3A_69 = arith.constant 0 : i32
    %dma_start3A_70 = tpu.memref_slice %arg6[%dma_start3A_67, %dma_start3A_68, %dma_start3A_69] : memref<8x128x64xf32, #tpu.memory_space<vmem>> -> memref<1x128x64xf32, #tpu.memory_space<vmem>>
    %dma_start3A_71 = tpu.memref_squeeze %dma_start3A_70 : memref<1x128x64xf32, #tpu.memory_space<vmem>> -> memref<128x64xf32, #tpu.memory_space<vmem>>
    %dma_start3A_72 = arith.constant 0 : i32
    %dma_start3A_73 = arith.constant 0 : i32
    %dma_start3A_74 = tpu.memref_slice %dma_start3A_71[%dma_start3A_72, %dma_start3A_73] : memref<128x64xf32, #tpu.memory_space<vmem>> -> memref<128x64xf32, #tpu.memory_space<vmem>>
    %dma_start3A_75 = arith.constant 640 : i32
    %dma_start3A_76 = tpu.memref_slice %arg5[%dma_start3A_75] : memref<25600xi32, #tpu.memory_space<vmem>> -> memref<128xi32, #tpu.memory_space<vmem>>
    %dma_start3A_77 = arith.constant 0 : i32
    %dma_start3A_78 = arith.constant 0 : i32
    %dma_start3A_79 = tpu.memref_slice %arg3[%dma_start3A_77, %dma_start3A_78] : memref<1000000x64xf32, #tpu.memory_space<hbm>> -> memref<1000000x64xf32, #tpu.memory_space<hbm>>
    tpu.enqueue_indirect_dma source(%dma_start3A_79 : memref<1000000x64xf32, #tpu.memory_space<hbm>>) target(%dma_start3A_74 : memref<128x64xf32, #tpu.memory_space<vmem>>) offsets(%dma_start3A_76 : memref<128xi32, #tpu.memory_space<vmem>>) semaphore(%arg12 : memref<!tpu.dma_semaphore, #tpu.memory_space<semaphore_mem>>)
    %dma_start3A_80 = arith.constant 6 : i32
    %dma_start3A_81 = arith.constant 0 : i32
    %dma_start3A_82 = arith.constant 0 : i32
    %dma_start3A_83 = tpu.memref_slice %arg6[%dma_start3A_80, %dma_start3A_81, %dma_start3A_82] : memref<8x128x64xf32, #tpu.memory_space<vmem>> -> memref<1x128x64xf32, #tpu.memory_space<vmem>>
    %dma_start3A_84 = tpu.memref_squeeze %dma_start3A_83 : memref<1x128x64xf32, #tpu.memory_space<vmem>> -> memref<128x64xf32, #tpu.memory_space<vmem>>
    %dma_start3A_85 = arith.constant 0 : i32
    %dma_start3A_86 = arith.constant 0 : i32
    %dma_start3A_87 = tpu.memref_slice %dma_start3A_84[%dma_start3A_85, %dma_start3A_86] : memref<128x64xf32, #tpu.memory_space<vmem>> -> memref<128x64xf32, #tpu.memory_space<vmem>>
    %dma_start3A_88 = arith.constant 768 : i32
    %dma_start3A_89 = tpu.memref_slice %arg5[%dma_start3A_88] : memref<25600xi32, #tpu.memory_space<vmem>> -> memref<128xi32, #tpu.memory_space<vmem>>
    %dma_start3A_90 = arith.constant 0 : i32
    %dma_start3A_91 = arith.constant 0 : i32
    %dma_start3A_92 = tpu.memref_slice %arg3[%dma_start3A_90, %dma_start3A_91] : memref<1000000x64xf32, #tpu.memory_space<hbm>> -> memref<1000000x64xf32, #tpu.memory_space<hbm>>
    tpu.enqueue_indirect_dma source(%dma_start3A_92 : memref<1000000x64xf32, #tpu.memory_space<hbm>>) target(%dma_start3A_87 : memref<128x64xf32, #tpu.memory_space<vmem>>) offsets(%dma_start3A_89 : memref<128xi32, #tpu.memory_space<vmem>>) semaphore(%arg13 : memref<!tpu.dma_semaphore, #tpu.memory_space<semaphore_mem>>)
    %add3A_93 = arith.constant 896 : i32
    %add3A_94 = arith.addi %mul3A_2, %add3A_93 : i32
    "tpu.region"() ({
      %run_scoped3A = tpu.sem_alloc : memref<!tpu.dma_semaphore, #tpu.memory_space<semaphore_mem>>
      %dma_start3A_202 = arith.constant 896 : i32
      %dma_start3A_203 = tpu.memref_slice %arg5[%dma_start3A_202] : memref<25600xi32, #tpu.memory_space<vmem>> -> memref<24704xi32, #tpu.memory_space<vmem>>
      %dma_start3A_204 = tpu.memref_slice %arg2[%add3A_94] : memref<819200xi32, #tpu.memory_space<hbm>> -> memref<24704xi32, #tpu.memory_space<hbm>>
      %dma_start3A_205 = arith.constant 896 : i32
      %dma_start3A_206 = tpu.memref_slice %arg5[%dma_start3A_205] : memref<25600xi32, #tpu.memory_space<vmem>> -> memref<24704xi32, #tpu.memory_space<vmem>>
      %dma_start3A_207 = tpu.memref_slice %arg2[%add3A_94] : memref<819200xi32, #tpu.memory_space<hbm>> -> memref<24704xi32, #tpu.memory_space<hbm>>
      tpu.enqueue_dma source(%dma_start3A_207 : memref<24704xi32, #tpu.memory_space<hbm>>) target(%dma_start3A_206 : memref<24704xi32, #tpu.memory_space<vmem>>) target_semaphore(%run_scoped3A : memref<!tpu.dma_semaphore, #tpu.memory_space<semaphore_mem>>)
      %dma_wait3A_208 = arith.constant 896 : i32
      %dma_wait3A_209 = tpu.memref_slice %arg5[%dma_wait3A_208] : memref<25600xi32, #tpu.memory_space<vmem>> -> memref<24704xi32, #tpu.memory_space<vmem>>
      %dma_wait3A_210 = tpu.memref_slice %arg2[%add3A_94] : memref<819200xi32, #tpu.memory_space<hbm>> -> memref<24704xi32, #tpu.memory_space<hbm>>
      %dma_wait3A_211 = arith.constant 896 : i32
      %dma_wait3A_212 = tpu.memref_slice %arg5[%dma_wait3A_211] : memref<25600xi32, #tpu.memory_space<vmem>> -> memref<24704xi32, #tpu.memory_space<vmem>>
      %dma_wait3A_213 = tpu.memref_slice %arg2[%add3A_94] : memref<819200xi32, #tpu.memory_space<hbm>> -> memref<24704xi32, #tpu.memory_space<hbm>>
      tpu.wait_dma2 semaphore(%run_scoped3A : memref<!tpu.dma_semaphore, #tpu.memory_space<semaphore_mem>>) src(%dma_wait3A_213 : memref<24704xi32, #tpu.memory_space<hbm>>) dst(%dma_wait3A_212 : memref<24704xi32, #tpu.memory_space<vmem>>)
      tpu.yield
    }) : () -> ()
    %scan3A = arith.constant 0 : i32
    %scan3A_95 = arith.constant 25 : i32
    %scan3A_96 = arith.addi %scan3A, %scan3A_95 : i32
    %scan3A_97 = arith.constant 1 : i32
    scf.for %scan3A_202 = %scan3A to %scan3A_96 step %scan3A_97  : i32 {
      %mul3A_203 = arith.constant 8 : i32
      %mul3A_204 = arith.muli %scan3A_202, %mul3A_203 : i32
      %add3A_205 = arith.constant 0 : i32
      %add3A_206 = arith.addi %mul3A_204, %add3A_205 : i32
      %add3A_207 = arith.constant 8 : i32
      %add3A_208 = arith.addi %add3A_206, %add3A_207 : i32
      %sub3A = arith.constant 1 : i32
      %sub3A_209 = arith.subi %add3A_208, %sub3A : i32
      %lt3A = arith.constant 200 : i32
      %lt3A_210 = arith.cmpi slt, %sub3A_209, %lt3A : i32
      %convert_element_type3A = arith.extui %lt3A_210 : i1 to i32
      %cond3A = arith.constant 0 : i32
      %cond3A_211 = arith.cmpi ne, %convert_element_type3A, %cond3A : i32
      scf.if %cond3A_211 {
        %ge3A = arith.constant 8 : i32
        %ge3A_558 = arith.cmpi sge, %sub3A_209, %ge3A : i32
        %convert_element_type3A_559 = arith.extui %ge3A_558 : i1 to i32
        %cond3A_560 = arith.constant 0 : i32
        %cond3A_561 = arith.cmpi ne, %convert_element_type3A_559, %cond3A_560 : i32
        scf.if %cond3A_561 {
          %dma_wait3A_578 = arith.constant 7 : i32
          %dma_wait3A_579 = arith.constant 0 : i32
          %dma_wait3A_580 = arith.constant 0 : i32
          %dma_wait3A_581 = tpu.memref_slice %arg6[%dma_wait3A_578, %dma_wait3A_579, %dma_wait3A_580] : memref<8x128x64xf32, #tpu.memory_space<vmem>> -> memref<1x128x64xf32, #tpu.memory_space<vmem>>
          %dma_wait3A_582 = tpu.memref_squeeze %dma_wait3A_581 : memref<1x128x64xf32, #tpu.memory_space<vmem>> -> memref<128x64xf32, #tpu.memory_space<vmem>>
          %dma_wait3A_583 = arith.constant 0 : i32
          %dma_wait3A_584 = tpu.memref_slice %arg4[%mul3A_2, %dma_wait3A_583] : memref<819200x64xf32, #tpu.memory_space<hbm>> -> memref<128x64xf32, #tpu.memory_space<hbm>>
          %dma_wait3A_585 = arith.constant 0 : i32
          %dma_wait3A_586 = tpu.memref_slice %arg4[%mul3A_2, %dma_wait3A_585] : memref<819200x64xf32, #tpu.memory_space<hbm>> -> memref<128x64xf32, #tpu.memory_space<hbm>>
          %dma_wait3A_587 = arith.constant 0 : i32
          %dma_wait3A_588 = arith.constant 0 : i32
          %dma_wait3A_589 = tpu.memref_slice %arg6[%dma_wait3A_578, %dma_wait3A_587, %dma_wait3A_588] : memref<8x128x64xf32, #tpu.memory_space<vmem>> -> memref<1x128x64xf32, #tpu.memory_space<vmem>>
          %dma_wait3A_590 = tpu.memref_squeeze %dma_wait3A_589 : memref<1x128x64xf32, #tpu.memory_space<vmem>> -> memref<128x64xf32, #tpu.memory_space<vmem>>
          tpu.wait_dma2 semaphore(%arg22 : memref<!tpu.dma_semaphore, #tpu.memory_space<semaphore_mem>>) src(%dma_wait3A_590 : memref<128x64xf32, #tpu.memory_space<vmem>>) dst(%dma_wait3A_586 : memref<128x64xf32, #tpu.memory_space<hbm>>)
        } else {
        }
        %mul3A_562 = arith.constant 128 : i32
        %mul3A_563 = arith.muli %sub3A_209, %mul3A_562 : i32
        %add3A_564 = arith.constant 0 : i32
        %add3A_565 = arith.addi %mul3A_563, %add3A_564 : i32
        %dma_start3A_566 = arith.constant 7 : i32
        %dma_start3A_567 = arith.constant 0 : i32
        %dma_start3A_568 = arith.constant 0 : i32
        %dma_start3A_569 = tpu.memref_slice %arg6[%dma_start3A_566, %dma_start3A_567, %dma_start3A_568] : memref<8x128x64xf32, #tpu.memory_space<vmem>> -> memref<1x128x64xf32, #tpu.memory_space<vmem>>
        %dma_start3A_570 = tpu.memref_squeeze %dma_start3A_569 : memref<1x128x64xf32, #tpu.memory_space<vmem>> -> memref<128x64xf32, #tpu.memory_space<vmem>>
        %dma_start3A_571 = arith.constant 0 : i32
        %dma_start3A_572 = arith.constant 0 : i32
        %dma_start3A_573 = tpu.memref_slice %dma_start3A_570[%dma_start3A_571, %dma_start3A_572] : memref<128x64xf32, #tpu.memory_space<vmem>> -> memref<128x64xf32, #tpu.memory_space<vmem>>
        %dma_start3A_574 = tpu.memref_slice %arg5[%add3A_565] : memref<25600xi32, #tpu.memory_space<vmem>> -> memref<128xi32, #tpu.memory_space<vmem>>
        %dma_start3A_575 = arith.constant 0 : i32
        %dma_start3A_576 = arith.constant 0 : i32
        %dma_start3A_577 = tpu.memref_slice %arg3[%dma_start3A_575, %dma_start3A_576] : memref<1000000x64xf32, #tpu.memory_space<hbm>> -> memref<1000000x64xf32, #tpu.memory_space<hbm>>
        tpu.enqueue_indirect_dma source(%dma_start3A_577 : memref<1000000x64xf32, #tpu.memory_space<hbm>>) target(%dma_start3A_573 : memref<128x64xf32, #tpu.memory_space<vmem>>) offsets(%dma_start3A_574 : memref<128xi32, #tpu.memory_space<vmem>>) semaphore(%arg14 : memref<!tpu.dma_semaphore, #tpu.memory_space<semaphore_mem>>)
      } else {
      }
      %dma_wait3A_212 = arith.constant 0 : i32
      %dma_wait3A_213 = arith.constant 0 : i32
      %dma_wait3A_214 = arith.constant 0 : i32
      %dma_wait3A_215 = tpu.memref_slice %arg6[%dma_wait3A_212, %dma_wait3A_213, %dma_wait3A_214] : memref<8x128x64xf32, #tpu.memory_space<vmem>> -> memref<1x128x64xf32, #tpu.memory_space<vmem>>
      %dma_wait3A_216 = tpu.memref_squeeze %dma_wait3A_215 : memref<1x128x64xf32, #tpu.memory_space<vmem>> -> memref<128x64xf32, #tpu.memory_space<vmem>>
      %dma_wait3A_217 = arith.constant 0 : i32
      %dma_wait3A_218 = arith.constant 0 : i32
      %dma_wait3A_219 = tpu.memref_slice %dma_wait3A_216[%dma_wait3A_217, %dma_wait3A_218] : memref<128x64xf32, #tpu.memory_space<vmem>> -> memref<128x64xf32, #tpu.memory_space<vmem>>
      %dma_wait3A_220 = arith.constant 0 : i32
      %dma_wait3A_221 = tpu.memref_slice %arg5[%dma_wait3A_220] : memref<25600xi32, #tpu.memory_space<vmem>> -> memref<128xi32, #tpu.memory_space<vmem>>
      %dma_wait3A_222 = arith.constant 0 : i32
      %dma_wait3A_223 = arith.constant 0 : i32
      %dma_wait3A_224 = tpu.memref_slice %arg3[%dma_wait3A_222, %dma_wait3A_223] : memref<1000000x64xf32, #tpu.memory_space<hbm>> -> memref<1000000x64xf32, #tpu.memory_space<hbm>>
      tpu.wait_indirect_dma semaphore(%arg7 : memref<!tpu.dma_semaphore, #tpu.memory_space<semaphore_mem>>) src(%dma_wait3A_224 : memref<1000000x64xf32, #tpu.memory_space<hbm>>) dst(%dma_wait3A_219 : memref<128x64xf32, #tpu.memory_space<vmem>>)
      %parallel_loop3A = arith.constant 0 : i32
      %parallel_loop3A_225 = arith.constant 128 : i32
      %parallel_loop3A_226 = arith.constant 1 : i32
      scf.for %parallel_loop3A_558 = %parallel_loop3A to %parallel_loop3A_225 step %parallel_loop3A_226  : i32 {
        %parallel_loop3A_559 = arith.constant 0 : i32
        %parallel_loop3A_560 = arith.index_cast %parallel_loop3A_559 : i32 to index
        %parallel_loop3A_561 = arith.index_cast %parallel_loop3A_558 : i32 to index
        %parallel_loop3A_562 = arith.constant 0 : index
        %parallel_loop3A_563 = tpu.vector_load %arg6[%parallel_loop3A_560, %parallel_loop3A_561, %parallel_loop3A_562] {strides = array<i32>} : memref<8x128x64xf32, #tpu.memory_space<vmem>>, vector<1x1x16xf32>,
        %parallel_loop3A_564 = vector.shape_cast %parallel_loop3A_563 : vector<1x1x16xf32> to vector<16xf32>
        %parallel_loop3A_565 = arith.constant 8.000000e+00 : f32
        %parallel_loop3A_566 = vector.broadcast %parallel_loop3A_565 : f32 to vector<16xf32>
        %parallel_loop3A_567 = arith.mulf %parallel_loop3A_564, %parallel_loop3A_566 : vector<16xf32>
        %parallel_loop3A_568 = arith.constant 0 : i32
        %parallel_loop3A_569 = arith.index_cast %parallel_loop3A_568 : i32 to index
        %parallel_loop3A_570 = arith.index_cast %parallel_loop3A_558 : i32 to index
        %parallel_loop3A_571 = arith.constant 0 : index
        %parallel_loop3A_572 = tpu.vector_load %arg6[%parallel_loop3A_569, %parallel_loop3A_570, %parallel_loop3A_571] {strides = array<i32>} : memref<8x128x64xf32, #tpu.memory_space<vmem>>, vector<1x1x16xf32>,
        %parallel_loop3A_573 = vector.shape_cast %parallel_loop3A_572 : vector<1x1x16xf32> to vector<16xf32>
        %parallel_loop3A_574 = vector.shape_cast %parallel_loop3A_567 : vector<16xf32> to vector<1x1x16xf32>
        tpu.vector_store %arg6[%parallel_loop3A_569, %parallel_loop3A_570, %parallel_loop3A_571], %parallel_loop3A_574 {strides = array<i32>} : memref<8x128x64xf32, #tpu.memory_space<vmem>>, vector<1x1x16xf32>,
        %parallel_loop3A_575 = arith.constant 0 : i32
        %parallel_loop3A_576 = arith.index_cast %parallel_loop3A_575 : i32 to index
        %parallel_loop3A_577 = arith.index_cast %parallel_loop3A_558 : i32 to index
        %parallel_loop3A_578 = arith.constant 16 : index
        %parallel_loop3A_579 = tpu.vector_load %arg6[%parallel_loop3A_576, %parallel_loop3A_577, %parallel_loop3A_578] {strides = array<i32>} : memref<8x128x64xf32, #tpu.memory_space<vmem>>, vector<1x1x16xf32>,
        %parallel_loop3A_580 = vector.shape_cast %parallel_loop3A_579 : vector<1x1x16xf32> to vector<16xf32>
        %parallel_loop3A_581 = arith.constant 8.000000e+00 : f32
        %parallel_loop3A_582 = vector.broadcast %parallel_loop3A_581 : f32 to vector<16xf32>
        %parallel_loop3A_583 = arith.mulf %parallel_loop3A_580, %parallel_loop3A_582 : vector<16xf32>
        %parallel_loop3A_584 = arith.constant 0 : i32
        %parallel_loop3A_585 = arith.index_cast %parallel_loop3A_584 : i32 to index
        %parallel_loop3A_586 = arith.index_cast %parallel_loop3A_558 : i32 to index
        %parallel_loop3A_587 = arith.constant 16 : index
        %parallel_loop3A_588 = tpu.vector_load %arg6[%parallel_loop3A_585, %parallel_loop3A_586, %parallel_loop3A_587] {strides = array<i32>} : memref<8x128x64xf32, #tpu.memory_space<vmem>>, vector<1x1x16xf32>,
        %parallel_loop3A_589 = vector.shape_cast %parallel_loop3A_588 : vector<1x1x16xf32> to vector<16xf32>
        %parallel_loop3A_590 = vector.shape_cast %parallel_loop3A_583 : vector<16xf32> to vector<1x1x16xf32>
        tpu.vector_store %arg6[%parallel_loop3A_585, %parallel_loop3A_586, %parallel_loop3A_587], %parallel_loop3A_590 {strides = array<i32>} : memref<8x128x64xf32, #tpu.memory_space<vmem>>, vector<1x1x16xf32>,
        %parallel_loop3A_591 = arith.constant 0 : i32
        %parallel_loop3A_592 = arith.index_cast %parallel_loop3A_591 : i32 to index
        %parallel_loop3A_593 = arith.index_cast %parallel_loop3A_558 : i32 to index
        %parallel_loop3A_594 = arith.constant 32 : index
        %parallel_loop3A_595 = tpu.vector_load %arg6[%parallel_loop3A_592, %parallel_loop3A_593, %parallel_loop3A_594] {strides = array<i32>} : memref<8x128x64xf32, #tpu.memory_space<vmem>>, vector<1x1x16xf32>,
        %parallel_loop3A_596 = vector.shape_cast %parallel_loop3A_595 : vector<1x1x16xf32> to vector<16xf32>
        %parallel_loop3A_597 = arith.constant 8.000000e+00 : f32
        %parallel_loop3A_598 = vector.broadcast %parallel_loop3A_597 : f32 to vector<16xf32>
        %parallel_loop3A_599 = arith.mulf %parallel_loop3A_596, %parallel_loop3A_598 : vector<16xf32>
        %parallel_loop3A_600 = arith.constant 0 : i32
        %parallel_loop3A_601 = arith.index_cast %parallel_loop3A_600 : i32 to index
        %parallel_loop3A_602 = arith.index_cast %parallel_loop3A_558 : i32 to index
        %parallel_loop3A_603 = arith.constant 32 : index
        %parallel_loop3A_604 = tpu.vector_load %arg6[%parallel_loop3A_601, %parallel_loop3A_602, %parallel_loop3A_603] {strides = array<i32>} : memref<8x128x64xf32, #tpu.memory_space<vmem>>, vector<1x1x16xf32>,
        %parallel_loop3A_605 = vector.shape_cast %parallel_loop3A_604 : vector<1x1x16xf32> to vector<16xf32>
        %parallel_loop3A_606 = vector.shape_cast %parallel_loop3A_599 : vector<16xf32> to vector<1x1x16xf32>
        tpu.vector_store %arg6[%parallel_loop3A_601, %parallel_loop3A_602, %parallel_loop3A_603], %parallel_loop3A_606 {strides = array<i32>} : memref<8x128x64xf32, #tpu.memory_space<vmem>>, vector<1x1x16xf32>,
        %parallel_loop3A_607 = arith.constant 0 : i32
        %parallel_loop3A_608 = arith.index_cast %parallel_loop3A_607 : i32 to index
        %parallel_loop3A_609 = arith.index_cast %parallel_loop3A_558 : i32 to index
        %parallel_loop3A_610 = arith.constant 48 : index
        %parallel_loop3A_611 = tpu.vector_load %arg6[%parallel_loop3A_608, %parallel_loop3A_609, %parallel_loop3A_610] {strides = array<i32>} : memref<8x128x64xf32, #tpu.memory_space<vmem>>, vector<1x1x16xf32>,
        %parallel_loop3A_612 = vector.shape_cast %parallel_loop3A_611 : vector<1x1x16xf32> to vector<16xf32>
        %parallel_loop3A_613 = arith.constant 8.000000e+00 : f32
        %parallel_loop3A_614 = vector.broadcast %parallel_loop3A_613 : f32 to vector<16xf32>
        %parallel_loop3A_615 = arith.mulf %parallel_loop3A_612, %parallel_loop3A_614 : vector<16xf32>
        %parallel_loop3A_616 = arith.constant 0 : i32
        %parallel_loop3A_617 = arith.index_cast %parallel_loop3A_616 : i32 to index
        %parallel_loop3A_618 = arith.index_cast %parallel_loop3A_558 : i32 to index
        %parallel_loop3A_619 = arith.constant 48 : index
        %parallel_loop3A_620 = tpu.vector_load %arg6[%parallel_loop3A_617, %parallel_loop3A_618, %parallel_loop3A_619] {strides = array<i32>} : memref<8x128x64xf32, #tpu.memory_space<vmem>>, vector<1x1x16xf32>,
        %parallel_loop3A_621 = vector.shape_cast %parallel_loop3A_620 : vector<1x1x16xf32> to vector<16xf32>
        %parallel_loop3A_622 = vector.shape_cast %parallel_loop3A_615 : vector<16xf32> to vector<1x1x16xf32>
        tpu.vector_store %arg6[%parallel_loop3A_617, %parallel_loop3A_618, %parallel_loop3A_619], %parallel_loop3A_622 {strides = array<i32>} : memref<8x128x64xf32, #tpu.memory_space<vmem>>, vector<1x1x16xf32>,
      } {sc.loop_unroll_factor = 8 : i64, sc.parallel_access}
      %mul3A_227 = arith.constant 128 : i32
      %mul3A_228 = arith.muli %add3A_206, %mul3A_227 : i32
      %add3A_229 = arith.addi %mul3A_2, %mul3A_228 : i32
      %dma_start3A_230 = arith.constant 0 : i32
      %dma_start3A_231 = arith.constant 0 : i32
      %dma_start3A_232 = arith.constant 0 : i32
      %dma_start3A_233 = tpu.memref_slice %arg6[%dma_start3A_230, %dma_start3A_231, %dma_start3A_232] : memref<8x128x64xf32, #tpu.memory_space<vmem>> -> memref<1x128x64xf32, #tpu.memory_space<vmem>>
      %dma_start3A_234 = tpu.memref_squeeze %dma_start3A_233 : memref<1x128x64xf32, #tpu.memory_space<vmem>> -> memref<128x64xf32, #tpu.memory_space<vmem>>
      %dma_start3A_235 = arith.constant 0 : i32
      %dma_start3A_236 = tpu.memref_slice %arg4[%add3A_229, %dma_start3A_235] : memref<819200x64xf32, #tpu.memory_space<hbm>> -> memref<128x64xf32, #tpu.memory_space<hbm>>
      %dma_start3A_237 = arith.constant 0 : i32
      %dma_start3A_238 = tpu.memref_slice %arg4[%add3A_229, %dma_start3A_237] : memref<819200x64xf32, #tpu.memory_space<hbm>> -> memref<128x64xf32, #tpu.memory_space<hbm>>
      %dma_start3A_239 = arith.constant 0 : i32
      %dma_start3A_240 = arith.constant 0 : i32
      %dma_start3A_241 = tpu.memref_slice %arg6[%dma_start3A_230, %dma_start3A_239, %dma_start3A_240] : memref<8x128x64xf32, #tpu.memory_space<vmem>> -> memref<1x128x64xf32, #tpu.memory_space<vmem>>
      %dma_start3A_242 = tpu.memref_squeeze %dma_start3A_241 : memref<1x128x64xf32, #tpu.memory_space<vmem>> -> memref<128x64xf32, #tpu.memory_space<vmem>>
      tpu.enqueue_dma source(%dma_start3A_242 : memref<128x64xf32, #tpu.memory_space<vmem>>) target(%dma_start3A_238 : memref<128x64xf32, #tpu.memory_space<hbm>>) target_semaphore(%arg15 : memref<!tpu.dma_semaphore, #tpu.memory_space<semaphore_mem>>)
      %mul3A_243 = arith.constant 8 : i32
      %mul3A_244 = arith.muli %scan3A_202, %mul3A_243 : i32
      %add3A_245 = arith.constant 1 : i32
      %add3A_246 = arith.addi %mul3A_244, %add3A_245 : i32
      %add3A_247 = arith.constant 8 : i32
      %add3A_248 = arith.addi %add3A_246, %add3A_247 : i32
      %sub3A_249 = arith.constant 1 : i32
      %sub3A_250 = arith.subi %add3A_248, %sub3A_249 : i32
      %lt3A_251 = arith.constant 200 : i32
      %lt3A_252 = arith.cmpi slt, %sub3A_250, %lt3A_251 : i32
      %convert_element_type3A_253 = arith.extui %lt3A_252 : i1 to i32
      %cond3A_254 = arith.constant 0 : i32
      %cond3A_255 = arith.cmpi ne, %convert_element_type3A_253, %cond3A_254 : i32
      scf.if %cond3A_255 {
        %ge3A = arith.constant 8 : i32
        %ge3A_558 = arith.cmpi sge, %sub3A_250, %ge3A : i32
        %convert_element_type3A_559 = arith.extui %ge3A_558 : i1 to i32
        %cond3A_560 = arith.constant 0 : i32
        %cond3A_561 = arith.cmpi ne, %convert_element_type3A_559, %cond3A_560 : i32
        scf.if %cond3A_561 {
          %dma_wait3A_578 = arith.constant 0 : i32
          %dma_wait3A_579 = arith.constant 0 : i32
          %dma_wait3A_580 = arith.constant 0 : i32
          %dma_wait3A_581 = tpu.memref_slice %arg6[%dma_wait3A_578, %dma_wait3A_579, %dma_wait3A_580] : memref<8x128x64xf32, #tpu.memory_space<vmem>> -> memref<1x128x64xf32, #tpu.memory_space<vmem>>
          %dma_wait3A_582 = tpu.memref_squeeze %dma_wait3A_581 : memref<1x128x64xf32, #tpu.memory_space<vmem>> -> memref<128x64xf32, #tpu.memory_space<vmem>>
          %dma_wait3A_583 = arith.constant 0 : i32
          %dma_wait3A_584 = tpu.memref_slice %arg4[%mul3A_2, %dma_wait3A_583] : memref<819200x64xf32, #tpu.memory_space<hbm>> -> memref<128x64xf32, #tpu.memory_space<hbm>>
          %dma_wait3A_585 = arith.constant 0 : i32
          %dma_wait3A_586 = tpu.memref_slice %arg4[%mul3A_2, %dma_wait3A_585] : memref<819200x64xf32, #tpu.memory_space<hbm>> -> memref<128x64xf32, #tpu.memory_space<hbm>>
          %dma_wait3A_587 = arith.constant 0 : i32
          %dma_wait3A_588 = arith.constant 0 : i32
          %dma_wait3A_589 = tpu.memref_slice %arg6[%dma_wait3A_578, %dma_wait3A_587, %dma_wait3A_588] : memref<8x128x64xf32, #tpu.memory_space<vmem>> -> memref<1x128x64xf32, #tpu.memory_space<vmem>>
          %dma_wait3A_590 = tpu.memref_squeeze %dma_wait3A_589 : memref<1x128x64xf32, #tpu.memory_space<vmem>> -> memref<128x64xf32, #tpu.memory_space<vmem>>
          tpu.wait_dma2 semaphore(%arg15 : memref<!tpu.dma_semaphore, #tpu.memory_space<semaphore_mem>>) src(%dma_wait3A_590 : memref<128x64xf32, #tpu.memory_space<vmem>>) dst(%dma_wait3A_586 : memref<128x64xf32, #tpu.memory_space<hbm>>)
        } else {
        }
        %mul3A_562 = arith.constant 128 : i32
        %mul3A_563 = arith.muli %sub3A_250, %mul3A_562 : i32
        %add3A_564 = arith.constant 0 : i32
        %add3A_565 = arith.addi %mul3A_563, %add3A_564 : i32
        %dma_start3A_566 = arith.constant 0 : i32
        %dma_start3A_567 = arith.constant 0 : i32
        %dma_start3A_568 = arith.constant 0 : i32
        %dma_start3A_569 = tpu.memref_slice %arg6[%dma_start3A_566, %dma_start3A_567, %dma_start3A_568] : memref<8x128x64xf32, #tpu.memory_space<vmem>> -> memref<1x128x64xf32, #tpu.memory_space<vmem>>
        %dma_start3A_570 = tpu.memref_squeeze %dma_start3A_569 : memref<1x128x64xf32, #tpu.memory_space<vmem>> -> memref<128x64xf32, #tpu.memory_space<vmem>>
        %dma_start3A_571 = arith.constant 0 : i32
        %dma_start3A_572 = arith.constant 0 : i32
        %dma_start3A_573 = tpu.memref_slice %dma_start3A_570[%dma_start3A_571, %dma_start3A_572] : memref<128x64xf32, #tpu.memory_space<vmem>> -> memref<128x64xf32, #tpu.memory_space<vmem>>
        %dma_start3A_574 = tpu.memref_slice %arg5[%add3A_565] : memref<25600xi32, #tpu.memory_space<vmem>> -> memref<128xi32, #tpu.memory_space<vmem>>
        %dma_start3A_575 = arith.constant 0 : i32
        %dma_start3A_576 = arith.constant 0 : i32
        %dma_start3A_577 = tpu.memref_slice %arg3[%dma_start3A_575, %dma_start3A_576] : memref<1000000x64xf32, #tpu.memory_space<hbm>> -> memref<1000000x64xf32, #tpu.memory_space<hbm>>
        tpu.enqueue_indirect_dma source(%dma_start3A_577 : memref<1000000x64xf32, #tpu.memory_space<hbm>>) target(%dma_start3A_573 : memref<128x64xf32, #tpu.memory_space<vmem>>) offsets(%dma_start3A_574 : memref<128xi32, #tpu.memory_space<vmem>>) semaphore(%arg7 : memref<!tpu.dma_semaphore, #tpu.memory_space<semaphore_mem>>)
      } else {
      }
      %dma_wait3A_256 = arith.constant 1 : i32
      %dma_wait3A_257 = arith.constant 0 : i32
      %dma_wait3A_258 = arith.constant 0 : i32
      %dma_wait3A_259 = tpu.memref_slice %arg6[%dma_wait3A_256, %dma_wait3A_257, %dma_wait3A_258] : memref<8x128x64xf32, #tpu.memory_space<vmem>> -> memref<1x128x64xf32, #tpu.memory_space<vmem>>
      %dma_wait3A_260 = tpu.memref_squeeze %dma_wait3A_259 : memref<1x128x64xf32, #tpu.memory_space<vmem>> -> memref<128x64xf32, #tpu.memory_space<vmem>>
      %dma_wait3A_261 = arith.constant 0 : i32
      %dma_wait3A_262 = arith.constant 0 : i32
      %dma_wait3A_263 = tpu.memref_slice %dma_wait3A_260[%dma_wait3A_261, %dma_wait3A_262] : memref<128x64xf32, #tpu.memory_space<vmem>> -> memref<128x64xf32, #tpu.memory_space<vmem>>
      %dma_wait3A_264 = arith.constant 0 : i32
      %dma_wait3A_265 = tpu.memref_slice %arg5[%dma_wait3A_264] : memref<25600xi32, #tpu.memory_space<vmem>> -> memref<128xi32, #tpu.memory_space<vmem>>
      %dma_wait3A_266 = arith.constant 0 : i32
      %dma_wait3A_267 = arith.constant 0 : i32
      %dma_wait3A_268 = tpu.memref_slice %arg3[%dma_wait3A_266, %dma_wait3A_267] : memref<1000000x64xf32, #tpu.memory_space<hbm>> -> memref<1000000x64xf32, #tpu.memory_space<hbm>>
      tpu.wait_indirect_dma semaphore(%arg8 : memref<!tpu.dma_semaphore, #tpu.memory_space<semaphore_mem>>) src(%dma_wait3A_268 : memref<1000000x64xf32, #tpu.memory_space<hbm>>) dst(%dma_wait3A_263 : memref<128x64xf32, #tpu.memory_space<vmem>>)
      %parallel_loop3A_269 = arith.constant 0 : i32
      %parallel_loop3A_270 = arith.constant 128 : i32
      %parallel_loop3A_271 = arith.constant 1 : i32
      scf.for %parallel_loop3A_558 = %parallel_loop3A_269 to %parallel_loop3A_270 step %parallel_loop3A_271  : i32 {
        %parallel_loop3A_559 = arith.constant 1 : i32
        %parallel_loop3A_560 = arith.index_cast %parallel_loop3A_559 : i32 to index
        %parallel_loop3A_561 = arith.index_cast %parallel_loop3A_558 : i32 to index
        %parallel_loop3A_562 = arith.constant 0 : index
        %parallel_loop3A_563 = tpu.vector_load %arg6[%parallel_loop3A_560, %parallel_loop3A_561, %parallel_loop3A_562] {strides = array<i32>} : memref<8x128x64xf32, #tpu.memory_space<vmem>>, vector<1x1x16xf32>,
        %parallel_loop3A_564 = vector.shape_cast %parallel_loop3A_563 : vector<1x1x16xf32> to vector<16xf32>
        %parallel_loop3A_565 = arith.constant 8.000000e+00 : f32
        %parallel_loop3A_566 = vector.broadcast %parallel_loop3A_565 : f32 to vector<16xf32>
        %parallel_loop3A_567 = arith.mulf %parallel_loop3A_564, %parallel_loop3A_566 : vector<16xf32>
        %parallel_loop3A_568 = arith.constant 1 : i32
        %parallel_loop3A_569 = arith.index_cast %parallel_loop3A_568 : i32 to index
        %parallel_loop3A_570 = arith.index_cast %parallel_loop3A_558 : i32 to index
        %parallel_loop3A_571 = arith.constant 0 : index
        %parallel_loop3A_572 = tpu.vector_load %arg6[%parallel_loop3A_569, %parallel_loop3A_570, %parallel_loop3A_571] {strides = array<i32>} : memref<8x128x64xf32, #tpu.memory_space<vmem>>, vector<1x1x16xf32>,
        %parallel_loop3A_573 = vector.shape_cast %parallel_loop3A_572 : vector<1x1x16xf32> to vector<16xf32>
        %parallel_loop3A_574 = vector.shape_cast %parallel_loop3A_567 : vector<16xf32> to vector<1x1x16xf32>
        tpu.vector_store %arg6[%parallel_loop3A_569, %parallel_loop3A_570, %parallel_loop3A_571], %parallel_loop3A_574 {strides = array<i32>} : memref<8x128x64xf32, #tpu.memory_space<vmem>>, vector<1x1x16xf32>,
        %parallel_loop3A_575 = arith.constant 1 : i32
        %parallel_loop3A_576 = arith.index_cast %parallel_loop3A_575 : i32 to index
        %parallel_loop3A_577 = arith.index_cast %parallel_loop3A_558 : i32 to index
        %parallel_loop3A_578 = arith.constant 16 : index
        %parallel_loop3A_579 = tpu.vector_load %arg6[%parallel_loop3A_576, %parallel_loop3A_577, %parallel_loop3A_578] {strides = array<i32>} : memref<8x128x64xf32, #tpu.memory_space<vmem>>, vector<1x1x16xf32>,
        %parallel_loop3A_580 = vector.shape_cast %parallel_loop3A_579 : vector<1x1x16xf32> to vector<16xf32>
        %parallel_loop3A_581 = arith.constant 8.000000e+00 : f32
        %parallel_loop3A_582 = vector.broadcast %parallel_loop3A_581 : f32 to vector<16xf32>
        %parallel_loop3A_583 = arith.mulf %parallel_loop3A_580, %parallel_loop3A_582 : vector<16xf32>
        %parallel_loop3A_584 = arith.constant 1 : i32
        %parallel_loop3A_585 = arith.index_cast %parallel_loop3A_584 : i32 to index
        %parallel_loop3A_586 = arith.index_cast %parallel_loop3A_558 : i32 to index
        %parallel_loop3A_587 = arith.constant 16 : index
        %parallel_loop3A_588 = tpu.vector_load %arg6[%parallel_loop3A_585, %parallel_loop3A_586, %parallel_loop3A_587] {strides = array<i32>} : memref<8x128x64xf32, #tpu.memory_space<vmem>>, vector<1x1x16xf32>,
        %parallel_loop3A_589 = vector.shape_cast %parallel_loop3A_588 : vector<1x1x16xf32> to vector<16xf32>
        %parallel_loop3A_590 = vector.shape_cast %parallel_loop3A_583 : vector<16xf32> to vector<1x1x16xf32>
        tpu.vector_store %arg6[%parallel_loop3A_585, %parallel_loop3A_586, %parallel_loop3A_587], %parallel_loop3A_590 {strides = array<i32>} : memref<8x128x64xf32, #tpu.memory_space<vmem>>, vector<1x1x16xf32>,
        %parallel_loop3A_591 = arith.constant 1 : i32
        %parallel_loop3A_592 = arith.index_cast %parallel_loop3A_591 : i32 to index
        %parallel_loop3A_593 = arith.index_cast %parallel_loop3A_558 : i32 to index
        %parallel_loop3A_594 = arith.constant 32 : index
        %parallel_loop3A_595 = tpu.vector_load %arg6[%parallel_loop3A_592, %parallel_loop3A_593, %parallel_loop3A_594] {strides = array<i32>} : memref<8x128x64xf32, #tpu.memory_space<vmem>>, vector<1x1x16xf32>,
        %parallel_loop3A_596 = vector.shape_cast %parallel_loop3A_595 : vector<1x1x16xf32> to vector<16xf32>
        %parallel_loop3A_597 = arith.constant 8.000000e+00 : f32
        %parallel_loop3A_598 = vector.broadcast %parallel_loop3A_597 : f32 to vector<16xf32>
        %parallel_loop3A_599 = arith.mulf %parallel_loop3A_596, %parallel_loop3A_598 : vector<16xf32>
        %parallel_loop3A_600 = arith.constant 1 : i32
        %parallel_loop3A_601 = arith.index_cast %parallel_loop3A_600 : i32 to index
        %parallel_loop3A_602 = arith.index_cast %parallel_loop3A_558 : i32 to index
        %parallel_loop3A_603 = arith.constant 32 : index
        %parallel_loop3A_604 = tpu.vector_load %arg6[%parallel_loop3A_601, %parallel_loop3A_602, %parallel_loop3A_603] {strides = array<i32>} : memref<8x128x64xf32, #tpu.memory_space<vmem>>, vector<1x1x16xf32>,
        %parallel_loop3A_605 = vector.shape_cast %parallel_loop3A_604 : vector<1x1x16xf32> to vector<16xf32>
        %parallel_loop3A_606 = vector.shape_cast %parallel_loop3A_599 : vector<16xf32> to vector<1x1x16xf32>
        tpu.vector_store %arg6[%parallel_loop3A_601, %parallel_loop3A_602, %parallel_loop3A_603], %parallel_loop3A_606 {strides = array<i32>} : memref<8x128x64xf32, #tpu.memory_space<vmem>>, vector<1x1x16xf32>,
        %parallel_loop3A_607 = arith.constant 1 : i32
        %parallel_loop3A_608 = arith.index_cast %parallel_loop3A_607 : i32 to index
        %parallel_loop3A_609 = arith.index_cast %parallel_loop3A_558 : i32 to index
        %parallel_loop3A_610 = arith.constant 48 : index
        %parallel_loop3A_611 = tpu.vector_load %arg6[%parallel_loop3A_608, %parallel_loop3A_609, %parallel_loop3A_610] {strides = array<i32>} : memref<8x128x64xf32, #tpu.memory_space<vmem>>, vector<1x1x16xf32>,
        %parallel_loop3A_612 = vector.shape_cast %parallel_loop3A_611 : vector<1x1x16xf32> to vector<16xf32>
        %parallel_loop3A_613 = arith.constant 8.000000e+00 : f32
        %parallel_loop3A_614 = vector.broadcast %parallel_loop3A_613 : f32 to vector<16xf32>
        %parallel_loop3A_615 = arith.mulf %parallel_loop3A_612, %parallel_loop3A_614 : vector<16xf32>
        %parallel_loop3A_616 = arith.constant 1 : i32
        %parallel_loop3A_617 = arith.index_cast %parallel_loop3A_616 : i32 to index
        %parallel_loop3A_618 = arith.index_cast %parallel_loop3A_558 : i32 to index
        %parallel_loop3A_619 = arith.constant 48 : index
        %parallel_loop3A_620 = tpu.vector_load %arg6[%parallel_loop3A_617, %parallel_loop3A_618, %parallel_loop3A_619] {strides = array<i32>} : memref<8x128x64xf32, #tpu.memory_space<vmem>>, vector<1x1x16xf32>,
        %parallel_loop3A_621 = vector.shape_cast %parallel_loop3A_620 : vector<1x1x16xf32> to vector<16xf32>
        %parallel_loop3A_622 = vector.shape_cast %parallel_loop3A_615 : vector<16xf32> to vector<1x1x16xf32>
        tpu.vector_store %arg6[%parallel_loop3A_617, %parallel_loop3A_618, %parallel_loop3A_619], %parallel_loop3A_622 {strides = array<i32>} : memref<8x128x64xf32, #tpu.memory_space<vmem>>, vector<1x1x16xf32>,
      } {sc.loop_unroll_factor = 8 : i64, sc.parallel_access}
      %mul3A_272 = arith.constant 128 : i32
      %mul3A_273 = arith.muli %add3A_246, %mul3A_272 : i32
      %add3A_274 = arith.addi %mul3A_2, %mul3A_273 : i32
      %dma_start3A_275 = arith.constant 1 : i32
      %dma_start3A_276 = arith.constant 0 : i32
      %dma_start3A_277 = arith.constant 0 : i32
      %dma_start3A_278 = tpu.memref_slice %arg6[%dma_start3A_275, %dma_start3A_276, %dma_start3A_277] : memref<8x128x64xf32, #tpu.memory_space<vmem>> -> memref<1x128x64xf32, #tpu.memory_space<vmem>>
      %dma_start3A_279 = tpu.memref_squeeze %dma_start3A_278 : memref<1x128x64xf32, #tpu.memory_space<vmem>> -> memref<128x64xf32, #tpu.memory_space<vmem>>
      %dma_start3A_280 = arith.constant 0 : i32
      %dma_start3A_281 = tpu.memref_slice %arg4[%add3A_274, %dma_start3A_280] : memref<819200x64xf32, #tpu.memory_space<hbm>> -> memref<128x64xf32, #tpu.memory_space<hbm>>
      %dma_start3A_282 = arith.constant 0 : i32
      %dma_start3A_283 = tpu.memref_slice %arg4[%add3A_274, %dma_start3A_282] : memref<819200x64xf32, #tpu.memory_space<hbm>> -> memref<128x64xf32, #tpu.memory_space<hbm>>
      %dma_start3A_284 = arith.constant 0 : i32
      %dma_start3A_285 = arith.constant 0 : i32
      %dma_start3A_286 = tpu.memref_slice %arg6[%dma_start3A_275, %dma_start3A_284, %dma_start3A_285] : memref<8x128x64xf32, #tpu.memory_space<vmem>> -> memref<1x128x64xf32, #tpu.memory_space<vmem>>
      %dma_start3A_287 = tpu.memref_squeeze %dma_start3A_286 : memref<1x128x64xf32, #tpu.memory_space<vmem>> -> memref<128x64xf32, #tpu.memory_space<vmem>>
      tpu.enqueue_dma source(%dma_start3A_287 : memref<128x64xf32, #tpu.memory_space<vmem>>) target(%dma_start3A_283 : memref<128x64xf32, #tpu.memory_space<hbm>>) target_semaphore(%arg16 : memref<!tpu.dma_semaphore, #tpu.memory_space<semaphore_mem>>)
      %mul3A_288 = arith.constant 8 : i32
      %mul3A_289 = arith.muli %scan3A_202, %mul3A_288 : i32
      %add3A_290 = arith.constant 2 : i32
      %add3A_291 = arith.addi %mul3A_289, %add3A_290 : i32
      %add3A_292 = arith.constant 8 : i32
      %add3A_293 = arith.addi %add3A_291, %add3A_292 : i32
      %sub3A_294 = arith.constant 1 : i32
      %sub3A_295 = arith.subi %add3A_293, %sub3A_294 : i32
      %lt3A_296 = arith.constant 200 : i32
      %lt3A_297 = arith.cmpi slt, %sub3A_295, %lt3A_296 : i32
      %convert_element_type3A_298 = arith.extui %lt3A_297 : i1 to i32
      %cond3A_299 = arith.constant 0 : i32
      %cond3A_300 = arith.cmpi ne, %convert_element_type3A_298, %cond3A_299 : i32
      scf.if %cond3A_300 {
        %ge3A = arith.constant 8 : i32
        %ge3A_558 = arith.cmpi sge, %sub3A_295, %ge3A : i32
        %convert_element_type3A_559 = arith.extui %ge3A_558 : i1 to i32
        %cond3A_560 = arith.constant 0 : i32
        %cond3A_561 = arith.cmpi ne, %convert_element_type3A_559, %cond3A_560 : i32
        scf.if %cond3A_561 {
          %dma_wait3A_578 = arith.constant 1 : i32
          %dma_wait3A_579 = arith.constant 0 : i32
          %dma_wait3A_580 = arith.constant 0 : i32
          %dma_wait3A_581 = tpu.memref_slice %arg6[%dma_wait3A_578, %dma_wait3A_579, %dma_wait3A_580] : memref<8x128x64xf32, #tpu.memory_space<vmem>> -> memref<1x128x64xf32, #tpu.memory_space<vmem>>
          %dma_wait3A_582 = tpu.memref_squeeze %dma_wait3A_581 : memref<1x128x64xf32, #tpu.memory_space<vmem>> -> memref<128x64xf32, #tpu.memory_space<vmem>>
          %dma_wait3A_583 = arith.constant 0 : i32
          %dma_wait3A_584 = tpu.memref_slice %arg4[%mul3A_2, %dma_wait3A_583] : memref<819200x64xf32, #tpu.memory_space<hbm>> -> memref<128x64xf32, #tpu.memory_space<hbm>>
          %dma_wait3A_585 = arith.constant 0 : i32
          %dma_wait3A_586 = tpu.memref_slice %arg4[%mul3A_2, %dma_wait3A_585] : memref<819200x64xf32, #tpu.memory_space<hbm>> -> memref<128x64xf32, #tpu.memory_space<hbm>>
          %dma_wait3A_587 = arith.constant 0 : i32
          %dma_wait3A_588 = arith.constant 0 : i32
          %dma_wait3A_589 = tpu.memref_slice %arg6[%dma_wait3A_578, %dma_wait3A_587, %dma_wait3A_588] : memref<8x128x64xf32, #tpu.memory_space<vmem>> -> memref<1x128x64xf32, #tpu.memory_space<vmem>>
          %dma_wait3A_590 = tpu.memref_squeeze %dma_wait3A_589 : memref<1x128x64xf32, #tpu.memory_space<vmem>> -> memref<128x64xf32, #tpu.memory_space<vmem>>
          tpu.wait_dma2 semaphore(%arg16 : memref<!tpu.dma_semaphore, #tpu.memory_space<semaphore_mem>>) src(%dma_wait3A_590 : memref<128x64xf32, #tpu.memory_space<vmem>>) dst(%dma_wait3A_586 : memref<128x64xf32, #tpu.memory_space<hbm>>)
        } else {
        }
        %mul3A_562 = arith.constant 128 : i32
        %mul3A_563 = arith.muli %sub3A_295, %mul3A_562 : i32
        %add3A_564 = arith.constant 0 : i32
        %add3A_565 = arith.addi %mul3A_563, %add3A_564 : i32
        %dma_start3A_566 = arith.constant 1 : i32
        %dma_start3A_567 = arith.constant 0 : i32
        %dma_start3A_568 = arith.constant 0 : i32
        %dma_start3A_569 = tpu.memref_slice %arg6[%dma_start3A_566, %dma_start3A_567, %dma_start3A_568] : memref<8x128x64xf32, #tpu.memory_space<vmem>> -> memref<1x128x64xf32, #tpu.memory_space<vmem>>
        %dma_start3A_570 = tpu.memref_squeeze %dma_start3A_569 : memref<1x128x64xf32, #tpu.memory_space<vmem>> -> memref<128x64xf32, #tpu.memory_space<vmem>>
        %dma_start3A_571 = arith.constant 0 : i32
        %dma_start3A_572 = arith.constant 0 : i32
        %dma_start3A_573 = tpu.memref_slice %dma_start3A_570[%dma_start3A_571, %dma_start3A_572] : memref<128x64xf32, #tpu.memory_space<vmem>> -> memref<128x64xf32, #tpu.memory_space<vmem>>
        %dma_start3A_574 = tpu.memref_slice %arg5[%add3A_565] : memref<25600xi32, #tpu.memory_space<vmem>> -> memref<128xi32, #tpu.memory_space<vmem>>
        %dma_start3A_575 = arith.constant 0 : i32
        %dma_start3A_576 = arith.constant 0 : i32
        %dma_start3A_577 = tpu.memref_slice %arg3[%dma_start3A_575, %dma_start3A_576] : memref<1000000x64xf32, #tpu.memory_space<hbm>> -> memref<1000000x64xf32, #tpu.memory_space<hbm>>
        tpu.enqueue_indirect_dma source(%dma_start3A_577 : memref<1000000x64xf32, #tpu.memory_space<hbm>>) target(%dma_start3A_573 : memref<128x64xf32, #tpu.memory_space<vmem>>) offsets(%dma_start3A_574 : memref<128xi32, #tpu.memory_space<vmem>>) semaphore(%arg8 : memref<!tpu.dma_semaphore, #tpu.memory_space<semaphore_mem>>)
      } else {
      }
      %dma_wait3A_301 = arith.constant 2 : i32
      %dma_wait3A_302 = arith.constant 0 : i32
      %dma_wait3A_303 = arith.constant 0 : i32
      %dma_wait3A_304 = tpu.memref_slice %arg6[%dma_wait3A_301, %dma_wait3A_302, %dma_wait3A_303] : memref<8x128x64xf32, #tpu.memory_space<vmem>> -> memref<1x128x64xf32, #tpu.memory_space<vmem>>
      %dma_wait3A_305 = tpu.memref_squeeze %dma_wait3A_304 : memref<1x128x64xf32, #tpu.memory_space<vmem>> -> memref<128x64xf32, #tpu.memory_space<vmem>>
      %dma_wait3A_306 = arith.constant 0 : i32
      %dma_wait3A_307 = arith.constant 0 : i32
      %dma_wait3A_308 = tpu.memref_slice %dma_wait3A_305[%dma_wait3A_306, %dma_wait3A_307] : memref<128x64xf32, #tpu.memory_space<vmem>> -> memref<128x64xf32, #tpu.memory_space<vmem>>
      %dma_wait3A_309 = arith.constant 0 : i32
      %dma_wait3A_310 = tpu.memref_slice %arg5[%dma_wait3A_309] : memref<25600xi32, #tpu.memory_space<vmem>> -> memref<128xi32, #tpu.memory_space<vmem>>
      %dma_wait3A_311 = arith.constant 0 : i32
      %dma_wait3A_312 = arith.constant 0 : i32
      %dma_wait3A_313 = tpu.memref_slice %arg3[%dma_wait3A_311, %dma_wait3A_312] : memref<1000000x64xf32, #tpu.memory_space<hbm>> -> memref<1000000x64xf32, #tpu.memory_space<hbm>>
      tpu.wait_indirect_dma semaphore(%arg9 : memref<!tpu.dma_semaphore, #tpu.memory_space<semaphore_mem>>) src(%dma_wait3A_313 : memref<1000000x64xf32, #tpu.memory_space<hbm>>) dst(%dma_wait3A_308 : memref<128x64xf32, #tpu.memory_space<vmem>>)
      %parallel_loop3A_314 = arith.constant 0 : i32
      %parallel_loop3A_315 = arith.constant 128 : i32
      %parallel_loop3A_316 = arith.constant 1 : i32
      scf.for %parallel_loop3A_558 = %parallel_loop3A_314 to %parallel_loop3A_315 step %parallel_loop3A_316  : i32 {
        %parallel_loop3A_559 = arith.constant 2 : i32
        %parallel_loop3A_560 = arith.index_cast %parallel_loop3A_559 : i32 to index
        %parallel_loop3A_561 = arith.index_cast %parallel_loop3A_558 : i32 to index
        %parallel_loop3A_562 = arith.constant 0 : index
        %parallel_loop3A_563 = tpu.vector_load %arg6[%parallel_loop3A_560, %parallel_loop3A_561, %parallel_loop3A_562] {strides = array<i32>} : memref<8x128x64xf32, #tpu.memory_space<vmem>>, vector<1x1x16xf32>,
        %parallel_loop3A_564 = vector.shape_cast %parallel_loop3A_563 : vector<1x1x16xf32> to vector<16xf32>
        %parallel_loop3A_565 = arith.constant 8.000000e+00 : f32
        %parallel_loop3A_566 = vector.broadcast %parallel_loop3A_565 : f32 to vector<16xf32>
        %parallel_loop3A_567 = arith.mulf %parallel_loop3A_564, %parallel_loop3A_566 : vector<16xf32>
        %parallel_loop3A_568 = arith.constant 2 : i32
        %parallel_loop3A_569 = arith.index_cast %parallel_loop3A_568 : i32 to index
        %parallel_loop3A_570 = arith.index_cast %parallel_loop3A_558 : i32 to index
        %parallel_loop3A_571 = arith.constant 0 : index
        %parallel_loop3A_572 = tpu.vector_load %arg6[%parallel_loop3A_569, %parallel_loop3A_570, %parallel_loop3A_571] {strides = array<i32>} : memref<8x128x64xf32, #tpu.memory_space<vmem>>, vector<1x1x16xf32>,
        %parallel_loop3A_573 = vector.shape_cast %parallel_loop3A_572 : vector<1x1x16xf32> to vector<16xf32>
        %parallel_loop3A_574 = vector.shape_cast %parallel_loop3A_567 : vector<16xf32> to vector<1x1x16xf32>
        tpu.vector_store %arg6[%parallel_loop3A_569, %parallel_loop3A_570, %parallel_loop3A_571], %parallel_loop3A_574 {strides = array<i32>} : memref<8x128x64xf32, #tpu.memory_space<vmem>>, vector<1x1x16xf32>,
        %parallel_loop3A_575 = arith.constant 2 : i32
        %parallel_loop3A_576 = arith.index_cast %parallel_loop3A_575 : i32 to index
        %parallel_loop3A_577 = arith.index_cast %parallel_loop3A_558 : i32 to index
        %parallel_loop3A_578 = arith.constant 16 : index
        %parallel_loop3A_579 = tpu.vector_load %arg6[%parallel_loop3A_576, %parallel_loop3A_577, %parallel_loop3A_578] {strides = array<i32>} : memref<8x128x64xf32, #tpu.memory_space<vmem>>, vector<1x1x16xf32>,
        %parallel_loop3A_580 = vector.shape_cast %parallel_loop3A_579 : vector<1x1x16xf32> to vector<16xf32>
        %parallel_loop3A_581 = arith.constant 8.000000e+00 : f32
        %parallel_loop3A_582 = vector.broadcast %parallel_loop3A_581 : f32 to vector<16xf32>
        %parallel_loop3A_583 = arith.mulf %parallel_loop3A_580, %parallel_loop3A_582 : vector<16xf32>
        %parallel_loop3A_584 = arith.constant 2 : i32
        %parallel_loop3A_585 = arith.index_cast %parallel_loop3A_584 : i32 to index
        %parallel_loop3A_586 = arith.index_cast %parallel_loop3A_558 : i32 to index
        %parallel_loop3A_587 = arith.constant 16 : index
        %parallel_loop3A_588 = tpu.vector_load %arg6[%parallel_loop3A_585, %parallel_loop3A_586, %parallel_loop3A_587] {strides = array<i32>} : memref<8x128x64xf32, #tpu.memory_space<vmem>>, vector<1x1x16xf32>,
        %parallel_loop3A_589 = vector.shape_cast %parallel_loop3A_588 : vector<1x1x16xf32> to vector<16xf32>
        %parallel_loop3A_590 = vector.shape_cast %parallel_loop3A_583 : vector<16xf32> to vector<1x1x16xf32>
        tpu.vector_store %arg6[%parallel_loop3A_585, %parallel_loop3A_586, %parallel_loop3A_587], %parallel_loop3A_590 {strides = array<i32>} : memref<8x128x64xf32, #tpu.memory_space<vmem>>, vector<1x1x16xf32>,
        %parallel_loop3A_591 = arith.constant 2 : i32
        %parallel_loop3A_592 = arith.index_cast %parallel_loop3A_591 : i32 to index
        %parallel_loop3A_593 = arith.index_cast %parallel_loop3A_558 : i32 to index
        %parallel_loop3A_594 = arith.constant 32 : index
        %parallel_loop3A_595 = tpu.vector_load %arg6[%parallel_loop3A_592, %parallel_loop3A_593, %parallel_loop3A_594] {strides = array<i32>} : memref<8x128x64xf32, #tpu.memory_space<vmem>>, vector<1x1x16xf32>,
        %parallel_loop3A_596 = vector.shape_cast %parallel_loop3A_595 : vector<1x1x16xf32> to vector<16xf32>
        %parallel_loop3A_597 = arith.constant 8.000000e+00 : f32
        %parallel_loop3A_598 = vector.broadcast %parallel_loop3A_597 : f32 to vector<16xf32>
        %parallel_loop3A_599 = arith.mulf %parallel_loop3A_596, %parallel_loop3A_598 : vector<16xf32>
        %parallel_loop3A_600 = arith.constant 2 : i32
        %parallel_loop3A_601 = arith.index_cast %parallel_loop3A_600 : i32 to index
        %parallel_loop3A_602 = arith.index_cast %parallel_loop3A_558 : i32 to index
        %parallel_loop3A_603 = arith.constant 32 : index
        %parallel_loop3A_604 = tpu.vector_load %arg6[%parallel_loop3A_601, %parallel_loop3A_602, %parallel_loop3A_603] {strides = array<i32>} : memref<8x128x64xf32, #tpu.memory_space<vmem>>, vector<1x1x16xf32>,
        %parallel_loop3A_605 = vector.shape_cast %parallel_loop3A_604 : vector<1x1x16xf32> to vector<16xf32>
        %parallel_loop3A_606 = vector.shape_cast %parallel_loop3A_599 : vector<16xf32> to vector<1x1x16xf32>
        tpu.vector_store %arg6[%parallel_loop3A_601, %parallel_loop3A_602, %parallel_loop3A_603], %parallel_loop3A_606 {strides = array<i32>} : memref<8x128x64xf32, #tpu.memory_space<vmem>>, vector<1x1x16xf32>,
        %parallel_loop3A_607 = arith.constant 2 : i32
        %parallel_loop3A_608 = arith.index_cast %parallel_loop3A_607 : i32 to index
        %parallel_loop3A_609 = arith.index_cast %parallel_loop3A_558 : i32 to index
        %parallel_loop3A_610 = arith.constant 48 : index
        %parallel_loop3A_611 = tpu.vector_load %arg6[%parallel_loop3A_608, %parallel_loop3A_609, %parallel_loop3A_610] {strides = array<i32>} : memref<8x128x64xf32, #tpu.memory_space<vmem>>, vector<1x1x16xf32>,
        %parallel_loop3A_612 = vector.shape_cast %parallel_loop3A_611 : vector<1x1x16xf32> to vector<16xf32>
        %parallel_loop3A_613 = arith.constant 8.000000e+00 : f32
        %parallel_loop3A_614 = vector.broadcast %parallel_loop3A_613 : f32 to vector<16xf32>
        %parallel_loop3A_615 = arith.mulf %parallel_loop3A_612, %parallel_loop3A_614 : vector<16xf32>
        %parallel_loop3A_616 = arith.constant 2 : i32
        %parallel_loop3A_617 = arith.index_cast %parallel_loop3A_616 : i32 to index
        %parallel_loop3A_618 = arith.index_cast %parallel_loop3A_558 : i32 to index
        %parallel_loop3A_619 = arith.constant 48 : index
        %parallel_loop3A_620 = tpu.vector_load %arg6[%parallel_loop3A_617, %parallel_loop3A_618, %parallel_loop3A_619] {strides = array<i32>} : memref<8x128x64xf32, #tpu.memory_space<vmem>>, vector<1x1x16xf32>,
        %parallel_loop3A_621 = vector.shape_cast %parallel_loop3A_620 : vector<1x1x16xf32> to vector<16xf32>
        %parallel_loop3A_622 = vector.shape_cast %parallel_loop3A_615 : vector<16xf32> to vector<1x1x16xf32>
        tpu.vector_store %arg6[%parallel_loop3A_617, %parallel_loop3A_618, %parallel_loop3A_619], %parallel_loop3A_622 {strides = array<i32>} : memref<8x128x64xf32, #tpu.memory_space<vmem>>, vector<1x1x16xf32>,
      } {sc.loop_unroll_factor = 8 : i64, sc.parallel_access}
      %mul3A_317 = arith.constant 128 : i32
      %mul3A_318 = arith.muli %add3A_291, %mul3A_317 : i32
      %add3A_319 = arith.addi %mul3A_2, %mul3A_318 : i32
      %dma_start3A_320 = arith.constant 2 : i32
      %dma_start3A_321 = arith.constant 0 : i32
      %dma_start3A_322 = arith.constant 0 : i32
      %dma_start3A_323 = tpu.memref_slice %arg6[%dma_start3A_320, %dma_start3A_321, %dma_start3A_322] : memref<8x128x64xf32, #tpu.memory_space<vmem>> -> memref<1x128x64xf32, #tpu.memory_space<vmem>>
      %dma_start3A_324 = tpu.memref_squeeze %dma_start3A_323 : memref<1x128x64xf32, #tpu.memory_space<vmem>> -> memref<128x64xf32, #tpu.memory_space<vmem>>
      %dma_start3A_325 = arith.constant 0 : i32
      %dma_start3A_326 = tpu.memref_slice %arg4[%add3A_319, %dma_start3A_325] : memref<819200x64xf32, #tpu.memory_space<hbm>> -> memref<128x64xf32, #tpu.memory_space<hbm>>
      %dma_start3A_327 = arith.constant 0 : i32
      %dma_start3A_328 = tpu.memref_slice %arg4[%add3A_319, %dma_start3A_327] : memref<819200x64xf32, #tpu.memory_space<hbm>> -> memref<128x64xf32, #tpu.memory_space<hbm>>
      %dma_start3A_329 = arith.constant 0 : i32
      %dma_start3A_330 = arith.constant 0 : i32
      %dma_start3A_331 = tpu.memref_slice %arg6[%dma_start3A_320, %dma_start3A_329, %dma_start3A_330] : memref<8x128x64xf32, #tpu.memory_space<vmem>> -> memref<1x128x64xf32, #tpu.memory_space<vmem>>
      %dma_start3A_332 = tpu.memref_squeeze %dma_start3A_331 : memref<1x128x64xf32, #tpu.memory_space<vmem>> -> memref<128x64xf32, #tpu.memory_space<vmem>>
      tpu.enqueue_dma source(%dma_start3A_332 : memref<128x64xf32, #tpu.memory_space<vmem>>) target(%dma_start3A_328 : memref<128x64xf32, #tpu.memory_space<hbm>>) target_semaphore(%arg17 : memref<!tpu.dma_semaphore, #tpu.memory_space<semaphore_mem>>)
      %mul3A_333 = arith.constant 8 : i32
      %mul3A_334 = arith.muli %scan3A_202, %mul3A_333 : i32
      %add3A_335 = arith.constant 3 : i32
      %add3A_336 = arith.addi %mul3A_334, %add3A_335 : i32
      %add3A_337 = arith.constant 8 : i32
      %add3A_338 = arith.addi %add3A_336, %add3A_337 : i32
      %sub3A_339 = arith.constant 1 : i32
      %sub3A_340 = arith.subi %add3A_338, %sub3A_339 : i32
      %lt3A_341 = arith.constant 200 : i32
      %lt3A_342 = arith.cmpi slt, %sub3A_340, %lt3A_341 : i32
      %convert_element_type3A_343 = arith.extui %lt3A_342 : i1 to i32
      %cond3A_344 = arith.constant 0 : i32
      %cond3A_345 = arith.cmpi ne, %convert_element_type3A_343, %cond3A_344 : i32
      scf.if %cond3A_345 {
        %ge3A = arith.constant 8 : i32
        %ge3A_558 = arith.cmpi sge, %sub3A_340, %ge3A : i32
        %convert_element_type3A_559 = arith.extui %ge3A_558 : i1 to i32
        %cond3A_560 = arith.constant 0 : i32
        %cond3A_561 = arith.cmpi ne, %convert_element_type3A_559, %cond3A_560 : i32
        scf.if %cond3A_561 {
          %dma_wait3A_578 = arith.constant 2 : i32
          %dma_wait3A_579 = arith.constant 0 : i32
          %dma_wait3A_580 = arith.constant 0 : i32
          %dma_wait3A_581 = tpu.memref_slice %arg6[%dma_wait3A_578, %dma_wait3A_579, %dma_wait3A_580] : memref<8x128x64xf32, #tpu.memory_space<vmem>> -> memref<1x128x64xf32, #tpu.memory_space<vmem>>
          %dma_wait3A_582 = tpu.memref_squeeze %dma_wait3A_581 : memref<1x128x64xf32, #tpu.memory_space<vmem>> -> memref<128x64xf32, #tpu.memory_space<vmem>>
          %dma_wait3A_583 = arith.constant 0 : i32
          %dma_wait3A_584 = tpu.memref_slice %arg4[%mul3A_2, %dma_wait3A_583] : memref<819200x64xf32, #tpu.memory_space<hbm>> -> memref<128x64xf32, #tpu.memory_space<hbm>>
          %dma_wait3A_585 = arith.constant 0 : i32
          %dma_wait3A_586 = tpu.memref_slice %arg4[%mul3A_2, %dma_wait3A_585] : memref<819200x64xf32, #tpu.memory_space<hbm>> -> memref<128x64xf32, #tpu.memory_space<hbm>>
          %dma_wait3A_587 = arith.constant 0 : i32
          %dma_wait3A_588 = arith.constant 0 : i32
          %dma_wait3A_589 = tpu.memref_slice %arg6[%dma_wait3A_578, %dma_wait3A_587, %dma_wait3A_588] : memref<8x128x64xf32, #tpu.memory_space<vmem>> -> memref<1x128x64xf32, #tpu.memory_space<vmem>>
          %dma_wait3A_590 = tpu.memref_squeeze %dma_wait3A_589 : memref<1x128x64xf32, #tpu.memory_space<vmem>> -> memref<128x64xf32, #tpu.memory_space<vmem>>
          tpu.wait_dma2 semaphore(%arg17 : memref<!tpu.dma_semaphore, #tpu.memory_space<semaphore_mem>>) src(%dma_wait3A_590 : memref<128x64xf32, #tpu.memory_space<vmem>>) dst(%dma_wait3A_586 : memref<128x64xf32, #tpu.memory_space<hbm>>)
        } else {
        }
        %mul3A_562 = arith.constant 128 : i32
        %mul3A_563 = arith.muli %sub3A_340, %mul3A_562 : i32
        %add3A_564 = arith.constant 0 : i32
        %add3A_565 = arith.addi %mul3A_563, %add3A_564 : i32
        %dma_start3A_566 = arith.constant 2 : i32
        %dma_start3A_567 = arith.constant 0 : i32
        %dma_start3A_568 = arith.constant 0 : i32
        %dma_start3A_569 = tpu.memref_slice %arg6[%dma_start3A_566, %dma_start3A_567, %dma_start3A_568] : memref<8x128x64xf32, #tpu.memory_space<vmem>> -> memref<1x128x64xf32, #tpu.memory_space<vmem>>
        %dma_start3A_570 = tpu.memref_squeeze %dma_start3A_569 : memref<1x128x64xf32, #tpu.memory_space<vmem>> -> memref<128x64xf32, #tpu.memory_space<vmem>>
        %dma_start3A_571 = arith.constant 0 : i32
        %dma_start3A_572 = arith.constant 0 : i32
        %dma_start3A_573 = tpu.memref_slice %dma_start3A_570[%dma_start3A_571, %dma_start3A_572] : memref<128x64xf32, #tpu.memory_space<vmem>> -> memref<128x64xf32, #tpu.memory_space<vmem>>
        %dma_start3A_574 = tpu.memref_slice %arg5[%add3A_565] : memref<25600xi32, #tpu.memory_space<vmem>> -> memref<128xi32, #tpu.memory_space<vmem>>
        %dma_start3A_575 = arith.constant 0 : i32
        %dma_start3A_576 = arith.constant 0 : i32
        %dma_start3A_577 = tpu.memref_slice %arg3[%dma_start3A_575, %dma_start3A_576] : memref<1000000x64xf32, #tpu.memory_space<hbm>> -> memref<1000000x64xf32, #tpu.memory_space<hbm>>
        tpu.enqueue_indirect_dma source(%dma_start3A_577 : memref<1000000x64xf32, #tpu.memory_space<hbm>>) target(%dma_start3A_573 : memref<128x64xf32, #tpu.memory_space<vmem>>) offsets(%dma_start3A_574 : memref<128xi32, #tpu.memory_space<vmem>>) semaphore(%arg9 : memref<!tpu.dma_semaphore, #tpu.memory_space<semaphore_mem>>)
      } else {
      }
      %dma_wait3A_346 = arith.constant 3 : i32
      %dma_wait3A_347 = arith.constant 0 : i32
      %dma_wait3A_348 = arith.constant 0 : i32
      %dma_wait3A_349 = tpu.memref_slice %arg6[%dma_wait3A_346, %dma_wait3A_347, %dma_wait3A_348] : memref<8x128x64xf32, #tpu.memory_space<vmem>> -> memref<1x128x64xf32, #tpu.memory_space<vmem>>
      %dma_wait3A_350 = tpu.memref_squeeze %dma_wait3A_349 : memref<1x128x64xf32, #tpu.memory_space<vmem>> -> memref<128x64xf32, #tpu.memory_space<vmem>>
      %dma_wait3A_351 = arith.constant 0 : i32
      %dma_wait3A_352 = arith.constant 0 : i32
      %dma_wait3A_353 = tpu.memref_slice %dma_wait3A_350[%dma_wait3A_351, %dma_wait3A_352] : memref<128x64xf32, #tpu.memory_space<vmem>> -> memref<128x64xf32, #tpu.memory_space<vmem>>
      %dma_wait3A_354 = arith.constant 0 : i32
      %dma_wait3A_355 = tpu.memref_slice %arg5[%dma_wait3A_354] : memref<25600xi32, #tpu.memory_space<vmem>> -> memref<128xi32, #tpu.memory_space<vmem>>
      %dma_wait3A_356 = arith.constant 0 : i32
      %dma_wait3A_357 = arith.constant 0 : i32
      %dma_wait3A_358 = tpu.memref_slice %arg3[%dma_wait3A_356, %dma_wait3A_357] : memref<1000000x64xf32, #tpu.memory_space<hbm>> -> memref<1000000x64xf32, #tpu.memory_space<hbm>>
      tpu.wait_indirect_dma semaphore(%arg10 : memref<!tpu.dma_semaphore, #tpu.memory_space<semaphore_mem>>) src(%dma_wait3A_358 : memref<1000000x64xf32, #tpu.memory_space<hbm>>) dst(%dma_wait3A_353 : memref<128x64xf32, #tpu.memory_space<vmem>>)
      %parallel_loop3A_359 = arith.constant 0 : i32
      %parallel_loop3A_360 = arith.constant 128 : i32
      %parallel_loop3A_361 = arith.constant 1 : i32
      scf.for %parallel_loop3A_558 = %parallel_loop3A_359 to %parallel_loop3A_360 step %parallel_loop3A_361  : i32 {
        %parallel_loop3A_559 = arith.constant 3 : i32
        %parallel_loop3A_560 = arith.index_cast %parallel_loop3A_559 : i32 to index
        %parallel_loop3A_561 = arith.index_cast %parallel_loop3A_558 : i32 to index
        %parallel_loop3A_562 = arith.constant 0 : index
        %parallel_loop3A_563 = tpu.vector_load %arg6[%parallel_loop3A_560, %parallel_loop3A_561, %parallel_loop3A_562] {strides = array<i32>} : memref<8x128x64xf32, #tpu.memory_space<vmem>>, vector<1x1x16xf32>,
        %parallel_loop3A_564 = vector.shape_cast %parallel_loop3A_563 : vector<1x1x16xf32> to vector<16xf32>
        %parallel_loop3A_565 = arith.constant 8.000000e+00 : f32
        %parallel_loop3A_566 = vector.broadcast %parallel_loop3A_565 : f32 to vector<16xf32>
        %parallel_loop3A_567 = arith.mulf %parallel_loop3A_564, %parallel_loop3A_566 : vector<16xf32>
        %parallel_loop3A_568 = arith.constant 3 : i32
        %parallel_loop3A_569 = arith.index_cast %parallel_loop3A_568 : i32 to index
        %parallel_loop3A_570 = arith.index_cast %parallel_loop3A_558 : i32 to index
        %parallel_loop3A_571 = arith.constant 0 : index
        %parallel_loop3A_572 = tpu.vector_load %arg6[%parallel_loop3A_569, %parallel_loop3A_570, %parallel_loop3A_571] {strides = array<i32>} : memref<8x128x64xf32, #tpu.memory_space<vmem>>, vector<1x1x16xf32>,
        %parallel_loop3A_573 = vector.shape_cast %parallel_loop3A_572 : vector<1x1x16xf32> to vector<16xf32>
        %parallel_loop3A_574 = vector.shape_cast %parallel_loop3A_567 : vector<16xf32> to vector<1x1x16xf32>
        tpu.vector_store %arg6[%parallel_loop3A_569, %parallel_loop3A_570, %parallel_loop3A_571], %parallel_loop3A_574 {strides = array<i32>} : memref<8x128x64xf32, #tpu.memory_space<vmem>>, vector<1x1x16xf32>,
        %parallel_loop3A_575 = arith.constant 3 : i32
        %parallel_loop3A_576 = arith.index_cast %parallel_loop3A_575 : i32 to index
        %parallel_loop3A_577 = arith.index_cast %parallel_loop3A_558 : i32 to index
        %parallel_loop3A_578 = arith.constant 16 : index
        %parallel_loop3A_579 = tpu.vector_load %arg6[%parallel_loop3A_576, %parallel_loop3A_577, %parallel_loop3A_578] {strides = array<i32>} : memref<8x128x64xf32, #tpu.memory_space<vmem>>, vector<1x1x16xf32>,
        %parallel_loop3A_580 = vector.shape_cast %parallel_loop3A_579 : vector<1x1x16xf32> to vector<16xf32>
        %parallel_loop3A_581 = arith.constant 8.000000e+00 : f32
        %parallel_loop3A_582 = vector.broadcast %parallel_loop3A_581 : f32 to vector<16xf32>
        %parallel_loop3A_583 = arith.mulf %parallel_loop3A_580, %parallel_loop3A_582 : vector<16xf32>
        %parallel_loop3A_584 = arith.constant 3 : i32
        %parallel_loop3A_585 = arith.index_cast %parallel_loop3A_584 : i32 to index
        %parallel_loop3A_586 = arith.index_cast %parallel_loop3A_558 : i32 to index
        %parallel_loop3A_587 = arith.constant 16 : index
        %parallel_loop3A_588 = tpu.vector_load %arg6[%parallel_loop3A_585, %parallel_loop3A_586, %parallel_loop3A_587] {strides = array<i32>} : memref<8x128x64xf32, #tpu.memory_space<vmem>>, vector<1x1x16xf32>,
        %parallel_loop3A_589 = vector.shape_cast %parallel_loop3A_588 : vector<1x1x16xf32> to vector<16xf32>
        %parallel_loop3A_590 = vector.shape_cast %parallel_loop3A_583 : vector<16xf32> to vector<1x1x16xf32>
        tpu.vector_store %arg6[%parallel_loop3A_585, %parallel_loop3A_586, %parallel_loop3A_587], %parallel_loop3A_590 {strides = array<i32>} : memref<8x128x64xf32, #tpu.memory_space<vmem>>, vector<1x1x16xf32>,
        %parallel_loop3A_591 = arith.constant 3 : i32
        %parallel_loop3A_592 = arith.index_cast %parallel_loop3A_591 : i32 to index
        %parallel_loop3A_593 = arith.index_cast %parallel_loop3A_558 : i32 to index
        %parallel_loop3A_594 = arith.constant 32 : index
        %parallel_loop3A_595 = tpu.vector_load %arg6[%parallel_loop3A_592, %parallel_loop3A_593, %parallel_loop3A_594] {strides = array<i32>} : memref<8x128x64xf32, #tpu.memory_space<vmem>>, vector<1x1x16xf32>,
        %parallel_loop3A_596 = vector.shape_cast %parallel_loop3A_595 : vector<1x1x16xf32> to vector<16xf32>
        %parallel_loop3A_597 = arith.constant 8.000000e+00 : f32
        %parallel_loop3A_598 = vector.broadcast %parallel_loop3A_597 : f32 to vector<16xf32>
        %parallel_loop3A_599 = arith.mulf %parallel_loop3A_596, %parallel_loop3A_598 : vector<16xf32>
        %parallel_loop3A_600 = arith.constant 3 : i32
        %parallel_loop3A_601 = arith.index_cast %parallel_loop3A_600 : i32 to index
        %parallel_loop3A_602 = arith.index_cast %parallel_loop3A_558 : i32 to index
        %parallel_loop3A_603 = arith.constant 32 : index
        %parallel_loop3A_604 = tpu.vector_load %arg6[%parallel_loop3A_601, %parallel_loop3A_602, %parallel_loop3A_603] {strides = array<i32>} : memref<8x128x64xf32, #tpu.memory_space<vmem>>, vector<1x1x16xf32>,
        %parallel_loop3A_605 = vector.shape_cast %parallel_loop3A_604 : vector<1x1x16xf32> to vector<16xf32>
        %parallel_loop3A_606 = vector.shape_cast %parallel_loop3A_599 : vector<16xf32> to vector<1x1x16xf32>
        tpu.vector_store %arg6[%parallel_loop3A_601, %parallel_loop3A_602, %parallel_loop3A_603], %parallel_loop3A_606 {strides = array<i32>} : memref<8x128x64xf32, #tpu.memory_space<vmem>>, vector<1x1x16xf32>,
        %parallel_loop3A_607 = arith.constant 3 : i32
        %parallel_loop3A_608 = arith.index_cast %parallel_loop3A_607 : i32 to index
        %parallel_loop3A_609 = arith.index_cast %parallel_loop3A_558 : i32 to index
        %parallel_loop3A_610 = arith.constant 48 : index
        %parallel_loop3A_611 = tpu.vector_load %arg6[%parallel_loop3A_608, %parallel_loop3A_609, %parallel_loop3A_610] {strides = array<i32>} : memref<8x128x64xf32, #tpu.memory_space<vmem>>, vector<1x1x16xf32>,
        %parallel_loop3A_612 = vector.shape_cast %parallel_loop3A_611 : vector<1x1x16xf32> to vector<16xf32>
        %parallel_loop3A_613 = arith.constant 8.000000e+00 : f32
        %parallel_loop3A_614 = vector.broadcast %parallel_loop3A_613 : f32 to vector<16xf32>
        %parallel_loop3A_615 = arith.mulf %parallel_loop3A_612, %parallel_loop3A_614 : vector<16xf32>
        %parallel_loop3A_616 = arith.constant 3 : i32
        %parallel_loop3A_617 = arith.index_cast %parallel_loop3A_616 : i32 to index
        %parallel_loop3A_618 = arith.index_cast %parallel_loop3A_558 : i32 to index
        %parallel_loop3A_619 = arith.constant 48 : index
        %parallel_loop3A_620 = tpu.vector_load %arg6[%parallel_loop3A_617, %parallel_loop3A_618, %parallel_loop3A_619] {strides = array<i32>} : memref<8x128x64xf32, #tpu.memory_space<vmem>>, vector<1x1x16xf32>,
        %parallel_loop3A_621 = vector.shape_cast %parallel_loop3A_620 : vector<1x1x16xf32> to vector<16xf32>
        %parallel_loop3A_622 = vector.shape_cast %parallel_loop3A_615 : vector<16xf32> to vector<1x1x16xf32>
        tpu.vector_store %arg6[%parallel_loop3A_617, %parallel_loop3A_618, %parallel_loop3A_619], %parallel_loop3A_622 {strides = array<i32>} : memref<8x128x64xf32, #tpu.memory_space<vmem>>, vector<1x1x16xf32>,
      } {sc.loop_unroll_factor = 8 : i64, sc.parallel_access}
      %mul3A_362 = arith.constant 128 : i32
      %mul3A_363 = arith.muli %add3A_336, %mul3A_362 : i32
      %add3A_364 = arith.addi %mul3A_2, %mul3A_363 : i32
      %dma_start3A_365 = arith.constant 3 : i32
      %dma_start3A_366 = arith.constant 0 : i32
      %dma_start3A_367 = arith.constant 0 : i32
      %dma_start3A_368 = tpu.memref_slice %arg6[%dma_start3A_365, %dma_start3A_366, %dma_start3A_367] : memref<8x128x64xf32, #tpu.memory_space<vmem>> -> memref<1x128x64xf32, #tpu.memory_space<vmem>>
      %dma_start3A_369 = tpu.memref_squeeze %dma_start3A_368 : memref<1x128x64xf32, #tpu.memory_space<vmem>> -> memref<128x64xf32, #tpu.memory_space<vmem>>
      %dma_start3A_370 = arith.constant 0 : i32
      %dma_start3A_371 = tpu.memref_slice %arg4[%add3A_364, %dma_start3A_370] : memref<819200x64xf32, #tpu.memory_space<hbm>> -> memref<128x64xf32, #tpu.memory_space<hbm>>
      %dma_start3A_372 = arith.constant 0 : i32
      %dma_start3A_373 = tpu.memref_slice %arg4[%add3A_364, %dma_start3A_372] : memref<819200x64xf32, #tpu.memory_space<hbm>> -> memref<128x64xf32, #tpu.memory_space<hbm>>
      %dma_start3A_374 = arith.constant 0 : i32
      %dma_start3A_375 = arith.constant 0 : i32
      %dma_start3A_376 = tpu.memref_slice %arg6[%dma_start3A_365, %dma_start3A_374, %dma_start3A_375] : memref<8x128x64xf32, #tpu.memory_space<vmem>> -> memref<1x128x64xf32, #tpu.memory_space<vmem>>
      %dma_start3A_377 = tpu.memref_squeeze %dma_start3A_376 : memref<1x128x64xf32, #tpu.memory_space<vmem>> -> memref<128x64xf32, #tpu.memory_space<vmem>>
      tpu.enqueue_dma source(%dma_start3A_377 : memref<128x64xf32, #tpu.memory_space<vmem>>) target(%dma_start3A_373 : memref<128x64xf32, #tpu.memory_space<hbm>>) target_semaphore(%arg18 : memref<!tpu.dma_semaphore, #tpu.memory_space<semaphore_mem>>)
      %mul3A_378 = arith.constant 8 : i32
      %mul3A_379 = arith.muli %scan3A_202, %mul3A_378 : i32
      %add3A_380 = arith.constant 4 : i32
      %add3A_381 = arith.addi %mul3A_379, %add3A_380 : i32
      %add3A_382 = arith.constant 8 : i32
      %add3A_383 = arith.addi %add3A_381, %add3A_382 : i32
      %sub3A_384 = arith.constant 1 : i32
      %sub3A_385 = arith.subi %add3A_383, %sub3A_384 : i32
      %lt3A_386 = arith.constant 200 : i32
      %lt3A_387 = arith.cmpi slt, %sub3A_385, %lt3A_386 : i32
      %convert_element_type3A_388 = arith.extui %lt3A_387 : i1 to i32
      %cond3A_389 = arith.constant 0 : i32
      %cond3A_390 = arith.cmpi ne, %convert_element_type3A_388, %cond3A_389 : i32
      scf.if %cond3A_390 {
        %ge3A = arith.constant 8 : i32
        %ge3A_558 = arith.cmpi sge, %sub3A_385, %ge3A : i32
        %convert_element_type3A_559 = arith.extui %ge3A_558 : i1 to i32
        %cond3A_560 = arith.constant 0 : i32
        %cond3A_561 = arith.cmpi ne, %convert_element_type3A_559, %cond3A_560 : i32
        scf.if %cond3A_561 {
          %dma_wait3A_578 = arith.constant 3 : i32
          %dma_wait3A_579 = arith.constant 0 : i32
          %dma_wait3A_580 = arith.constant 0 : i32
          %dma_wait3A_581 = tpu.memref_slice %arg6[%dma_wait3A_578, %dma_wait3A_579, %dma_wait3A_580] : memref<8x128x64xf32, #tpu.memory_space<vmem>> -> memref<1x128x64xf32, #tpu.memory_space<vmem>>
          %dma_wait3A_582 = tpu.memref_squeeze %dma_wait3A_581 : memref<1x128x64xf32, #tpu.memory_space<vmem>> -> memref<128x64xf32, #tpu.memory_space<vmem>>
          %dma_wait3A_583 = arith.constant 0 : i32
          %dma_wait3A_584 = tpu.memref_slice %arg4[%mul3A_2, %dma_wait3A_583] : memref<819200x64xf32, #tpu.memory_space<hbm>> -> memref<128x64xf32, #tpu.memory_space<hbm>>
          %dma_wait3A_585 = arith.constant 0 : i32
          %dma_wait3A_586 = tpu.memref_slice %arg4[%mul3A_2, %dma_wait3A_585] : memref<819200x64xf32, #tpu.memory_space<hbm>> -> memref<128x64xf32, #tpu.memory_space<hbm>>
          %dma_wait3A_587 = arith.constant 0 : i32
          %dma_wait3A_588 = arith.constant 0 : i32
          %dma_wait3A_589 = tpu.memref_slice %arg6[%dma_wait3A_578, %dma_wait3A_587, %dma_wait3A_588] : memref<8x128x64xf32, #tpu.memory_space<vmem>> -> memref<1x128x64xf32, #tpu.memory_space<vmem>>
          %dma_wait3A_590 = tpu.memref_squeeze %dma_wait3A_589 : memref<1x128x64xf32, #tpu.memory_space<vmem>> -> memref<128x64xf32, #tpu.memory_space<vmem>>
          tpu.wait_dma2 semaphore(%arg18 : memref<!tpu.dma_semaphore, #tpu.memory_space<semaphore_mem>>) src(%dma_wait3A_590 : memref<128x64xf32, #tpu.memory_space<vmem>>) dst(%dma_wait3A_586 : memref<128x64xf32, #tpu.memory_space<hbm>>)
        } else {
        }
        %mul3A_562 = arith.constant 128 : i32
        %mul3A_563 = arith.muli %sub3A_385, %mul3A_562 : i32
        %add3A_564 = arith.constant 0 : i32
        %add3A_565 = arith.addi %mul3A_563, %add3A_564 : i32
        %dma_start3A_566 = arith.constant 3 : i32
        %dma_start3A_567 = arith.constant 0 : i32
        %dma_start3A_568 = arith.constant 0 : i32
        %dma_start3A_569 = tpu.memref_slice %arg6[%dma_start3A_566, %dma_start3A_567, %dma_start3A_568] : memref<8x128x64xf32, #tpu.memory_space<vmem>> -> memref<1x128x64xf32, #tpu.memory_space<vmem>>
        %dma_start3A_570 = tpu.memref_squeeze %dma_start3A_569 : memref<1x128x64xf32, #tpu.memory_space<vmem>> -> memref<128x64xf32, #tpu.memory_space<vmem>>
        %dma_start3A_571 = arith.constant 0 : i32
        %dma_start3A_572 = arith.constant 0 : i32
        %dma_start3A_573 = tpu.memref_slice %dma_start3A_570[%dma_start3A_571, %dma_start3A_572] : memref<128x64xf32, #tpu.memory_space<vmem>> -> memref<128x64xf32, #tpu.memory_space<vmem>>
        %dma_start3A_574 = tpu.memref_slice %arg5[%add3A_565] : memref<25600xi32, #tpu.memory_space<vmem>> -> memref<128xi32, #tpu.memory_space<vmem>>
        %dma_start3A_575 = arith.constant 0 : i32
        %dma_start3A_576 = arith.constant 0 : i32
        %dma_start3A_577 = tpu.memref_slice %arg3[%dma_start3A_575, %dma_start3A_576] : memref<1000000x64xf32, #tpu.memory_space<hbm>> -> memref<1000000x64xf32, #tpu.memory_space<hbm>>
        tpu.enqueue_indirect_dma source(%dma_start3A_577 : memref<1000000x64xf32, #tpu.memory_space<hbm>>) target(%dma_start3A_573 : memref<128x64xf32, #tpu.memory_space<vmem>>) offsets(%dma_start3A_574 : memref<128xi32, #tpu.memory_space<vmem>>) semaphore(%arg10 : memref<!tpu.dma_semaphore, #tpu.memory_space<semaphore_mem>>)
      } else {
      }
      %dma_wait3A_391 = arith.constant 4 : i32
      %dma_wait3A_392 = arith.constant 0 : i32
      %dma_wait3A_393 = arith.constant 0 : i32
      %dma_wait3A_394 = tpu.memref_slice %arg6[%dma_wait3A_391, %dma_wait3A_392, %dma_wait3A_393] : memref<8x128x64xf32, #tpu.memory_space<vmem>> -> memref<1x128x64xf32, #tpu.memory_space<vmem>>
      %dma_wait3A_395 = tpu.memref_squeeze %dma_wait3A_394 : memref<1x128x64xf32, #tpu.memory_space<vmem>> -> memref<128x64xf32, #tpu.memory_space<vmem>>
      %dma_wait3A_396 = arith.constant 0 : i32
      %dma_wait3A_397 = arith.constant 0 : i32
      %dma_wait3A_398 = tpu.memref_slice %dma_wait3A_395[%dma_wait3A_396, %dma_wait3A_397] : memref<128x64xf32, #tpu.memory_space<vmem>> -> memref<128x64xf32, #tpu.memory_space<vmem>>
      %dma_wait3A_399 = arith.constant 0 : i32
      %dma_wait3A_400 = tpu.memref_slice %arg5[%dma_wait3A_399] : memref<25600xi32, #tpu.memory_space<vmem>> -> memref<128xi32, #tpu.memory_space<vmem>>
      %dma_wait3A_401 = arith.constant 0 : i32
      %dma_wait3A_402 = arith.constant 0 : i32
      %dma_wait3A_403 = tpu.memref_slice %arg3[%dma_wait3A_401, %dma_wait3A_402] : memref<1000000x64xf32, #tpu.memory_space<hbm>> -> memref<1000000x64xf32, #tpu.memory_space<hbm>>
      tpu.wait_indirect_dma semaphore(%arg11 : memref<!tpu.dma_semaphore, #tpu.memory_space<semaphore_mem>>) src(%dma_wait3A_403 : memref<1000000x64xf32, #tpu.memory_space<hbm>>) dst(%dma_wait3A_398 : memref<128x64xf32, #tpu.memory_space<vmem>>)
      %parallel_loop3A_404 = arith.constant 0 : i32
      %parallel_loop3A_405 = arith.constant 128 : i32
      %parallel_loop3A_406 = arith.constant 1 : i32
      scf.for %parallel_loop3A_558 = %parallel_loop3A_404 to %parallel_loop3A_405 step %parallel_loop3A_406  : i32 {
        %parallel_loop3A_559 = arith.constant 4 : i32
        %parallel_loop3A_560 = arith.index_cast %parallel_loop3A_559 : i32 to index
        %parallel_loop3A_561 = arith.index_cast %parallel_loop3A_558 : i32 to index
        %parallel_loop3A_562 = arith.constant 0 : index
        %parallel_loop3A_563 = tpu.vector_load %arg6[%parallel_loop3A_560, %parallel_loop3A_561, %parallel_loop3A_562] {strides = array<i32>} : memref<8x128x64xf32, #tpu.memory_space<vmem>>, vector<1x1x16xf32>,
        %parallel_loop3A_564 = vector.shape_cast %parallel_loop3A_563 : vector<1x1x16xf32> to vector<16xf32>
        %parallel_loop3A_565 = arith.constant 8.000000e+00 : f32
        %parallel_loop3A_566 = vector.broadcast %parallel_loop3A_565 : f32 to vector<16xf32>
        %parallel_loop3A_567 = arith.mulf %parallel_loop3A_564, %parallel_loop3A_566 : vector<16xf32>
        %parallel_loop3A_568 = arith.constant 4 : i32
        %parallel_loop3A_569 = arith.index_cast %parallel_loop3A_568 : i32 to index
        %parallel_loop3A_570 = arith.index_cast %parallel_loop3A_558 : i32 to index
        %parallel_loop3A_571 = arith.constant 0 : index
        %parallel_loop3A_572 = tpu.vector_load %arg6[%parallel_loop3A_569, %parallel_loop3A_570, %parallel_loop3A_571] {strides = array<i32>} : memref<8x128x64xf32, #tpu.memory_space<vmem>>, vector<1x1x16xf32>,
        %parallel_loop3A_573 = vector.shape_cast %parallel_loop3A_572 : vector<1x1x16xf32> to vector<16xf32>
        %parallel_loop3A_574 = vector.shape_cast %parallel_loop3A_567 : vector<16xf32> to vector<1x1x16xf32>
        tpu.vector_store %arg6[%parallel_loop3A_569, %parallel_loop3A_570, %parallel_loop3A_571], %parallel_loop3A_574 {strides = array<i32>} : memref<8x128x64xf32, #tpu.memory_space<vmem>>, vector<1x1x16xf32>,
        %parallel_loop3A_575 = arith.constant 4 : i32
        %parallel_loop3A_576 = arith.index_cast %parallel_loop3A_575 : i32 to index
        %parallel_loop3A_577 = arith.index_cast %parallel_loop3A_558 : i32 to index
        %parallel_loop3A_578 = arith.constant 16 : index
        %parallel_loop3A_579 = tpu.vector_load %arg6[%parallel_loop3A_576, %parallel_loop3A_577, %parallel_loop3A_578] {strides = array<i32>} : memref<8x128x64xf32, #tpu.memory_space<vmem>>, vector<1x1x16xf32>,
        %parallel_loop3A_580 = vector.shape_cast %parallel_loop3A_579 : vector<1x1x16xf32> to vector<16xf32>
        %parallel_loop3A_581 = arith.constant 8.000000e+00 : f32
        %parallel_loop3A_582 = vector.broadcast %parallel_loop3A_581 : f32 to vector<16xf32>
        %parallel_loop3A_583 = arith.mulf %parallel_loop3A_580, %parallel_loop3A_582 : vector<16xf32>
        %parallel_loop3A_584 = arith.constant 4 : i32
        %parallel_loop3A_585 = arith.index_cast %parallel_loop3A_584 : i32 to index
        %parallel_loop3A_586 = arith.index_cast %parallel_loop3A_558 : i32 to index
        %parallel_loop3A_587 = arith.constant 16 : index
        %parallel_loop3A_588 = tpu.vector_load %arg6[%parallel_loop3A_585, %parallel_loop3A_586, %parallel_loop3A_587] {strides = array<i32>} : memref<8x128x64xf32, #tpu.memory_space<vmem>>, vector<1x1x16xf32>,
        %parallel_loop3A_589 = vector.shape_cast %parallel_loop3A_588 : vector<1x1x16xf32> to vector<16xf32>
        %parallel_loop3A_590 = vector.shape_cast %parallel_loop3A_583 : vector<16xf32> to vector<1x1x16xf32>
        tpu.vector_store %arg6[%parallel_loop3A_585, %parallel_loop3A_586, %parallel_loop3A_587], %parallel_loop3A_590 {strides = array<i32>} : memref<8x128x64xf32, #tpu.memory_space<vmem>>, vector<1x1x16xf32>,
        %parallel_loop3A_591 = arith.constant 4 : i32
        %parallel_loop3A_592 = arith.index_cast %parallel_loop3A_591 : i32 to index
        %parallel_loop3A_593 = arith.index_cast %parallel_loop3A_558 : i32 to index
        %parallel_loop3A_594 = arith.constant 32 : index
        %parallel_loop3A_595 = tpu.vector_load %arg6[%parallel_loop3A_592, %parallel_loop3A_593, %parallel_loop3A_594] {strides = array<i32>} : memref<8x128x64xf32, #tpu.memory_space<vmem>>, vector<1x1x16xf32>,
        %parallel_loop3A_596 = vector.shape_cast %parallel_loop3A_595 : vector<1x1x16xf32> to vector<16xf32>
        %parallel_loop3A_597 = arith.constant 8.000000e+00 : f32
        %parallel_loop3A_598 = vector.broadcast %parallel_loop3A_597 : f32 to vector<16xf32>
        %parallel_loop3A_599 = arith.mulf %parallel_loop3A_596, %parallel_loop3A_598 : vector<16xf32>
        %parallel_loop3A_600 = arith.constant 4 : i32
        %parallel_loop3A_601 = arith.index_cast %parallel_loop3A_600 : i32 to index
        %parallel_loop3A_602 = arith.index_cast %parallel_loop3A_558 : i32 to index
        %parallel_loop3A_603 = arith.constant 32 : index
        %parallel_loop3A_604 = tpu.vector_load %arg6[%parallel_loop3A_601, %parallel_loop3A_602, %parallel_loop3A_603] {strides = array<i32>} : memref<8x128x64xf32, #tpu.memory_space<vmem>>, vector<1x1x16xf32>,
        %parallel_loop3A_605 = vector.shape_cast %parallel_loop3A_604 : vector<1x1x16xf32> to vector<16xf32>
        %parallel_loop3A_606 = vector.shape_cast %parallel_loop3A_599 : vector<16xf32> to vector<1x1x16xf32>
        tpu.vector_store %arg6[%parallel_loop3A_601, %parallel_loop3A_602, %parallel_loop3A_603], %parallel_loop3A_606 {strides = array<i32>} : memref<8x128x64xf32, #tpu.memory_space<vmem>>, vector<1x1x16xf32>,
        %parallel_loop3A_607 = arith.constant 4 : i32
        %parallel_loop3A_608 = arith.index_cast %parallel_loop3A_607 : i32 to index
        %parallel_loop3A_609 = arith.index_cast %parallel_loop3A_558 : i32 to index
        %parallel_loop3A_610 = arith.constant 48 : index
        %parallel_loop3A_611 = tpu.vector_load %arg6[%parallel_loop3A_608, %parallel_loop3A_609, %parallel_loop3A_610] {strides = array<i32>} : memref<8x128x64xf32, #tpu.memory_space<vmem>>, vector<1x1x16xf32>,
        %parallel_loop3A_612 = vector.shape_cast %parallel_loop3A_611 : vector<1x1x16xf32> to vector<16xf32>
        %parallel_loop3A_613 = arith.constant 8.000000e+00 : f32
        %parallel_loop3A_614 = vector.broadcast %parallel_loop3A_613 : f32 to vector<16xf32>
        %parallel_loop3A_615 = arith.mulf %parallel_loop3A_612, %parallel_loop3A_614 : vector<16xf32>
        %parallel_loop3A_616 = arith.constant 4 : i32
        %parallel_loop3A_617 = arith.index_cast %parallel_loop3A_616 : i32 to index
        %parallel_loop3A_618 = arith.index_cast %parallel_loop3A_558 : i32 to index
        %parallel_loop3A_619 = arith.constant 48 : index
        %parallel_loop3A_620 = tpu.vector_load %arg6[%parallel_loop3A_617, %parallel_loop3A_618, %parallel_loop3A_619] {strides = array<i32>} : memref<8x128x64xf32, #tpu.memory_space<vmem>>, vector<1x1x16xf32>,
        %parallel_loop3A_621 = vector.shape_cast %parallel_loop3A_620 : vector<1x1x16xf32> to vector<16xf32>
        %parallel_loop3A_622 = vector.shape_cast %parallel_loop3A_615 : vector<16xf32> to vector<1x1x16xf32>
        tpu.vector_store %arg6[%parallel_loop3A_617, %parallel_loop3A_618, %parallel_loop3A_619], %parallel_loop3A_622 {strides = array<i32>} : memref<8x128x64xf32, #tpu.memory_space<vmem>>, vector<1x1x16xf32>,
      } {sc.loop_unroll_factor = 8 : i64, sc.parallel_access}
      %mul3A_407 = arith.constant 128 : i32
      %mul3A_408 = arith.muli %add3A_381, %mul3A_407 : i32
      %add3A_409 = arith.addi %mul3A_2, %mul3A_408 : i32
      %dma_start3A_410 = arith.constant 4 : i32
      %dma_start3A_411 = arith.constant 0 : i32
      %dma_start3A_412 = arith.constant 0 : i32
      %dma_start3A_413 = tpu.memref_slice %arg6[%dma_start3A_410, %dma_start3A_411, %dma_start3A_412] : memref<8x128x64xf32, #tpu.memory_space<vmem>> -> memref<1x128x64xf32, #tpu.memory_space<vmem>>
      %dma_start3A_414 = tpu.memref_squeeze %dma_start3A_413 : memref<1x128x64xf32, #tpu.memory_space<vmem>> -> memref<128x64xf32, #tpu.memory_space<vmem>>
      %dma_start3A_415 = arith.constant 0 : i32
      %dma_start3A_416 = tpu.memref_slice %arg4[%add3A_409, %dma_start3A_415] : memref<819200x64xf32, #tpu.memory_space<hbm>> -> memref<128x64xf32, #tpu.memory_space<hbm>>
      %dma_start3A_417 = arith.constant 0 : i32
      %dma_start3A_418 = tpu.memref_slice %arg4[%add3A_409, %dma_start3A_417] : memref<819200x64xf32, #tpu.memory_space<hbm>> -> memref<128x64xf32, #tpu.memory_space<hbm>>
      %dma_start3A_419 = arith.constant 0 : i32
      %dma_start3A_420 = arith.constant 0 : i32
      %dma_start3A_421 = tpu.memref_slice %arg6[%dma_start3A_410, %dma_start3A_419, %dma_start3A_420] : memref<8x128x64xf32, #tpu.memory_space<vmem>> -> memref<1x128x64xf32, #tpu.memory_space<vmem>>
      %dma_start3A_422 = tpu.memref_squeeze %dma_start3A_421 : memref<1x128x64xf32, #tpu.memory_space<vmem>> -> memref<128x64xf32, #tpu.memory_space<vmem>>
      tpu.enqueue_dma source(%dma_start3A_422 : memref<128x64xf32, #tpu.memory_space<vmem>>) target(%dma_start3A_418 : memref<128x64xf32, #tpu.memory_space<hbm>>) target_semaphore(%arg19 : memref<!tpu.dma_semaphore, #tpu.memory_space<semaphore_mem>>)
      %mul3A_423 = arith.constant 8 : i32
      %mul3A_424 = arith.muli %scan3A_202, %mul3A_423 : i32
      %add3A_425 = arith.constant 5 : i32
      %add3A_426 = arith.addi %mul3A_424, %add3A_425 : i32
      %add3A_427 = arith.constant 8 : i32
      %add3A_428 = arith.addi %add3A_426, %add3A_427 : i32
      %sub3A_429 = arith.constant 1 : i32
      %sub3A_430 = arith.subi %add3A_428, %sub3A_429 : i32
      %lt3A_431 = arith.constant 200 : i32
      %lt3A_432 = arith.cmpi slt, %sub3A_430, %lt3A_431 : i32
      %convert_element_type3A_433 = arith.extui %lt3A_432 : i1 to i32
      %cond3A_434 = arith.constant 0 : i32
      %cond3A_435 = arith.cmpi ne, %convert_element_type3A_433, %cond3A_434 : i32
      scf.if %cond3A_435 {
        %ge3A = arith.constant 8 : i32
        %ge3A_558 = arith.cmpi sge, %sub3A_430, %ge3A : i32
        %convert_element_type3A_559 = arith.extui %ge3A_558 : i1 to i32
        %cond3A_560 = arith.constant 0 : i32
        %cond3A_561 = arith.cmpi ne, %convert_element_type3A_559, %cond3A_560 : i32
        scf.if %cond3A_561 {
          %dma_wait3A_578 = arith.constant 4 : i32
          %dma_wait3A_579 = arith.constant 0 : i32
          %dma_wait3A_580 = arith.constant 0 : i32
          %dma_wait3A_581 = tpu.memref_slice %arg6[%dma_wait3A_578, %dma_wait3A_579, %dma_wait3A_580] : memref<8x128x64xf32, #tpu.memory_space<vmem>> -> memref<1x128x64xf32, #tpu.memory_space<vmem>>
          %dma_wait3A_582 = tpu.memref_squeeze %dma_wait3A_581 : memref<1x128x64xf32, #tpu.memory_space<vmem>> -> memref<128x64xf32, #tpu.memory_space<vmem>>
          %dma_wait3A_583 = arith.constant 0 : i32
          %dma_wait3A_584 = tpu.memref_slice %arg4[%mul3A_2, %dma_wait3A_583] : memref<819200x64xf32, #tpu.memory_space<hbm>> -> memref<128x64xf32, #tpu.memory_space<hbm>>
          %dma_wait3A_585 = arith.constant 0 : i32
          %dma_wait3A_586 = tpu.memref_slice %arg4[%mul3A_2, %dma_wait3A_585] : memref<819200x64xf32, #tpu.memory_space<hbm>> -> memref<128x64xf32, #tpu.memory_space<hbm>>
          %dma_wait3A_587 = arith.constant 0 : i32
          %dma_wait3A_588 = arith.constant 0 : i32
          %dma_wait3A_589 = tpu.memref_slice %arg6[%dma_wait3A_578, %dma_wait3A_587, %dma_wait3A_588] : memref<8x128x64xf32, #tpu.memory_space<vmem>> -> memref<1x128x64xf32, #tpu.memory_space<vmem>>
          %dma_wait3A_590 = tpu.memref_squeeze %dma_wait3A_589 : memref<1x128x64xf32, #tpu.memory_space<vmem>> -> memref<128x64xf32, #tpu.memory_space<vmem>>
          tpu.wait_dma2 semaphore(%arg19 : memref<!tpu.dma_semaphore, #tpu.memory_space<semaphore_mem>>) src(%dma_wait3A_590 : memref<128x64xf32, #tpu.memory_space<vmem>>) dst(%dma_wait3A_586 : memref<128x64xf32, #tpu.memory_space<hbm>>)
        } else {
        }
        %mul3A_562 = arith.constant 128 : i32
        %mul3A_563 = arith.muli %sub3A_430, %mul3A_562 : i32
        %add3A_564 = arith.constant 0 : i32
        %add3A_565 = arith.addi %mul3A_563, %add3A_564 : i32
        %dma_start3A_566 = arith.constant 4 : i32
        %dma_start3A_567 = arith.constant 0 : i32
        %dma_start3A_568 = arith.constant 0 : i32
        %dma_start3A_569 = tpu.memref_slice %arg6[%dma_start3A_566, %dma_start3A_567, %dma_start3A_568] : memref<8x128x64xf32, #tpu.memory_space<vmem>> -> memref<1x128x64xf32, #tpu.memory_space<vmem>>
        %dma_start3A_570 = tpu.memref_squeeze %dma_start3A_569 : memref<1x128x64xf32, #tpu.memory_space<vmem>> -> memref<128x64xf32, #tpu.memory_space<vmem>>
        %dma_start3A_571 = arith.constant 0 : i32
        %dma_start3A_572 = arith.constant 0 : i32
        %dma_start3A_573 = tpu.memref_slice %dma_start3A_570[%dma_start3A_571, %dma_start3A_572] : memref<128x64xf32, #tpu.memory_space<vmem>> -> memref<128x64xf32, #tpu.memory_space<vmem>>
        %dma_start3A_574 = tpu.memref_slice %arg5[%add3A_565] : memref<25600xi32, #tpu.memory_space<vmem>> -> memref<128xi32, #tpu.memory_space<vmem>>
        %dma_start3A_575 = arith.constant 0 : i32
        %dma_start3A_576 = arith.constant 0 : i32
        %dma_start3A_577 = tpu.memref_slice %arg3[%dma_start3A_575, %dma_start3A_576] : memref<1000000x64xf32, #tpu.memory_space<hbm>> -> memref<1000000x64xf32, #tpu.memory_space<hbm>>
        tpu.enqueue_indirect_dma source(%dma_start3A_577 : memref<1000000x64xf32, #tpu.memory_space<hbm>>) target(%dma_start3A_573 : memref<128x64xf32, #tpu.memory_space<vmem>>) offsets(%dma_start3A_574 : memref<128xi32, #tpu.memory_space<vmem>>) semaphore(%arg11 : memref<!tpu.dma_semaphore, #tpu.memory_space<semaphore_mem>>)
      } else {
      }
      %dma_wait3A_436 = arith.constant 5 : i32
      %dma_wait3A_437 = arith.constant 0 : i32
      %dma_wait3A_438 = arith.constant 0 : i32
      %dma_wait3A_439 = tpu.memref_slice %arg6[%dma_wait3A_436, %dma_wait3A_437, %dma_wait3A_438] : memref<8x128x64xf32, #tpu.memory_space<vmem>> -> memref<1x128x64xf32, #tpu.memory_space<vmem>>
      %dma_wait3A_440 = tpu.memref_squeeze %dma_wait3A_439 : memref<1x128x64xf32, #tpu.memory_space<vmem>> -> memref<128x64xf32, #tpu.memory_space<vmem>>
      %dma_wait3A_441 = arith.constant 0 : i32
      %dma_wait3A_442 = arith.constant 0 : i32
      %dma_wait3A_443 = tpu.memref_slice %dma_wait3A_440[%dma_wait3A_441, %dma_wait3A_442] : memref<128x64xf32, #tpu.memory_space<vmem>> -> memref<128x64xf32, #tpu.memory_space<vmem>>
      %dma_wait3A_444 = arith.constant 0 : i32
      %dma_wait3A_445 = tpu.memref_slice %arg5[%dma_wait3A_444] : memref<25600xi32, #tpu.memory_space<vmem>> -> memref<128xi32, #tpu.memory_space<vmem>>
      %dma_wait3A_446 = arith.constant 0 : i32
      %dma_wait3A_447 = arith.constant 0 : i32
      %dma_wait3A_448 = tpu.memref_slice %arg3[%dma_wait3A_446, %dma_wait3A_447] : memref<1000000x64xf32, #tpu.memory_space<hbm>> -> memref<1000000x64xf32, #tpu.memory_space<hbm>>
      tpu.wait_indirect_dma semaphore(%arg12 : memref<!tpu.dma_semaphore, #tpu.memory_space<semaphore_mem>>) src(%dma_wait3A_448 : memref<1000000x64xf32, #tpu.memory_space<hbm>>) dst(%dma_wait3A_443 : memref<128x64xf32, #tpu.memory_space<vmem>>)
      %parallel_loop3A_449 = arith.constant 0 : i32
      %parallel_loop3A_450 = arith.constant 128 : i32
      %parallel_loop3A_451 = arith.constant 1 : i32
      scf.for %parallel_loop3A_558 = %parallel_loop3A_449 to %parallel_loop3A_450 step %parallel_loop3A_451  : i32 {
        %parallel_loop3A_559 = arith.constant 5 : i32
        %parallel_loop3A_560 = arith.index_cast %parallel_loop3A_559 : i32 to index
        %parallel_loop3A_561 = arith.index_cast %parallel_loop3A_558 : i32 to index
        %parallel_loop3A_562 = arith.constant 0 : index
        %parallel_loop3A_563 = tpu.vector_load %arg6[%parallel_loop3A_560, %parallel_loop3A_561, %parallel_loop3A_562] {strides = array<i32>} : memref<8x128x64xf32, #tpu.memory_space<vmem>>, vector<1x1x16xf32>,
        %parallel_loop3A_564 = vector.shape_cast %parallel_loop3A_563 : vector<1x1x16xf32> to vector<16xf32>
        %parallel_loop3A_565 = arith.constant 8.000000e+00 : f32
        %parallel_loop3A_566 = vector.broadcast %parallel_loop3A_565 : f32 to vector<16xf32>
        %parallel_loop3A_567 = arith.mulf %parallel_loop3A_564, %parallel_loop3A_566 : vector<16xf32>
        %parallel_loop3A_568 = arith.constant 5 : i32
        %parallel_loop3A_569 = arith.index_cast %parallel_loop3A_568 : i32 to index
        %parallel_loop3A_570 = arith.index_cast %parallel_loop3A_558 : i32 to index
        %parallel_loop3A_571 = arith.constant 0 : index
        %parallel_loop3A_572 = tpu.vector_load %arg6[%parallel_loop3A_569, %parallel_loop3A_570, %parallel_loop3A_571] {strides = array<i32>} : memref<8x128x64xf32, #tpu.memory_space<vmem>>, vector<1x1x16xf32>,
        %parallel_loop3A_573 = vector.shape_cast %parallel_loop3A_572 : vector<1x1x16xf32> to vector<16xf32>
        %parallel_loop3A_574 = vector.shape_cast %parallel_loop3A_567 : vector<16xf32> to vector<1x1x16xf32>
        tpu.vector_store %arg6[%parallel_loop3A_569, %parallel_loop3A_570, %parallel_loop3A_571], %parallel_loop3A_574 {strides = array<i32>} : memref<8x128x64xf32, #tpu.memory_space<vmem>>, vector<1x1x16xf32>,
        %parallel_loop3A_575 = arith.constant 5 : i32
        %parallel_loop3A_576 = arith.index_cast %parallel_loop3A_575 : i32 to index
        %parallel_loop3A_577 = arith.index_cast %parallel_loop3A_558 : i32 to index
        %parallel_loop3A_578 = arith.constant 16 : index
        %parallel_loop3A_579 = tpu.vector_load %arg6[%parallel_loop3A_576, %parallel_loop3A_577, %parallel_loop3A_578] {strides = array<i32>} : memref<8x128x64xf32, #tpu.memory_space<vmem>>, vector<1x1x16xf32>,
        %parallel_loop3A_580 = vector.shape_cast %parallel_loop3A_579 : vector<1x1x16xf32> to vector<16xf32>
        %parallel_loop3A_581 = arith.constant 8.000000e+00 : f32
        %parallel_loop3A_582 = vector.broadcast %parallel_loop3A_581 : f32 to vector<16xf32>
        %parallel_loop3A_583 = arith.mulf %parallel_loop3A_580, %parallel_loop3A_582 : vector<16xf32>
        %parallel_loop3A_584 = arith.constant 5 : i32
        %parallel_loop3A_585 = arith.index_cast %parallel_loop3A_584 : i32 to index
        %parallel_loop3A_586 = arith.index_cast %parallel_loop3A_558 : i32 to index
        %parallel_loop3A_587 = arith.constant 16 : index
        %parallel_loop3A_588 = tpu.vector_load %arg6[%parallel_loop3A_585, %parallel_loop3A_586, %parallel_loop3A_587] {strides = array<i32>} : memref<8x128x64xf32, #tpu.memory_space<vmem>>, vector<1x1x16xf32>,
        %parallel_loop3A_589 = vector.shape_cast %parallel_loop3A_588 : vector<1x1x16xf32> to vector<16xf32>
        %parallel_loop3A_590 = vector.shape_cast %parallel_loop3A_583 : vector<16xf32> to vector<1x1x16xf32>
        tpu.vector_store %arg6[%parallel_loop3A_585, %parallel_loop3A_586, %parallel_loop3A_587], %parallel_loop3A_590 {strides = array<i32>} : memref<8x128x64xf32, #tpu.memory_space<vmem>>, vector<1x1x16xf32>,
        %parallel_loop3A_591 = arith.constant 5 : i32
        %parallel_loop3A_592 = arith.index_cast %parallel_loop3A_591 : i32 to index
        %parallel_loop3A_593 = arith.index_cast %parallel_loop3A_558 : i32 to index
        %parallel_loop3A_594 = arith.constant 32 : index
        %parallel_loop3A_595 = tpu.vector_load %arg6[%parallel_loop3A_592, %parallel_loop3A_593, %parallel_loop3A_594] {strides = array<i32>} : memref<8x128x64xf32, #tpu.memory_space<vmem>>, vector<1x1x16xf32>,
        %parallel_loop3A_596 = vector.shape_cast %parallel_loop3A_595 : vector<1x1x16xf32> to vector<16xf32>
        %parallel_loop3A_597 = arith.constant 8.000000e+00 : f32
        %parallel_loop3A_598 = vector.broadcast %parallel_loop3A_597 : f32 to vector<16xf32>
        %parallel_loop3A_599 = arith.mulf %parallel_loop3A_596, %parallel_loop3A_598 : vector<16xf32>
        %parallel_loop3A_600 = arith.constant 5 : i32
        %parallel_loop3A_601 = arith.index_cast %parallel_loop3A_600 : i32 to index
        %parallel_loop3A_602 = arith.index_cast %parallel_loop3A_558 : i32 to index
        %parallel_loop3A_603 = arith.constant 32 : index
        %parallel_loop3A_604 = tpu.vector_load %arg6[%parallel_loop3A_601, %parallel_loop3A_602, %parallel_loop3A_603] {strides = array<i32>} : memref<8x128x64xf32, #tpu.memory_space<vmem>>, vector<1x1x16xf32>,
        %parallel_loop3A_605 = vector.shape_cast %parallel_loop3A_604 : vector<1x1x16xf32> to vector<16xf32>
        %parallel_loop3A_606 = vector.shape_cast %parallel_loop3A_599 : vector<16xf32> to vector<1x1x16xf32>
        tpu.vector_store %arg6[%parallel_loop3A_601, %parallel_loop3A_602, %parallel_loop3A_603], %parallel_loop3A_606 {strides = array<i32>} : memref<8x128x64xf32, #tpu.memory_space<vmem>>, vector<1x1x16xf32>,
        %parallel_loop3A_607 = arith.constant 5 : i32
        %parallel_loop3A_608 = arith.index_cast %parallel_loop3A_607 : i32 to index
        %parallel_loop3A_609 = arith.index_cast %parallel_loop3A_558 : i32 to index
        %parallel_loop3A_610 = arith.constant 48 : index
        %parallel_loop3A_611 = tpu.vector_load %arg6[%parallel_loop3A_608, %parallel_loop3A_609, %parallel_loop3A_610] {strides = array<i32>} : memref<8x128x64xf32, #tpu.memory_space<vmem>>, vector<1x1x16xf32>,
        %parallel_loop3A_612 = vector.shape_cast %parallel_loop3A_611 : vector<1x1x16xf32> to vector<16xf32>
        %parallel_loop3A_613 = arith.constant 8.000000e+00 : f32
        %parallel_loop3A_614 = vector.broadcast %parallel_loop3A_613 : f32 to vector<16xf32>
        %parallel_loop3A_615 = arith.mulf %parallel_loop3A_612, %parallel_loop3A_614 : vector<16xf32>
        %parallel_loop3A_616 = arith.constant 5 : i32
        %parallel_loop3A_617 = arith.index_cast %parallel_loop3A_616 : i32 to index
        %parallel_loop3A_618 = arith.index_cast %parallel_loop3A_558 : i32 to index
        %parallel_loop3A_619 = arith.constant 48 : index
        %parallel_loop3A_620 = tpu.vector_load %arg6[%parallel_loop3A_617, %parallel_loop3A_618, %parallel_loop3A_619] {strides = array<i32>} : memref<8x128x64xf32, #tpu.memory_space<vmem>>, vector<1x1x16xf32>,
        %parallel_loop3A_621 = vector.shape_cast %parallel_loop3A_620 : vector<1x1x16xf32> to vector<16xf32>
        %parallel_loop3A_622 = vector.shape_cast %parallel_loop3A_615 : vector<16xf32> to vector<1x1x16xf32>
        tpu.vector_store %arg6[%parallel_loop3A_617, %parallel_loop3A_618, %parallel_loop3A_619], %parallel_loop3A_622 {strides = array<i32>} : memref<8x128x64xf32, #tpu.memory_space<vmem>>, vector<1x1x16xf32>,
      } {sc.loop_unroll_factor = 8 : i64, sc.parallel_access}
      %mul3A_452 = arith.constant 128 : i32
      %mul3A_453 = arith.muli %add3A_426, %mul3A_452 : i32
      %add3A_454 = arith.addi %mul3A_2, %mul3A_453 : i32
      %dma_start3A_455 = arith.constant 5 : i32
      %dma_start3A_456 = arith.constant 0 : i32
      %dma_start3A_457 = arith.constant 0 : i32
      %dma_start3A_458 = tpu.memref_slice %arg6[%dma_start3A_455, %dma_start3A_456, %dma_start3A_457] : memref<8x128x64xf32, #tpu.memory_space<vmem>> -> memref<1x128x64xf32, #tpu.memory_space<vmem>>
      %dma_start3A_459 = tpu.memref_squeeze %dma_start3A_458 : memref<1x128x64xf32, #tpu.memory_space<vmem>> -> memref<128x64xf32, #tpu.memory_space<vmem>>
      %dma_start3A_460 = arith.constant 0 : i32
      %dma_start3A_461 = tpu.memref_slice %arg4[%add3A_454, %dma_start3A_460] : memref<819200x64xf32, #tpu.memory_space<hbm>> -> memref<128x64xf32, #tpu.memory_space<hbm>>
      %dma_start3A_462 = arith.constant 0 : i32
      %dma_start3A_463 = tpu.memref_slice %arg4[%add3A_454, %dma_start3A_462] : memref<819200x64xf32, #tpu.memory_space<hbm>> -> memref<128x64xf32, #tpu.memory_space<hbm>>
      %dma_start3A_464 = arith.constant 0 : i32
      %dma_start3A_465 = arith.constant 0 : i32
      %dma_start3A_466 = tpu.memref_slice %arg6[%dma_start3A_455, %dma_start3A_464, %dma_start3A_465] : memref<8x128x64xf32, #tpu.memory_space<vmem>> -> memref<1x128x64xf32, #tpu.memory_space<vmem>>
      %dma_start3A_467 = tpu.memref_squeeze %dma_start3A_466 : memref<1x128x64xf32, #tpu.memory_space<vmem>> -> memref<128x64xf32, #tpu.memory_space<vmem>>
      tpu.enqueue_dma source(%dma_start3A_467 : memref<128x64xf32, #tpu.memory_space<vmem>>) target(%dma_start3A_463 : memref<128x64xf32, #tpu.memory_space<hbm>>) target_semaphore(%arg20 : memref<!tpu.dma_semaphore, #tpu.memory_space<semaphore_mem>>)
      %mul3A_468 = arith.constant 8 : i32
      %mul3A_469 = arith.muli %scan3A_202, %mul3A_468 : i32
      %add3A_470 = arith.constant 6 : i32
      %add3A_471 = arith.addi %mul3A_469, %add3A_470 : i32
      %add3A_472 = arith.constant 8 : i32
      %add3A_473 = arith.addi %add3A_471, %add3A_472 : i32
      %sub3A_474 = arith.constant 1 : i32
      %sub3A_475 = arith.subi %add3A_473, %sub3A_474 : i32
      %lt3A_476 = arith.constant 200 : i32
      %lt3A_477 = arith.cmpi slt, %sub3A_475, %lt3A_476 : i32
      %convert_element_type3A_478 = arith.extui %lt3A_477 : i1 to i32
      %cond3A_479 = arith.constant 0 : i32
      %cond3A_480 = arith.cmpi ne, %convert_element_type3A_478, %cond3A_479 : i32
      scf.if %cond3A_480 {
        %ge3A = arith.constant 8 : i32
        %ge3A_558 = arith.cmpi sge, %sub3A_475, %ge3A : i32
        %convert_element_type3A_559 = arith.extui %ge3A_558 : i1 to i32
        %cond3A_560 = arith.constant 0 : i32
        %cond3A_561 = arith.cmpi ne, %convert_element_type3A_559, %cond3A_560 : i32
        scf.if %cond3A_561 {
          %dma_wait3A_578 = arith.constant 5 : i32
          %dma_wait3A_579 = arith.constant 0 : i32
          %dma_wait3A_580 = arith.constant 0 : i32
          %dma_wait3A_581 = tpu.memref_slice %arg6[%dma_wait3A_578, %dma_wait3A_579, %dma_wait3A_580] : memref<8x128x64xf32, #tpu.memory_space<vmem>> -> memref<1x128x64xf32, #tpu.memory_space<vmem>>
          %dma_wait3A_582 = tpu.memref_squeeze %dma_wait3A_581 : memref<1x128x64xf32, #tpu.memory_space<vmem>> -> memref<128x64xf32, #tpu.memory_space<vmem>>
          %dma_wait3A_583 = arith.constant 0 : i32
          %dma_wait3A_584 = tpu.memref_slice %arg4[%mul3A_2, %dma_wait3A_583] : memref<819200x64xf32, #tpu.memory_space<hbm>> -> memref<128x64xf32, #tpu.memory_space<hbm>>
          %dma_wait3A_585 = arith.constant 0 : i32
          %dma_wait3A_586 = tpu.memref_slice %arg4[%mul3A_2, %dma_wait3A_585] : memref<819200x64xf32, #tpu.memory_space<hbm>> -> memref<128x64xf32, #tpu.memory_space<hbm>>
          %dma_wait3A_587 = arith.constant 0 : i32
          %dma_wait3A_588 = arith.constant 0 : i32
          %dma_wait3A_589 = tpu.memref_slice %arg6[%dma_wait3A_578, %dma_wait3A_587, %dma_wait3A_588] : memref<8x128x64xf32, #tpu.memory_space<vmem>> -> memref<1x128x64xf32, #tpu.memory_space<vmem>>
          %dma_wait3A_590 = tpu.memref_squeeze %dma_wait3A_589 : memref<1x128x64xf32, #tpu.memory_space<vmem>> -> memref<128x64xf32, #tpu.memory_space<vmem>>
          tpu.wait_dma2 semaphore(%arg20 : memref<!tpu.dma_semaphore, #tpu.memory_space<semaphore_mem>>) src(%dma_wait3A_590 : memref<128x64xf32, #tpu.memory_space<vmem>>) dst(%dma_wait3A_586 : memref<128x64xf32, #tpu.memory_space<hbm>>)
        } else {
        }
        %mul3A_562 = arith.constant 128 : i32
        %mul3A_563 = arith.muli %sub3A_475, %mul3A_562 : i32
        %add3A_564 = arith.constant 0 : i32
        %add3A_565 = arith.addi %mul3A_563, %add3A_564 : i32
        %dma_start3A_566 = arith.constant 5 : i32
        %dma_start3A_567 = arith.constant 0 : i32
        %dma_start3A_568 = arith.constant 0 : i32
        %dma_start3A_569 = tpu.memref_slice %arg6[%dma_start3A_566, %dma_start3A_567, %dma_start3A_568] : memref<8x128x64xf32, #tpu.memory_space<vmem>> -> memref<1x128x64xf32, #tpu.memory_space<vmem>>
        %dma_start3A_570 = tpu.memref_squeeze %dma_start3A_569 : memref<1x128x64xf32, #tpu.memory_space<vmem>> -> memref<128x64xf32, #tpu.memory_space<vmem>>
        %dma_start3A_571 = arith.constant 0 : i32
        %dma_start3A_572 = arith.constant 0 : i32
        %dma_start3A_573 = tpu.memref_slice %dma_start3A_570[%dma_start3A_571, %dma_start3A_572] : memref<128x64xf32, #tpu.memory_space<vmem>> -> memref<128x64xf32, #tpu.memory_space<vmem>>
        %dma_start3A_574 = tpu.memref_slice %arg5[%add3A_565] : memref<25600xi32, #tpu.memory_space<vmem>> -> memref<128xi32, #tpu.memory_space<vmem>>
        %dma_start3A_575 = arith.constant 0 : i32
        %dma_start3A_576 = arith.constant 0 : i32
        %dma_start3A_577 = tpu.memref_slice %arg3[%dma_start3A_575, %dma_start3A_576] : memref<1000000x64xf32, #tpu.memory_space<hbm>> -> memref<1000000x64xf32, #tpu.memory_space<hbm>>
        tpu.enqueue_indirect_dma source(%dma_start3A_577 : memref<1000000x64xf32, #tpu.memory_space<hbm>>) target(%dma_start3A_573 : memref<128x64xf32, #tpu.memory_space<vmem>>) offsets(%dma_start3A_574 : memref<128xi32, #tpu.memory_space<vmem>>) semaphore(%arg12 : memref<!tpu.dma_semaphore, #tpu.memory_space<semaphore_mem>>)
      } else {
      }
      %dma_wait3A_481 = arith.constant 6 : i32
      %dma_wait3A_482 = arith.constant 0 : i32
      %dma_wait3A_483 = arith.constant 0 : i32
      %dma_wait3A_484 = tpu.memref_slice %arg6[%dma_wait3A_481, %dma_wait3A_482, %dma_wait3A_483] : memref<8x128x64xf32, #tpu.memory_space<vmem>> -> memref<1x128x64xf32, #tpu.memory_space<vmem>>
      %dma_wait3A_485 = tpu.memref_squeeze %dma_wait3A_484 : memref<1x128x64xf32, #tpu.memory_space<vmem>> -> memref<128x64xf32, #tpu.memory_space<vmem>>
      %dma_wait3A_486 = arith.constant 0 : i32
      %dma_wait3A_487 = arith.constant 0 : i32
      %dma_wait3A_488 = tpu.memref_slice %dma_wait3A_485[%dma_wait3A_486, %dma_wait3A_487] : memref<128x64xf32, #tpu.memory_space<vmem>> -> memref<128x64xf32, #tpu.memory_space<vmem>>
      %dma_wait3A_489 = arith.constant 0 : i32
      %dma_wait3A_490 = tpu.memref_slice %arg5[%dma_wait3A_489] : memref<25600xi32, #tpu.memory_space<vmem>> -> memref<128xi32, #tpu.memory_space<vmem>>
      %dma_wait3A_491 = arith.constant 0 : i32
      %dma_wait3A_492 = arith.constant 0 : i32
      %dma_wait3A_493 = tpu.memref_slice %arg3[%dma_wait3A_491, %dma_wait3A_492] : memref<1000000x64xf32, #tpu.memory_space<hbm>> -> memref<1000000x64xf32, #tpu.memory_space<hbm>>
      tpu.wait_indirect_dma semaphore(%arg13 : memref<!tpu.dma_semaphore, #tpu.memory_space<semaphore_mem>>) src(%dma_wait3A_493 : memref<1000000x64xf32, #tpu.memory_space<hbm>>) dst(%dma_wait3A_488 : memref<128x64xf32, #tpu.memory_space<vmem>>)
      %parallel_loop3A_494 = arith.constant 0 : i32
      %parallel_loop3A_495 = arith.constant 128 : i32
      %parallel_loop3A_496 = arith.constant 1 : i32
      scf.for %parallel_loop3A_558 = %parallel_loop3A_494 to %parallel_loop3A_495 step %parallel_loop3A_496  : i32 {
        %parallel_loop3A_559 = arith.constant 6 : i32
        %parallel_loop3A_560 = arith.index_cast %parallel_loop3A_559 : i32 to index
        %parallel_loop3A_561 = arith.index_cast %parallel_loop3A_558 : i32 to index
        %parallel_loop3A_562 = arith.constant 0 : index
        %parallel_loop3A_563 = tpu.vector_load %arg6[%parallel_loop3A_560, %parallel_loop3A_561, %parallel_loop3A_562] {strides = array<i32>} : memref<8x128x64xf32, #tpu.memory_space<vmem>>, vector<1x1x16xf32>,
        %parallel_loop3A_564 = vector.shape_cast %parallel_loop3A_563 : vector<1x1x16xf32> to vector<16xf32>
        %parallel_loop3A_565 = arith.constant 8.000000e+00 : f32
        %parallel_loop3A_566 = vector.broadcast %parallel_loop3A_565 : f32 to vector<16xf32>
        %parallel_loop3A_567 = arith.mulf %parallel_loop3A_564, %parallel_loop3A_566 : vector<16xf32>
        %parallel_loop3A_568 = arith.constant 6 : i32
        %parallel_loop3A_569 = arith.index_cast %parallel_loop3A_568 : i32 to index
        %parallel_loop3A_570 = arith.index_cast %parallel_loop3A_558 : i32 to index
        %parallel_loop3A_571 = arith.constant 0 : index
        %parallel_loop3A_572 = tpu.vector_load %arg6[%parallel_loop3A_569, %parallel_loop3A_570, %parallel_loop3A_571] {strides = array<i32>} : memref<8x128x64xf32, #tpu.memory_space<vmem>>, vector<1x1x16xf32>,
        %parallel_loop3A_573 = vector.shape_cast %parallel_loop3A_572 : vector<1x1x16xf32> to vector<16xf32>
        %parallel_loop3A_574 = vector.shape_cast %parallel_loop3A_567 : vector<16xf32> to vector<1x1x16xf32>
        tpu.vector_store %arg6[%parallel_loop3A_569, %parallel_loop3A_570, %parallel_loop3A_571], %parallel_loop3A_574 {strides = array<i32>} : memref<8x128x64xf32, #tpu.memory_space<vmem>>, vector<1x1x16xf32>,
        %parallel_loop3A_575 = arith.constant 6 : i32
        %parallel_loop3A_576 = arith.index_cast %parallel_loop3A_575 : i32 to index
        %parallel_loop3A_577 = arith.index_cast %parallel_loop3A_558 : i32 to index
        %parallel_loop3A_578 = arith.constant 16 : index
        %parallel_loop3A_579 = tpu.vector_load %arg6[%parallel_loop3A_576, %parallel_loop3A_577, %parallel_loop3A_578] {strides = array<i32>} : memref<8x128x64xf32, #tpu.memory_space<vmem>>, vector<1x1x16xf32>,
        %parallel_loop3A_580 = vector.shape_cast %parallel_loop3A_579 : vector<1x1x16xf32> to vector<16xf32>
        %parallel_loop3A_581 = arith.constant 8.000000e+00 : f32
        %parallel_loop3A_582 = vector.broadcast %parallel_loop3A_581 : f32 to vector<16xf32>
        %parallel_loop3A_583 = arith.mulf %parallel_loop3A_580, %parallel_loop3A_582 : vector<16xf32>
        %parallel_loop3A_584 = arith.constant 6 : i32
        %parallel_loop3A_585 = arith.index_cast %parallel_loop3A_584 : i32 to index
        %parallel_loop3A_586 = arith.index_cast %parallel_loop3A_558 : i32 to index
        %parallel_loop3A_587 = arith.constant 16 : index
        %parallel_loop3A_588 = tpu.vector_load %arg6[%parallel_loop3A_585, %parallel_loop3A_586, %parallel_loop3A_587] {strides = array<i32>} : memref<8x128x64xf32, #tpu.memory_space<vmem>>, vector<1x1x16xf32>,
        %parallel_loop3A_589 = vector.shape_cast %parallel_loop3A_588 : vector<1x1x16xf32> to vector<16xf32>
        %parallel_loop3A_590 = vector.shape_cast %parallel_loop3A_583 : vector<16xf32> to vector<1x1x16xf32>
        tpu.vector_store %arg6[%parallel_loop3A_585, %parallel_loop3A_586, %parallel_loop3A_587], %parallel_loop3A_590 {strides = array<i32>} : memref<8x128x64xf32, #tpu.memory_space<vmem>>, vector<1x1x16xf32>,
        %parallel_loop3A_591 = arith.constant 6 : i32
        %parallel_loop3A_592 = arith.index_cast %parallel_loop3A_591 : i32 to index
        %parallel_loop3A_593 = arith.index_cast %parallel_loop3A_558 : i32 to index
        %parallel_loop3A_594 = arith.constant 32 : index
        %parallel_loop3A_595 = tpu.vector_load %arg6[%parallel_loop3A_592, %parallel_loop3A_593, %parallel_loop3A_594] {strides = array<i32>} : memref<8x128x64xf32, #tpu.memory_space<vmem>>, vector<1x1x16xf32>,
        %parallel_loop3A_596 = vector.shape_cast %parallel_loop3A_595 : vector<1x1x16xf32> to vector<16xf32>
        %parallel_loop3A_597 = arith.constant 8.000000e+00 : f32
        %parallel_loop3A_598 = vector.broadcast %parallel_loop3A_597 : f32 to vector<16xf32>
        %parallel_loop3A_599 = arith.mulf %parallel_loop3A_596, %parallel_loop3A_598 : vector<16xf32>
        %parallel_loop3A_600 = arith.constant 6 : i32
        %parallel_loop3A_601 = arith.index_cast %parallel_loop3A_600 : i32 to index
        %parallel_loop3A_602 = arith.index_cast %parallel_loop3A_558 : i32 to index
        %parallel_loop3A_603 = arith.constant 32 : index
        %parallel_loop3A_604 = tpu.vector_load %arg6[%parallel_loop3A_601, %parallel_loop3A_602, %parallel_loop3A_603] {strides = array<i32>} : memref<8x128x64xf32, #tpu.memory_space<vmem>>, vector<1x1x16xf32>,
        %parallel_loop3A_605 = vector.shape_cast %parallel_loop3A_604 : vector<1x1x16xf32> to vector<16xf32>
        %parallel_loop3A_606 = vector.shape_cast %parallel_loop3A_599 : vector<16xf32> to vector<1x1x16xf32>
        tpu.vector_store %arg6[%parallel_loop3A_601, %parallel_loop3A_602, %parallel_loop3A_603], %parallel_loop3A_606 {strides = array<i32>} : memref<8x128x64xf32, #tpu.memory_space<vmem>>, vector<1x1x16xf32>,
        %parallel_loop3A_607 = arith.constant 6 : i32
        %parallel_loop3A_608 = arith.index_cast %parallel_loop3A_607 : i32 to index
        %parallel_loop3A_609 = arith.index_cast %parallel_loop3A_558 : i32 to index
        %parallel_loop3A_610 = arith.constant 48 : index
        %parallel_loop3A_611 = tpu.vector_load %arg6[%parallel_loop3A_608, %parallel_loop3A_609, %parallel_loop3A_610] {strides = array<i32>} : memref<8x128x64xf32, #tpu.memory_space<vmem>>, vector<1x1x16xf32>,
        %parallel_loop3A_612 = vector.shape_cast %parallel_loop3A_611 : vector<1x1x16xf32> to vector<16xf32>
        %parallel_loop3A_613 = arith.constant 8.000000e+00 : f32
        %parallel_loop3A_614 = vector.broadcast %parallel_loop3A_613 : f32 to vector<16xf32>
        %parallel_loop3A_615 = arith.mulf %parallel_loop3A_612, %parallel_loop3A_614 : vector<16xf32>
        %parallel_loop3A_616 = arith.constant 6 : i32
        %parallel_loop3A_617 = arith.index_cast %parallel_loop3A_616 : i32 to index
        %parallel_loop3A_618 = arith.index_cast %parallel_loop3A_558 : i32 to index
        %parallel_loop3A_619 = arith.constant 48 : index
        %parallel_loop3A_620 = tpu.vector_load %arg6[%parallel_loop3A_617, %parallel_loop3A_618, %parallel_loop3A_619] {strides = array<i32>} : memref<8x128x64xf32, #tpu.memory_space<vmem>>, vector<1x1x16xf32>,
        %parallel_loop3A_621 = vector.shape_cast %parallel_loop3A_620 : vector<1x1x16xf32> to vector<16xf32>
        %parallel_loop3A_622 = vector.shape_cast %parallel_loop3A_615 : vector<16xf32> to vector<1x1x16xf32>
        tpu.vector_store %arg6[%parallel_loop3A_617, %parallel_loop3A_618, %parallel_loop3A_619], %parallel_loop3A_622 {strides = array<i32>} : memref<8x128x64xf32, #tpu.memory_space<vmem>>, vector<1x1x16xf32>,
      } {sc.loop_unroll_factor = 8 : i64, sc.parallel_access}
      %mul3A_497 = arith.constant 128 : i32
      %mul3A_498 = arith.muli %add3A_471, %mul3A_497 : i32
      %add3A_499 = arith.addi %mul3A_2, %mul3A_498 : i32
      %dma_start3A_500 = arith.constant 6 : i32
      %dma_start3A_501 = arith.constant 0 : i32
      %dma_start3A_502 = arith.constant 0 : i32
      %dma_start3A_503 = tpu.memref_slice %arg6[%dma_start3A_500, %dma_start3A_501, %dma_start3A_502] : memref<8x128x64xf32, #tpu.memory_space<vmem>> -> memref<1x128x64xf32, #tpu.memory_space<vmem>>
      %dma_start3A_504 = tpu.memref_squeeze %dma_start3A_503 : memref<1x128x64xf32, #tpu.memory_space<vmem>> -> memref<128x64xf32, #tpu.memory_space<vmem>>
      %dma_start3A_505 = arith.constant 0 : i32
      %dma_start3A_506 = tpu.memref_slice %arg4[%add3A_499, %dma_start3A_505] : memref<819200x64xf32, #tpu.memory_space<hbm>> -> memref<128x64xf32, #tpu.memory_space<hbm>>
      %dma_start3A_507 = arith.constant 0 : i32
      %dma_start3A_508 = tpu.memref_slice %arg4[%add3A_499, %dma_start3A_507] : memref<819200x64xf32, #tpu.memory_space<hbm>> -> memref<128x64xf32, #tpu.memory_space<hbm>>
      %dma_start3A_509 = arith.constant 0 : i32
      %dma_start3A_510 = arith.constant 0 : i32
      %dma_start3A_511 = tpu.memref_slice %arg6[%dma_start3A_500, %dma_start3A_509, %dma_start3A_510] : memref<8x128x64xf32, #tpu.memory_space<vmem>> -> memref<1x128x64xf32, #tpu.memory_space<vmem>>
      %dma_start3A_512 = tpu.memref_squeeze %dma_start3A_511 : memref<1x128x64xf32, #tpu.memory_space<vmem>> -> memref<128x64xf32, #tpu.memory_space<vmem>>
      tpu.enqueue_dma source(%dma_start3A_512 : memref<128x64xf32, #tpu.memory_space<vmem>>) target(%dma_start3A_508 : memref<128x64xf32, #tpu.memory_space<hbm>>) target_semaphore(%arg21 : memref<!tpu.dma_semaphore, #tpu.memory_space<semaphore_mem>>)
      %mul3A_513 = arith.constant 8 : i32
      %mul3A_514 = arith.muli %scan3A_202, %mul3A_513 : i32
      %add3A_515 = arith.constant 7 : i32
      %add3A_516 = arith.addi %mul3A_514, %add3A_515 : i32
      %add3A_517 = arith.constant 8 : i32
      %add3A_518 = arith.addi %add3A_516, %add3A_517 : i32
      %sub3A_519 = arith.constant 1 : i32
      %sub3A_520 = arith.subi %add3A_518, %sub3A_519 : i32
      %lt3A_521 = arith.constant 200 : i32
      %lt3A_522 = arith.cmpi slt, %sub3A_520, %lt3A_521 : i32
      %convert_element_type3A_523 = arith.extui %lt3A_522 : i1 to i32
      %cond3A_524 = arith.constant 0 : i32
      %cond3A_525 = arith.cmpi ne, %convert_element_type3A_523, %cond3A_524 : i32
      scf.if %cond3A_525 {
        %ge3A = arith.constant 8 : i32
        %ge3A_558 = arith.cmpi sge, %sub3A_520, %ge3A : i32
        %convert_element_type3A_559 = arith.extui %ge3A_558 : i1 to i32
        %cond3A_560 = arith.constant 0 : i32
        %cond3A_561 = arith.cmpi ne, %convert_element_type3A_559, %cond3A_560 : i32
        scf.if %cond3A_561 {
          %dma_wait3A_578 = arith.constant 6 : i32
          %dma_wait3A_579 = arith.constant 0 : i32
          %dma_wait3A_580 = arith.constant 0 : i32
          %dma_wait3A_581 = tpu.memref_slice %arg6[%dma_wait3A_578, %dma_wait3A_579, %dma_wait3A_580] : memref<8x128x64xf32, #tpu.memory_space<vmem>> -> memref<1x128x64xf32, #tpu.memory_space<vmem>>
          %dma_wait3A_582 = tpu.memref_squeeze %dma_wait3A_581 : memref<1x128x64xf32, #tpu.memory_space<vmem>> -> memref<128x64xf32, #tpu.memory_space<vmem>>
          %dma_wait3A_583 = arith.constant 0 : i32
          %dma_wait3A_584 = tpu.memref_slice %arg4[%mul3A_2, %dma_wait3A_583] : memref<819200x64xf32, #tpu.memory_space<hbm>> -> memref<128x64xf32, #tpu.memory_space<hbm>>
          %dma_wait3A_585 = arith.constant 0 : i32
          %dma_wait3A_586 = tpu.memref_slice %arg4[%mul3A_2, %dma_wait3A_585] : memref<819200x64xf32, #tpu.memory_space<hbm>> -> memref<128x64xf32, #tpu.memory_space<hbm>>
          %dma_wait3A_587 = arith.constant 0 : i32
          %dma_wait3A_588 = arith.constant 0 : i32
          %dma_wait3A_589 = tpu.memref_slice %arg6[%dma_wait3A_578, %dma_wait3A_587, %dma_wait3A_588] : memref<8x128x64xf32, #tpu.memory_space<vmem>> -> memref<1x128x64xf32, #tpu.memory_space<vmem>>
          %dma_wait3A_590 = tpu.memref_squeeze %dma_wait3A_589 : memref<1x128x64xf32, #tpu.memory_space<vmem>> -> memref<128x64xf32, #tpu.memory_space<vmem>>
          tpu.wait_dma2 semaphore(%arg21 : memref<!tpu.dma_semaphore, #tpu.memory_space<semaphore_mem>>) src(%dma_wait3A_590 : memref<128x64xf32, #tpu.memory_space<vmem>>) dst(%dma_wait3A_586 : memref<128x64xf32, #tpu.memory_space<hbm>>)
        } else {
        }
        %mul3A_562 = arith.constant 128 : i32
        %mul3A_563 = arith.muli %sub3A_520, %mul3A_562 : i32
        %add3A_564 = arith.constant 0 : i32
        %add3A_565 = arith.addi %mul3A_563, %add3A_564 : i32
        %dma_start3A_566 = arith.constant 6 : i32
        %dma_start3A_567 = arith.constant 0 : i32
        %dma_start3A_568 = arith.constant 0 : i32
        %dma_start3A_569 = tpu.memref_slice %arg6[%dma_start3A_566, %dma_start3A_567, %dma_start3A_568] : memref<8x128x64xf32, #tpu.memory_space<vmem>> -> memref<1x128x64xf32, #tpu.memory_space<vmem>>
        %dma_start3A_570 = tpu.memref_squeeze %dma_start3A_569 : memref<1x128x64xf32, #tpu.memory_space<vmem>> -> memref<128x64xf32, #tpu.memory_space<vmem>>
        %dma_start3A_571 = arith.constant 0 : i32
        %dma_start3A_572 = arith.constant 0 : i32
        %dma_start3A_573 = tpu.memref_slice %dma_start3A_570[%dma_start3A_571, %dma_start3A_572] : memref<128x64xf32, #tpu.memory_space<vmem>> -> memref<128x64xf32, #tpu.memory_space<vmem>>
        %dma_start3A_574 = tpu.memref_slice %arg5[%add3A_565] : memref<25600xi32, #tpu.memory_space<vmem>> -> memref<128xi32, #tpu.memory_space<vmem>>
        %dma_start3A_575 = arith.constant 0 : i32
        %dma_start3A_576 = arith.constant 0 : i32
        %dma_start3A_577 = tpu.memref_slice %arg3[%dma_start3A_575, %dma_start3A_576] : memref<1000000x64xf32, #tpu.memory_space<hbm>> -> memref<1000000x64xf32, #tpu.memory_space<hbm>>
        tpu.enqueue_indirect_dma source(%dma_start3A_577 : memref<1000000x64xf32, #tpu.memory_space<hbm>>) target(%dma_start3A_573 : memref<128x64xf32, #tpu.memory_space<vmem>>) offsets(%dma_start3A_574 : memref<128xi32, #tpu.memory_space<vmem>>) semaphore(%arg13 : memref<!tpu.dma_semaphore, #tpu.memory_space<semaphore_mem>>)
      } else {
      }
      %dma_wait3A_526 = arith.constant 7 : i32
      %dma_wait3A_527 = arith.constant 0 : i32
      %dma_wait3A_528 = arith.constant 0 : i32
      %dma_wait3A_529 = tpu.memref_slice %arg6[%dma_wait3A_526, %dma_wait3A_527, %dma_wait3A_528] : memref<8x128x64xf32, #tpu.memory_space<vmem>> -> memref<1x128x64xf32, #tpu.memory_space<vmem>>
      %dma_wait3A_530 = tpu.memref_squeeze %dma_wait3A_529 : memref<1x128x64xf32, #tpu.memory_space<vmem>> -> memref<128x64xf32, #tpu.memory_space<vmem>>
      %dma_wait3A_531 = arith.constant 0 : i32
      %dma_wait3A_532 = arith.constant 0 : i32
      %dma_wait3A_533 = tpu.memref_slice %dma_wait3A_530[%dma_wait3A_531, %dma_wait3A_532] : memref<128x64xf32, #tpu.memory_space<vmem>> -> memref<128x64xf32, #tpu.memory_space<vmem>>
      %dma_wait3A_534 = arith.constant 0 : i32
      %dma_wait3A_535 = tpu.memref_slice %arg5[%dma_wait3A_534] : memref<25600xi32, #tpu.memory_space<vmem>> -> memref<128xi32, #tpu.memory_space<vmem>>
      %dma_wait3A_536 = arith.constant 0 : i32
      %dma_wait3A_537 = arith.constant 0 : i32
      %dma_wait3A_538 = tpu.memref_slice %arg3[%dma_wait3A_536, %dma_wait3A_537] : memref<1000000x64xf32, #tpu.memory_space<hbm>> -> memref<1000000x64xf32, #tpu.memory_space<hbm>>
      tpu.wait_indirect_dma semaphore(%arg14 : memref<!tpu.dma_semaphore, #tpu.memory_space<semaphore_mem>>) src(%dma_wait3A_538 : memref<1000000x64xf32, #tpu.memory_space<hbm>>) dst(%dma_wait3A_533 : memref<128x64xf32, #tpu.memory_space<vmem>>)
      %parallel_loop3A_539 = arith.constant 0 : i32
      %parallel_loop3A_540 = arith.constant 128 : i32
      %parallel_loop3A_541 = arith.constant 1 : i32
      scf.for %parallel_loop3A_558 = %parallel_loop3A_539 to %parallel_loop3A_540 step %parallel_loop3A_541  : i32 {
        %parallel_loop3A_559 = arith.constant 7 : i32
        %parallel_loop3A_560 = arith.index_cast %parallel_loop3A_559 : i32 to index
        %parallel_loop3A_561 = arith.index_cast %parallel_loop3A_558 : i32 to index
        %parallel_loop3A_562 = arith.constant 0 : index
        %parallel_loop3A_563 = tpu.vector_load %arg6[%parallel_loop3A_560, %parallel_loop3A_561, %parallel_loop3A_562] {strides = array<i32>} : memref<8x128x64xf32, #tpu.memory_space<vmem>>, vector<1x1x16xf32>,
        %parallel_loop3A_564 = vector.shape_cast %parallel_loop3A_563 : vector<1x1x16xf32> to vector<16xf32>
        %parallel_loop3A_565 = arith.constant 8.000000e+00 : f32
        %parallel_loop3A_566 = vector.broadcast %parallel_loop3A_565 : f32 to vector<16xf32>
        %parallel_loop3A_567 = arith.mulf %parallel_loop3A_564, %parallel_loop3A_566 : vector<16xf32>
        %parallel_loop3A_568 = arith.constant 7 : i32
        %parallel_loop3A_569 = arith.index_cast %parallel_loop3A_568 : i32 to index
        %parallel_loop3A_570 = arith.index_cast %parallel_loop3A_558 : i32 to index
        %parallel_loop3A_571 = arith.constant 0 : index
        %parallel_loop3A_572 = tpu.vector_load %arg6[%parallel_loop3A_569, %parallel_loop3A_570, %parallel_loop3A_571] {strides = array<i32>} : memref<8x128x64xf32, #tpu.memory_space<vmem>>, vector<1x1x16xf32>,
        %parallel_loop3A_573 = vector.shape_cast %parallel_loop3A_572 : vector<1x1x16xf32> to vector<16xf32>
        %parallel_loop3A_574 = vector.shape_cast %parallel_loop3A_567 : vector<16xf32> to vector<1x1x16xf32>
        tpu.vector_store %arg6[%parallel_loop3A_569, %parallel_loop3A_570, %parallel_loop3A_571], %parallel_loop3A_574 {strides = array<i32>} : memref<8x128x64xf32, #tpu.memory_space<vmem>>, vector<1x1x16xf32>,
        %parallel_loop3A_575 = arith.constant 7 : i32
        %parallel_loop3A_576 = arith.index_cast %parallel_loop3A_575 : i32 to index
        %parallel_loop3A_577 = arith.index_cast %parallel_loop3A_558 : i32 to index
        %parallel_loop3A_578 = arith.constant 16 : index
        %parallel_loop3A_579 = tpu.vector_load %arg6[%parallel_loop3A_576, %parallel_loop3A_577, %parallel_loop3A_578] {strides = array<i32>} : memref<8x128x64xf32, #tpu.memory_space<vmem>>, vector<1x1x16xf32>,
        %parallel_loop3A_580 = vector.shape_cast %parallel_loop3A_579 : vector<1x1x16xf32> to vector<16xf32>
        %parallel_loop3A_581 = arith.constant 8.000000e+00 : f32
        %parallel_loop3A_582 = vector.broadcast %parallel_loop3A_581 : f32 to vector<16xf32>
        %parallel_loop3A_583 = arith.mulf %parallel_loop3A_580, %parallel_loop3A_582 : vector<16xf32>
        %parallel_loop3A_584 = arith.constant 7 : i32
        %parallel_loop3A_585 = arith.index_cast %parallel_loop3A_584 : i32 to index
        %parallel_loop3A_586 = arith.index_cast %parallel_loop3A_558 : i32 to index
        %parallel_loop3A_587 = arith.constant 16 : index
        %parallel_loop3A_588 = tpu.vector_load %arg6[%parallel_loop3A_585, %parallel_loop3A_586, %parallel_loop3A_587] {strides = array<i32>} : memref<8x128x64xf32, #tpu.memory_space<vmem>>, vector<1x1x16xf32>,
        %parallel_loop3A_589 = vector.shape_cast %parallel_loop3A_588 : vector<1x1x16xf32> to vector<16xf32>
        %parallel_loop3A_590 = vector.shape_cast %parallel_loop3A_583 : vector<16xf32> to vector<1x1x16xf32>
        tpu.vector_store %arg6[%parallel_loop3A_585, %parallel_loop3A_586, %parallel_loop3A_587], %parallel_loop3A_590 {strides = array<i32>} : memref<8x128x64xf32, #tpu.memory_space<vmem>>, vector<1x1x16xf32>,
        %parallel_loop3A_591 = arith.constant 7 : i32
        %parallel_loop3A_592 = arith.index_cast %parallel_loop3A_591 : i32 to index
        %parallel_loop3A_593 = arith.index_cast %parallel_loop3A_558 : i32 to index
        %parallel_loop3A_594 = arith.constant 32 : index
        %parallel_loop3A_595 = tpu.vector_load %arg6[%parallel_loop3A_592, %parallel_loop3A_593, %parallel_loop3A_594] {strides = array<i32>} : memref<8x128x64xf32, #tpu.memory_space<vmem>>, vector<1x1x16xf32>,
        %parallel_loop3A_596 = vector.shape_cast %parallel_loop3A_595 : vector<1x1x16xf32> to vector<16xf32>
        %parallel_loop3A_597 = arith.constant 8.000000e+00 : f32
        %parallel_loop3A_598 = vector.broadcast %parallel_loop3A_597 : f32 to vector<16xf32>
        %parallel_loop3A_599 = arith.mulf %parallel_loop3A_596, %parallel_loop3A_598 : vector<16xf32>
        %parallel_loop3A_600 = arith.constant 7 : i32
        %parallel_loop3A_601 = arith.index_cast %parallel_loop3A_600 : i32 to index
        %parallel_loop3A_602 = arith.index_cast %parallel_loop3A_558 : i32 to index
        %parallel_loop3A_603 = arith.constant 32 : index
        %parallel_loop3A_604 = tpu.vector_load %arg6[%parallel_loop3A_601, %parallel_loop3A_602, %parallel_loop3A_603] {strides = array<i32>} : memref<8x128x64xf32, #tpu.memory_space<vmem>>, vector<1x1x16xf32>,
        %parallel_loop3A_605 = vector.shape_cast %parallel_loop3A_604 : vector<1x1x16xf32> to vector<16xf32>
        %parallel_loop3A_606 = vector.shape_cast %parallel_loop3A_599 : vector<16xf32> to vector<1x1x16xf32>
        tpu.vector_store %arg6[%parallel_loop3A_601, %parallel_loop3A_602, %parallel_loop3A_603], %parallel_loop3A_606 {strides = array<i32>} : memref<8x128x64xf32, #tpu.memory_space<vmem>>, vector<1x1x16xf32>,
        %parallel_loop3A_607 = arith.constant 7 : i32
        %parallel_loop3A_608 = arith.index_cast %parallel_loop3A_607 : i32 to index
        %parallel_loop3A_609 = arith.index_cast %parallel_loop3A_558 : i32 to index
        %parallel_loop3A_610 = arith.constant 48 : index
        %parallel_loop3A_611 = tpu.vector_load %arg6[%parallel_loop3A_608, %parallel_loop3A_609, %parallel_loop3A_610] {strides = array<i32>} : memref<8x128x64xf32, #tpu.memory_space<vmem>>, vector<1x1x16xf32>,
        %parallel_loop3A_612 = vector.shape_cast %parallel_loop3A_611 : vector<1x1x16xf32> to vector<16xf32>
        %parallel_loop3A_613 = arith.constant 8.000000e+00 : f32
        %parallel_loop3A_614 = vector.broadcast %parallel_loop3A_613 : f32 to vector<16xf32>
        %parallel_loop3A_615 = arith.mulf %parallel_loop3A_612, %parallel_loop3A_614 : vector<16xf32>
        %parallel_loop3A_616 = arith.constant 7 : i32
        %parallel_loop3A_617 = arith.index_cast %parallel_loop3A_616 : i32 to index
        %parallel_loop3A_618 = arith.index_cast %parallel_loop3A_558 : i32 to index
        %parallel_loop3A_619 = arith.constant 48 : index
        %parallel_loop3A_620 = tpu.vector_load %arg6[%parallel_loop3A_617, %parallel_loop3A_618, %parallel_loop3A_619] {strides = array<i32>} : memref<8x128x64xf32, #tpu.memory_space<vmem>>, vector<1x1x16xf32>,
        %parallel_loop3A_621 = vector.shape_cast %parallel_loop3A_620 : vector<1x1x16xf32> to vector<16xf32>
        %parallel_loop3A_622 = vector.shape_cast %parallel_loop3A_615 : vector<16xf32> to vector<1x1x16xf32>
        tpu.vector_store %arg6[%parallel_loop3A_617, %parallel_loop3A_618, %parallel_loop3A_619], %parallel_loop3A_622 {strides = array<i32>} : memref<8x128x64xf32, #tpu.memory_space<vmem>>, vector<1x1x16xf32>,
      } {sc.loop_unroll_factor = 8 : i64, sc.parallel_access}
      %mul3A_542 = arith.constant 128 : i32
      %mul3A_543 = arith.muli %add3A_516, %mul3A_542 : i32
      %add3A_544 = arith.addi %mul3A_2, %mul3A_543 : i32
      %dma_start3A_545 = arith.constant 7 : i32
      %dma_start3A_546 = arith.constant 0 : i32
      %dma_start3A_547 = arith.constant 0 : i32
      %dma_start3A_548 = tpu.memref_slice %arg6[%dma_start3A_545, %dma_start3A_546, %dma_start3A_547] : memref<8x128x64xf32, #tpu.memory_space<vmem>> -> memref<1x128x64xf32, #tpu.memory_space<vmem>>
      %dma_start3A_549 = tpu.memref_squeeze %dma_start3A_548 : memref<1x128x64xf32, #tpu.memory_space<vmem>> -> memref<128x64xf32, #tpu.memory_space<vmem>>
      %dma_start3A_550 = arith.constant 0 : i32
      %dma_start3A_551 = tpu.memref_slice %arg4[%add3A_544, %dma_start3A_550] : memref<819200x64xf32, #tpu.memory_space<hbm>> -> memref<128x64xf32, #tpu.memory_space<hbm>>
      %dma_start3A_552 = arith.constant 0 : i32
      %dma_start3A_553 = tpu.memref_slice %arg4[%add3A_544, %dma_start3A_552] : memref<819200x64xf32, #tpu.memory_space<hbm>> -> memref<128x64xf32, #tpu.memory_space<hbm>>
      %dma_start3A_554 = arith.constant 0 : i32
      %dma_start3A_555 = arith.constant 0 : i32
      %dma_start3A_556 = tpu.memref_slice %arg6[%dma_start3A_545, %dma_start3A_554, %dma_start3A_555] : memref<8x128x64xf32, #tpu.memory_space<vmem>> -> memref<1x128x64xf32, #tpu.memory_space<vmem>>
      %dma_start3A_557 = tpu.memref_squeeze %dma_start3A_556 : memref<1x128x64xf32, #tpu.memory_space<vmem>> -> memref<128x64xf32, #tpu.memory_space<vmem>>
      tpu.enqueue_dma source(%dma_start3A_557 : memref<128x64xf32, #tpu.memory_space<vmem>>) target(%dma_start3A_553 : memref<128x64xf32, #tpu.memory_space<hbm>>) target_semaphore(%arg22 : memref<!tpu.dma_semaphore, #tpu.memory_space<semaphore_mem>>)
    }
    %scan3A_98 = arith.constant 25 : i32
    %dma_wait3A = arith.constant 0 : i32
    %dma_wait3A_99 = arith.constant 0 : i32
    %dma_wait3A_100 = arith.constant 0 : i32
    %dma_wait3A_101 = tpu.memref_slice %arg6[%dma_wait3A, %dma_wait3A_99, %dma_wait3A_100] : memref<8x128x64xf32, #tpu.memory_space<vmem>> -> memref<1x128x64xf32, #tpu.memory_space<vmem>>
    %dma_wait3A_102 = tpu.memref_squeeze %dma_wait3A_101 : memref<1x128x64xf32, #tpu.memory_space<vmem>> -> memref<128x64xf32, #tpu.memory_space<vmem>>
    %dma_wait3A_103 = arith.constant 0 : i32
    %dma_wait3A_104 = tpu.memref_slice %arg4[%mul3A_2, %dma_wait3A_103] : memref<819200x64xf32, #tpu.memory_space<hbm>> -> memref<128x64xf32, #tpu.memory_space<hbm>>
    %dma_wait3A_105 = arith.constant 0 : i32
    %dma_wait3A_106 = tpu.memref_slice %arg4[%mul3A_2, %dma_wait3A_105] : memref<819200x64xf32, #tpu.memory_space<hbm>> -> memref<128x64xf32, #tpu.memory_space<hbm>>
    %dma_wait3A_107 = arith.constant 0 : i32
    %dma_wait3A_108 = arith.constant 0 : i32
    %dma_wait3A_109 = tpu.memref_slice %arg6[%dma_wait3A, %dma_wait3A_107, %dma_wait3A_108] : memref<8x128x64xf32, #tpu.memory_space<vmem>> -> memref<1x128x64xf32, #tpu.memory_space<vmem>>
    %dma_wait3A_110 = tpu.memref_squeeze %dma_wait3A_109 : memref<1x128x64xf32, #tpu.memory_space<vmem>> -> memref<128x64xf32, #tpu.memory_space<vmem>>
    tpu.wait_dma2 semaphore(%arg15 : memref<!tpu.dma_semaphore, #tpu.memory_space<semaphore_mem>>) src(%dma_wait3A_110 : memref<128x64xf32, #tpu.memory_space<vmem>>) dst(%dma_wait3A_106 : memref<128x64xf32, #tpu.memory_space<hbm>>)
    %dma_wait3A_111 = arith.constant 1 : i32
    %dma_wait3A_112 = arith.constant 0 : i32
    %dma_wait3A_113 = arith.constant 0 : i32
    %dma_wait3A_114 = tpu.memref_slice %arg6[%dma_wait3A_111, %dma_wait3A_112, %dma_wait3A_113] : memref<8x128x64xf32, #tpu.memory_space<vmem>> -> memref<1x128x64xf32, #tpu.memory_space<vmem>>
    %dma_wait3A_115 = tpu.memref_squeeze %dma_wait3A_114 : memref<1x128x64xf32, #tpu.memory_space<vmem>> -> memref<128x64xf32, #tpu.memory_space<vmem>>
    %dma_wait3A_116 = arith.constant 0 : i32
    %dma_wait3A_117 = tpu.memref_slice %arg4[%mul3A_2, %dma_wait3A_116] : memref<819200x64xf32, #tpu.memory_space<hbm>> -> memref<128x64xf32, #tpu.memory_space<hbm>>
    %dma_wait3A_118 = arith.constant 0 : i32
    %dma_wait3A_119 = tpu.memref_slice %arg4[%mul3A_2, %dma_wait3A_118] : memref<819200x64xf32, #tpu.memory_space<hbm>> -> memref<128x64xf32, #tpu.memory_space<hbm>>
    %dma_wait3A_120 = arith.constant 0 : i32
    %dma_wait3A_121 = arith.constant 0 : i32
    %dma_wait3A_122 = tpu.memref_slice %arg6[%dma_wait3A_111, %dma_wait3A_120, %dma_wait3A_121] : memref<8x128x64xf32, #tpu.memory_space<vmem>> -> memref<1x128x64xf32, #tpu.memory_space<vmem>>
    %dma_wait3A_123 = tpu.memref_squeeze %dma_wait3A_122 : memref<1x128x64xf32, #tpu.memory_space<vmem>> -> memref<128x64xf32, #tpu.memory_space<vmem>>
    tpu.wait_dma2 semaphore(%arg16 : memref<!tpu.dma_semaphore, #tpu.memory_space<semaphore_mem>>) src(%dma_wait3A_123 : memref<128x64xf32, #tpu.memory_space<vmem>>) dst(%dma_wait3A_119 : memref<128x64xf32, #tpu.memory_space<hbm>>)
    %dma_wait3A_124 = arith.constant 2 : i32
    %dma_wait3A_125 = arith.constant 0 : i32
    %dma_wait3A_126 = arith.constant 0 : i32
    %dma_wait3A_127 = tpu.memref_slice %arg6[%dma_wait3A_124, %dma_wait3A_125, %dma_wait3A_126] : memref<8x128x64xf32, #tpu.memory_space<vmem>> -> memref<1x128x64xf32, #tpu.memory_space<vmem>>
    %dma_wait3A_128 = tpu.memref_squeeze %dma_wait3A_127 : memref<1x128x64xf32, #tpu.memory_space<vmem>> -> memref<128x64xf32, #tpu.memory_space<vmem>>
    %dma_wait3A_129 = arith.constant 0 : i32
    %dma_wait3A_130 = tpu.memref_slice %arg4[%mul3A_2, %dma_wait3A_129] : memref<819200x64xf32, #tpu.memory_space<hbm>> -> memref<128x64xf32, #tpu.memory_space<hbm>>
    %dma_wait3A_131 = arith.constant 0 : i32
    %dma_wait3A_132 = tpu.memref_slice %arg4[%mul3A_2, %dma_wait3A_131] : memref<819200x64xf32, #tpu.memory_space<hbm>> -> memref<128x64xf32, #tpu.memory_space<hbm>>
    %dma_wait3A_133 = arith.constant 0 : i32
    %dma_wait3A_134 = arith.constant 0 : i32
    %dma_wait3A_135 = tpu.memref_slice %arg6[%dma_wait3A_124, %dma_wait3A_133, %dma_wait3A_134] : memref<8x128x64xf32, #tpu.memory_space<vmem>> -> memref<1x128x64xf32, #tpu.memory_space<vmem>>
    %dma_wait3A_136 = tpu.memref_squeeze %dma_wait3A_135 : memref<1x128x64xf32, #tpu.memory_space<vmem>> -> memref<128x64xf32, #tpu.memory_space<vmem>>
    tpu.wait_dma2 semaphore(%arg17 : memref<!tpu.dma_semaphore, #tpu.memory_space<semaphore_mem>>) src(%dma_wait3A_136 : memref<128x64xf32, #tpu.memory_space<vmem>>) dst(%dma_wait3A_132 : memref<128x64xf32, #tpu.memory_space<hbm>>)
    %dma_wait3A_137 = arith.constant 3 : i32
    %dma_wait3A_138 = arith.constant 0 : i32
    %dma_wait3A_139 = arith.constant 0 : i32
    %dma_wait3A_140 = tpu.memref_slice %arg6[%dma_wait3A_137, %dma_wait3A_138, %dma_wait3A_139] : memref<8x128x64xf32, #tpu.memory_space<vmem>> -> memref<1x128x64xf32, #tpu.memory_space<vmem>>
    %dma_wait3A_141 = tpu.memref_squeeze %dma_wait3A_140 : memref<1x128x64xf32, #tpu.memory_space<vmem>> -> memref<128x64xf32, #tpu.memory_space<vmem>>
    %dma_wait3A_142 = arith.constant 0 : i32
    %dma_wait3A_143 = tpu.memref_slice %arg4[%mul3A_2, %dma_wait3A_142] : memref<819200x64xf32, #tpu.memory_space<hbm>> -> memref<128x64xf32, #tpu.memory_space<hbm>>
    %dma_wait3A_144 = arith.constant 0 : i32
    %dma_wait3A_145 = tpu.memref_slice %arg4[%mul3A_2, %dma_wait3A_144] : memref<819200x64xf32, #tpu.memory_space<hbm>> -> memref<128x64xf32, #tpu.memory_space<hbm>>
    %dma_wait3A_146 = arith.constant 0 : i32
    %dma_wait3A_147 = arith.constant 0 : i32
    %dma_wait3A_148 = tpu.memref_slice %arg6[%dma_wait3A_137, %dma_wait3A_146, %dma_wait3A_147] : memref<8x128x64xf32, #tpu.memory_space<vmem>> -> memref<1x128x64xf32, #tpu.memory_space<vmem>>
    %dma_wait3A_149 = tpu.memref_squeeze %dma_wait3A_148 : memref<1x128x64xf32, #tpu.memory_space<vmem>> -> memref<128x64xf32, #tpu.memory_space<vmem>>
    tpu.wait_dma2 semaphore(%arg18 : memref<!tpu.dma_semaphore, #tpu.memory_space<semaphore_mem>>) src(%dma_wait3A_149 : memref<128x64xf32, #tpu.memory_space<vmem>>) dst(%dma_wait3A_145 : memref<128x64xf32, #tpu.memory_space<hbm>>)
    %dma_wait3A_150 = arith.constant 4 : i32
    %dma_wait3A_151 = arith.constant 0 : i32
    %dma_wait3A_152 = arith.constant 0 : i32
    %dma_wait3A_153 = tpu.memref_slice %arg6[%dma_wait3A_150, %dma_wait3A_151, %dma_wait3A_152] : memref<8x128x64xf32, #tpu.memory_space<vmem>> -> memref<1x128x64xf32, #tpu.memory_space<vmem>>
    %dma_wait3A_154 = tpu.memref_squeeze %dma_wait3A_153 : memref<1x128x64xf32, #tpu.memory_space<vmem>> -> memref<128x64xf32, #tpu.memory_space<vmem>>
    %dma_wait3A_155 = arith.constant 0 : i32
    %dma_wait3A_156 = tpu.memref_slice %arg4[%mul3A_2, %dma_wait3A_155] : memref<819200x64xf32, #tpu.memory_space<hbm>> -> memref<128x64xf32, #tpu.memory_space<hbm>>
    %dma_wait3A_157 = arith.constant 0 : i32
    %dma_wait3A_158 = tpu.memref_slice %arg4[%mul3A_2, %dma_wait3A_157] : memref<819200x64xf32, #tpu.memory_space<hbm>> -> memref<128x64xf32, #tpu.memory_space<hbm>>
    %dma_wait3A_159 = arith.constant 0 : i32
    %dma_wait3A_160 = arith.constant 0 : i32
    %dma_wait3A_161 = tpu.memref_slice %arg6[%dma_wait3A_150, %dma_wait3A_159, %dma_wait3A_160] : memref<8x128x64xf32, #tpu.memory_space<vmem>> -> memref<1x128x64xf32, #tpu.memory_space<vmem>>
    %dma_wait3A_162 = tpu.memref_squeeze %dma_wait3A_161 : memref<1x128x64xf32, #tpu.memory_space<vmem>> -> memref<128x64xf32, #tpu.memory_space<vmem>>
    tpu.wait_dma2 semaphore(%arg19 : memref<!tpu.dma_semaphore, #tpu.memory_space<semaphore_mem>>) src(%dma_wait3A_162 : memref<128x64xf32, #tpu.memory_space<vmem>>) dst(%dma_wait3A_158 : memref<128x64xf32, #tpu.memory_space<hbm>>)
    %dma_wait3A_163 = arith.constant 5 : i32
    %dma_wait3A_164 = arith.constant 0 : i32
    %dma_wait3A_165 = arith.constant 0 : i32
    %dma_wait3A_166 = tpu.memref_slice %arg6[%dma_wait3A_163, %dma_wait3A_164, %dma_wait3A_165] : memref<8x128x64xf32, #tpu.memory_space<vmem>> -> memref<1x128x64xf32, #tpu.memory_space<vmem>>
    %dma_wait3A_167 = tpu.memref_squeeze %dma_wait3A_166 : memref<1x128x64xf32, #tpu.memory_space<vmem>> -> memref<128x64xf32, #tpu.memory_space<vmem>>
    %dma_wait3A_168 = arith.constant 0 : i32
    %dma_wait3A_169 = tpu.memref_slice %arg4[%mul3A_2, %dma_wait3A_168] : memref<819200x64xf32, #tpu.memory_space<hbm>> -> memref<128x64xf32, #tpu.memory_space<hbm>>
    %dma_wait3A_170 = arith.constant 0 : i32
    %dma_wait3A_171 = tpu.memref_slice %arg4[%mul3A_2, %dma_wait3A_170] : memref<819200x64xf32, #tpu.memory_space<hbm>> -> memref<128x64xf32, #tpu.memory_space<hbm>>
    %dma_wait3A_172 = arith.constant 0 : i32
    %dma_wait3A_173 = arith.constant 0 : i32
    %dma_wait3A_174 = tpu.memref_slice %arg6[%dma_wait3A_163, %dma_wait3A_172, %dma_wait3A_173] : memref<8x128x64xf32, #tpu.memory_space<vmem>> -> memref<1x128x64xf32, #tpu.memory_space<vmem>>
    %dma_wait3A_175 = tpu.memref_squeeze %dma_wait3A_174 : memref<1x128x64xf32, #tpu.memory_space<vmem>> -> memref<128x64xf32, #tpu.memory_space<vmem>>
    tpu.wait_dma2 semaphore(%arg20 : memref<!tpu.dma_semaphore, #tpu.memory_space<semaphore_mem>>) src(%dma_wait3A_175 : memref<128x64xf32, #tpu.memory_space<vmem>>) dst(%dma_wait3A_171 : memref<128x64xf32, #tpu.memory_space<hbm>>)
    %dma_wait3A_176 = arith.constant 6 : i32
    %dma_wait3A_177 = arith.constant 0 : i32
    %dma_wait3A_178 = arith.constant 0 : i32
    %dma_wait3A_179 = tpu.memref_slice %arg6[%dma_wait3A_176, %dma_wait3A_177, %dma_wait3A_178] : memref<8x128x64xf32, #tpu.memory_space<vmem>> -> memref<1x128x64xf32, #tpu.memory_space<vmem>>
    %dma_wait3A_180 = tpu.memref_squeeze %dma_wait3A_179 : memref<1x128x64xf32, #tpu.memory_space<vmem>> -> memref<128x64xf32, #tpu.memory_space<vmem>>
    %dma_wait3A_181 = arith.constant 0 : i32
    %dma_wait3A_182 = tpu.memref_slice %arg4[%mul3A_2, %dma_wait3A_181] : memref<819200x64xf32, #tpu.memory_space<hbm>> -> memref<128x64xf32, #tpu.memory_space<hbm>>
    %dma_wait3A_183 = arith.constant 0 : i32
    %dma_wait3A_184 = tpu.memref_slice %arg4[%mul3A_2, %dma_wait3A_183] : memref<819200x64xf32, #tpu.memory_space<hbm>> -> memref<128x64xf32, #tpu.memory_space<hbm>>
    %dma_wait3A_185 = arith.constant 0 : i32
    %dma_wait3A_186 = arith.constant 0 : i32
    %dma_wait3A_187 = tpu.memref_slice %arg6[%dma_wait3A_176, %dma_wait3A_185, %dma_wait3A_186] : memref<8x128x64xf32, #tpu.memory_space<vmem>> -> memref<1x128x64xf32, #tpu.memory_space<vmem>>
    %dma_wait3A_188 = tpu.memref_squeeze %dma_wait3A_187 : memref<1x128x64xf32, #tpu.memory_space<vmem>> -> memref<128x64xf32, #tpu.memory_space<vmem>>
    tpu.wait_dma2 semaphore(%arg21 : memref<!tpu.dma_semaphore, #tpu.memory_space<semaphore_mem>>) src(%dma_wait3A_188 : memref<128x64xf32, #tpu.memory_space<vmem>>) dst(%dma_wait3A_184 : memref<128x64xf32, #tpu.memory_space<hbm>>)
    %dma_wait3A_189 = arith.constant 7 : i32
    %dma_wait3A_190 = arith.constant 0 : i32
    %dma_wait3A_191 = arith.constant 0 : i32
    %dma_wait3A_192 = tpu.memref_slice %arg6[%dma_wait3A_189, %dma_wait3A_190, %dma_wait3A_191] : memref<8x128x64xf32, #tpu.memory_space<vmem>> -> memref<1x128x64xf32, #tpu.memory_space<vmem>>
    %dma_wait3A_193 = tpu.memref_squeeze %dma_wait3A_192 : memref<1x128x64xf32, #tpu.memory_space<vmem>> -> memref<128x64xf32, #tpu.memory_space<vmem>>
    %dma_wait3A_194 = arith.constant 0 : i32
    %dma_wait3A_195 = tpu.memref_slice %arg4[%mul3A_2, %dma_wait3A_194] : memref<819200x64xf32, #tpu.memory_space<hbm>> -> memref<128x64xf32, #tpu.memory_space<hbm>>
    %dma_wait3A_196 = arith.constant 0 : i32
    %dma_wait3A_197 = tpu.memref_slice %arg4[%mul3A_2, %dma_wait3A_196] : memref<819200x64xf32, #tpu.memory_space<hbm>> -> memref<128x64xf32, #tpu.memory_space<hbm>>
    %dma_wait3A_198 = arith.constant 0 : i32
    %dma_wait3A_199 = arith.constant 0 : i32
    %dma_wait3A_200 = tpu.memref_slice %arg6[%dma_wait3A_189, %dma_wait3A_198, %dma_wait3A_199] : memref<8x128x64xf32, #tpu.memory_space<vmem>> -> memref<1x128x64xf32, #tpu.memory_space<vmem>>
    %dma_wait3A_201 = tpu.memref_squeeze %dma_wait3A_200 : memref<1x128x64xf32, #tpu.memory_space<vmem>> -> memref<128x64xf32, #tpu.memory_space<vmem>>
    tpu.wait_dma2 semaphore(%arg22 : memref<!tpu.dma_semaphore, #tpu.memory_space<semaphore_mem>>) src(%dma_wait3A_201 : memref<128x64xf32, #tpu.memory_space<vmem>>) dst(%dma_wait3A_197 : memref<128x64xf32, #tpu.memory_space<hbm>>)
    return
  }
}

</mosaic_0001>

<sc_bundles>
// kernel: _embed_flat.3.cloned.1.call-start
scs
__scs_entry_jumppad:
0x0: {  	(pc) =	sbr.rel $0x88, $3  }
0x1: {  	(tag) =	ssettag $0x0;
	lr =	simm.s32 $0x1  }
0x2: {  	[smem:$0x3F9F] =	sst lr;
	_ =	strace $0xD0000000  }
0x3: {  	_ = 	snop  }
0x4: {  	_ = 	snop  }
0x5: {  	_ = 	snop  }
0x6: {  	_ = 	snop  }
0x7: {  	_ = 	snop  }
__scs_overlays_trampoline_lowered:
0x8: {  	[smem:$0x3FAE] =	sst s0  }
0x9: {  	[smem:$0x3FAF] =	sst s1  }
0xa: {  	[smem:$0x3FB0] =	sst s2  }
0xb: {  	[smem:$0x3FB1] =	sst s3  }
0xc: {  	[smem:$0x3FB2] =	sst s4  }
0xd: {  	[smem:$0x3FB3] =	sst s5  }
0xe: {  	[smem:$0x3FB4] =	sst s6  }
0xf: {  	[smem:$0x3FB5] =	sst s7  }
0x10: {  	[smem:$0x3FB6] =	sst s8  }
0x11: {  	[smem:$0x3FB7] =	sst s9;
	s0 =	simm.s32 @!p0 $0x0  }
0x12: {  	s1 =	sld [smem:$0x3F9D];
	s0 =	simm.s32 @p0 $0x1  }
0x13: {  	[smem:$0x3FB8] =	sst s0;
	s0 =	simm.s32 @!p1 $0x0  }
0x14: {  	s2 =	sld [smem:$0x3F9C];
	s0 =	simm.s32 @p1 $0x1  }
0x15: {  	[smem:$0x3FB9] =	sst s0;
	s0 =	simm.s32 @!p2 $0x0  }
0x16: {  	s3 =	sld [smem:$0x3FDB];
	s0 =	simm.s32 @p2 $0x1  }
0x17: {  	s4 =	simm.s32 $0x1BF5;
	[smem:$0x3FBB] =	sst s0  }
0x18: {  	s0 =	sld [smem:$0x3F9E];
	_ =	swait.ge [sflag:s4], $0x0  }
0x19: {  	s7 =	sld [smem:$0x3F9F]  }
0x1a: {  	s8 =	sadd.s32 $0xFFFFE003, lr  }
0x1b: {  	s9 =	sadd.s32 $0xFFFFFEF7, lr;
	s5 =	simm.s32 $0xFFFFFFFF;
	p2 =	slt.u32 s8, $0xFFFFF086  }
0x1c: {  	p1 =	slt.u32 s9, $0xF7A;
	s5 =	simm.s32 @!p2 $0x0  }
0x1d: {  	s5 =	simm.s32 @p1 $0x1;
	p0 =	seq.s32 s7, s2  }
0x1e: {  	s7 =	smul.u32 @!p0 $0xF7A, s2;
	p2 =	seq.s32 @!p0 s5, $0x0  }
0x1f: {  	s9 =	smul.u32 $0xF7A, s1;
	s8 =	simm.s32 @!p0 $0x1BF5;
	p2 =	por !p2, p0  }
0x20: {  	[sflag:s8] =	ssyncset.s32 @!p0 $0xFFFFF086;
	s6 =	sadd.s32 @!p0 s3, s7;
	s7 =	simm.s32 @!p0 $0x108  }
0x21: {  	s3 =	sadd.s32 s3, s9;
	s6 =	sadd.s32 @!p0 $0x88, s6;
	s7 =	simm.s32 @p2 $0x1082  }
0x22: {  	[simem:s7], [sflag:s8] =	dma.local @!p0 [hbm:s6], $0xF7A  }
0x23: {  	s9 =	sor.u32 $0xD0000000, s2;
	s6 =	simm.s32 $0x108;
	_ =	swait.ge @!p0 [sflag:s8], $0x0  }
0x24: {  	s3 =	sadd.s32 $0x88, s3;
	s6 =	simm.s32 @!p1 $0x1082;
	[sflag:s4] =	ssyncset.s32 $0xFFFFF086  }
0x25: {  	[simem:s6], [sflag:s4] =	dma.local [hbm:s3], $0xF7A  }
0x26: {  	[smem:$0x3F9F] =	sst s1;
	(tag) =	ssettag s2;
	_ =	strace s9  }
0x27: {  	s1 =	sld [smem:$0x3FAF]  }
0x28: {  	s2 =	sld [smem:$0x3FB0]  }
0x29: {  	s4 =	sld [smem:$0x3FB2]  }
0x2a: {  	p0 =	seq.s32 s5, $0x0;
	s5 =	sld [smem:$0x3FB3]  }
0x2b: {  	s6 =	sld [smem:$0x3FB4]  }
0x2c: {  	s7 =	sld [smem:$0x3FB5]  }
0x2d: {  	s3 =	simm.s32 $0x108;
	s8 =	sld [smem:$0x3FB6]  }
0x2e: {  	s3 =	simm.s32 @!p0 $0x1082;
	s9 =	sld [smem:$0x3FB7]  }
0x2f: {  	lr =	sadd.s32 s0, s3;
	s0 =	sld [smem:$0x3FAE]  }
0x30: {  	s3 =	sld [smem:$0x3FB1]  }
0x31: {  	[smem:$0x3FBA] =	sst s10  }
0x32: {  	s10 =	sld [smem:$0x3FB8];
	_ =	sdelay $0x3  }
0x33: {  	p0 =	seq.s32 s10, $0x1;
	s10 =	sld [smem:$0x3FBA];
	_ =	sdelay $0x3  }
0x34: {  	[smem:$0x3FBA] =	sst s10  }
0x35: {  	s10 =	sld [smem:$0x3FB9];
	_ =	sdelay $0x3  }
0x36: {  	p1 =	seq.s32 s10, $0x1;
	s10 =	sld [smem:$0x3FBA];
	_ =	sdelay $0x3  }
0x37: {  	[smem:$0x3FBA] =	sst s10  }
0x38: {  	s10 =	sld [smem:$0x3FBB]  }
0x39: {  	_ = 	snop;
	(pc) =	sbr.ind lr, $3  }
0x3a: {  	_ = 	snop  }
0x3b: {  	_ = 	snop  }
0x3c: {  	p2 =	seq.s32 s10, $0x1;
	s10 =	sld [smem:$0x3FBA]  }
0x3d: {  	_ =	shalt  }
0x3e: {  	_ =	shalt  }
0x3f: {  	_ =	shalt  }
0x40: {  	_ =	shalt  }
0x41: {  	_ =	shalt  }
0x42: {  	_ =	shalt  }
0x43: {  	_ =	shalt  }
0x44: {  	_ =	shalt  }
0x45: {  	_ =	shalt  }
0x46: {  	_ =	shalt  }
0x47: {  	_ =	shalt  }
0x48: {  	_ =	shalt  }
0x49: {  	_ =	shalt  }
0x4a: {  	_ =	shalt  }
0x4b: {  	_ =	shalt  }
0x4c: {  	_ =	shalt  }
0x4d: {  	_ =	shalt  }
0x4e: {  	_ =	shalt  }
0x4f: {  	_ =	shalt  }
0x50: {  	_ =	shalt  }
0x51: {  	_ =	shalt  }
0x52: {  	_ =	shalt  }
0x53: {  	_ =	shalt  }
0x54: {  	_ =	shalt  }
0x55: {  	_ =	shalt  }
0x56: {  	_ =	shalt  }
0x57: {  	_ =	shalt  }
0x58: {  	_ =	shalt  }
0x59: {  	_ =	shalt  }
0x5a: {  	_ =	shalt  }
0x5b: {  	_ =	shalt  }
0x5c: {  	_ =	shalt  }
0x5d: {  	_ =	shalt  }
0x5e: {  	_ =	shalt  }
0x5f: {  	_ =	shalt  }
0x60: {  	_ =	shalt  }
0x61: {  	_ =	shalt  }
0x62: {  	_ =	shalt  }
0x63: {  	_ =	shalt  }
0x64: {  	_ =	shalt  }
0x65: {  	_ =	shalt  }
0x66: {  	_ =	shalt  }
0x67: {  	_ =	shalt  }
0x68: {  	_ =	shalt  }
0x69: {  	_ =	shalt  }
0x6a: {  	_ =	shalt  }
0x6b: {  	_ =	shalt  }
0x6c: {  	_ =	shalt  }
0x6d: {  	_ =	shalt  }
0x6e: {  	_ =	shalt  }
0x6f: {  	_ =	shalt  }
0x70: {  	_ =	shalt  }
0x71: {  	_ =	shalt  }
0x72: {  	_ =	shalt  }
0x73: {  	_ =	shalt  }
0x74: {  	_ =	shalt  }
0x75: {  	_ =	shalt  }
0x76: {  	_ =	shalt  }
0x77: {  	_ =	shalt  }
0x78: {  	_ =	shalt  }
0x79: {  	_ =	shalt  }
0x7a: {  	_ =	shalt  }
0x7b: {  	_ =	shalt  }
0x7c: {  	_ =	shalt  }
0x7d: {  	_ =	shalt  }
0x7e: {  	_ =	shalt  }
0x7f: {  	_ =	shalt  }
0x80: {  	_ =	shalt  }
0x81: {  	_ =	shalt  }
0x82: {  	_ =	shalt  }
0x83: {  	_ =	shalt  }
0x84: {  	_ =	shalt  }
0x85: {  	_ =	shalt  }
0x86: {  	_ =	shalt  }
0x87: {  	_ =	shalt  }
.Lfunc_end0:
.L_simem_size_0:
called_computation.1_lowered:
.L_overlay_start_0:
0x88: {  	s2 =	sld [smem:$0x3FD9]  }
0x89: {  	s3 =	sld [smem:$0x3FFE];
	_ =	sdelay $0x1  }
0x8a: {  	s1 =	srdreg.scid  }
0x8b: {  	s0 =	sand.u32 $0x1, s1  }
0x8c: {  	s17 =	sshll.u32 s0, $0xA;
	s2 =	sadd.s32 s3, s2  }
0x8d: {  	s2 =	sadd.s32 s2, s17  }
0x8e: {  	[smem:$0x3FC6] =	sst s2  }
0x8f: {  	_ = 	snop  }
0x90: {  	s2 =	sld [smem:$0x3FC9]  }
0x91: {  	s18 =	sld [smem:$0x3FD0];
	(tm) =	ssettm $0x1  }
0x92: {  	s4 =	sld [smem:$0x3FFB];
	_ =	sdelay $0x3  }
0x93: {  	_ =	strace s4  }
0x94: {  	s4 =	sld [smem:$0x3FFC];
	_ =	sdelay $0x3  }
0x95: {  	_ =	strace s4  }
0x96: {  	s4 =	sld [smem:$0x3FFD];
	_ =	sdelay $0x3  }
0x97: {  	_ =	strace s4  }
0x98: {  	_ =	strace $0x8FFFFFFF  }
0x99: {  	s19 =	sld [smem:$0x3FDB];
	_ =	sdelay $0x1  }
0x9a: {  	s5 =	simm.s32 $_scs_section_size  }
0x9b: {  	s6 =	simm.s32 $_size__tile_overlayer_lowered;
	s7 =	simm.s32 $_tile_overlayer_lowered  }
0x9c: {  	s22 =	simm.s32 $0x1BFF;
	s21 =	sshll.u32 s7, $0x1;
	s4 =	sadd.s32 s5, s19  }
0x9d: {  	s8 =	simm.s32 $0x0;
	s20 =	sshll.u32 s6, $0x1;
	s6 =	sadd.s32 s21, s4  }
0x9e: {  	[timem:s8], [sflag:s22] =	dma.local [hbm:s6], s20  }
0x9f: {  	_ =	swait.ge [sflag:s22], s20  }
0xa0: {  	s5 =	ssub.s32 $0x0, s20;
	[sflag:s22] =	ssyncset.done $0x0  }
0xa1: {  	[sflag:s22] =	ssyncadd.s32 s5;
	_ =	sdelay $0x1  }
0xa2: {  	s23 =	simm.s32 $0x1B8B  }
0xa3: {  	_ =	swait.ge [sflag:s23], $0x1  }
0xa4: {  	[sflag:s23] =	ssyncset.done $0x0  }
0xa5: {  	s25 =	simm.s32 $0x1B8E;
	s24 =	sld [smem:$0x3FFE];
	[sflag:s23] =	ssyncadd.s32 $0xFFFFFFFF  }
0xa6: {  	s26 =	simm.s32 $execute0_lowered;
	[smem:$0x3FD2] =	sst s25  }
0xa7: {  	s6 =	sshll.u32 s26, $0x1;
	_ =	strace $0x80000046;
	[dreg:$0x1] =	wrdreg $0xFFFFFFFF  }
0xa8: {  	s28 =	simm.s32 $_size_execute0_lowered;
	s4 =	sadd.s32 s4, s6;
	[dreg:$0x0] =	wrdreg $0x0  }
0xa9: {  	s6 =	sshll.u32 s28, $0x1;
	[dreg:$0x2] =	wrdreg s4  }
0xaa: {  	[dreg:$0x3] =	wrdreg s6  }
0xab: {  	[dreg:$0x4] =	wrdreg $0xC0  }
0xac: {  	_ =	task [dreg:s8], $0x5FFFF  }
0xad: {  	[dreg:$0x1] =	wrdreg $0xFFFFFFFF  }
0xae: {  	[dreg:$0x0] =	wrdreg $0x60  }
0xaf: {  	[dreg:$0x2] =	wrdreg s2  }
0xb0: {  	[dreg:$0x3] =	wrdreg s24  }
0xb1: {  	[dreg:$0x4] =	wrdreg s18  }
0xb2: {  	[dreg:$0x5] =	wrdreg $0x9  }
0xb3: {  	_ =	task.clear_ibuf [dreg:s8], $0x6FFFF;
	_ =	strace $0x90000046  }
0xb4: {  	s29 =	simm.s32 $0x9;
	_ =	strace $0x80000048  }
0xb5: {  	_ =	swait.ge [sflag:s29], $0x1  }
0xb6: {  	[sflag:s29] =	ssyncadd.s32 $0xFFFFFFFF  }
0xb7: {  	_ =	strace $0x90000048  }
0xb8: {  	_ =	sfence  }
0xb9: {  	s30 =	sld [smem:$0x0];
	_ =	sdelay $0x2  }
0xba: {  	s31 =	sshll.u32 s1, $0xD;
	s1 =	sshrl.u32 s1, $0x2  }
0xbb: {  	s3 =	sand.u32 $0x4000, s31;
	s1 =	sadd.s32 s1, s30  }
0xbc: {  	s0 =	sor.u32 s3, s0;
	s1 =	sshll.u32 s1, $0x11  }
0xbd: {  	s0 =	sor.u32 s1, s0  }
0xbe: {  	s0 =	sadd.s32 $0x8F2B, s0  }
0xbf: {  	[sflag:s0] =	ssyncadd.remote.s32 $0x1  }
0xc0: {  	_ =	sfence.sel $0xFFFF  }
0xc1: {  	[dreg:$0x0] =	wrdreg $0xFFFFFFFF;
	(pc) =	sbr.abs _section_cstart, $3  }
0xc2: {  	[dreg:$0x1] =	wrdreg $0xFFFFFFFF  }
0xc3: {  	_ =	task.clear_ibuf [dreg:s8], $0x2FFFF;
	_ =	strace $0x9FFFFFFF  }
0xc4: {  	(tm) =	ssettm $0x7FFFFFFF  }
0xc5: {  	_ =	shalt  }
tec
execute0_lowered:
.L_overlay_start_1:
0x0: {  	(tag) =	ssettag $0x1  }
0x1: {  	s0 =	rddreg [dreg:$0x0]  }
0x2: {  	s1 =	srdreg.scid;
	s2 =	stileid.u32  }
0x3: {  	s4 =	rddreg [dreg:$0x1];
	s16 =	simm.s32 $0x80;
	s22 =	simm.s32 $0xC400  }
0x4: {  	s24 =	simm.s32 $0xE400;
	s29 =	simm.s32 $0x12400;
	s31 =	simm.s32 $0x14400  }
0x5: {  	s19 =	simm.s32 $0x3;
	s21 =	simm.s32 $0x4;
	s23 =	simm.s32 $0x5  }
0x6: {  	s25 =	simm.s32 $0x6;
	s28 =	simm.s32 $0x7;
	s30 =	simm.s32 $0x8  }
0x7: {  	s14 =	simm.s32 $0x0;
	s1 =	sand.u32 $0x1, s1;
	s3 =	sshll.u32 s2, $0x1  }
0x8: {  	s2 =	rddreg [dreg:$0x2];
	s5 =	sor.u32 s1, s3;
	s3 =	simm.s32 $0x0  }
0x9: {  	s1 =	ssub.s32 $0x2, s1;
	s6 =	smul.u32 $0x6400, s5;
	[smem:$0x7FF] =	sst s3  }
0xa: {  	s4 =	sadd.s32 $0xF42C00, s4;
	s7 =	sshrl.u32 s1, $0x1;
	_ =	strace $0x80000047  }
0xb: {  	s1 =	ssub.s32 s1, s7;
	s7 =	smul.u32 $0x190000, s5;
	s8 =	sshrl.u32 s6, $0x3  }
0xc: {  	s9 =	sor.u32 $0x100, s6;
	s10 =	sor.u32 $0x180, s6;
	s11 =	sor.u32 $0x200, s6  }
0xd: {  	s12 =	sor.u32 $0x280, s6;
	s13 =	sor.u32 $0x300, s6;
	s26 =	smax.u32 s1, $0x1  }
0xe: {  	s1 =	simm.s32 $0x1;
	s0 =	sadd.s32 s0, s8;
	[dreg:$0x6] =	wrdreg s26  }
0xf: {  	s8 =	sor.u32 $0x80, s6;
	[dreg:$0x4] =	wrdreg s0;
	s0 =	sadd.s32 $0x70, s0  }
0x10: {  	s26 =	simm.s32 $0x10400;
	[dreg:$0x5] =	wrdreg s0;
	s0 =	simm.s32 $0x2  }
.LBB2_1:
0x11: {  	[dreg:$0x7] =	wrdreg s14  }
0x12: {  	s5 =	rddreg [dreg:$0x4];
	s6 =	simm.s32 $0x11  }
0x13: {  	[tilespmem:s3], [sflag:$0x11] =	stream.linear.gather [hbm4b:s5+s3], $0x380, $0x38;
	[tilespmem:$0x16400] =	vst v63  }
0x14: {  	_ =	swait.ge [sflag:s6], $0x380  }
0x15: {  	[sflag:s6] =	ssyncset.done $0x0  }
0x16: {  	s14 =	simm.s32 $0x6400;
	[sflag:s6] =	ssyncadd.s32 $0xFFFFFC80  }
0x17: {  	[tilespmem:s14], [sflag:$0x1] =	stream.indirect.gather [hbm4b:s4+s16], $0x40, s3, s16, $0xb8;
	[tilespmem:$0x16400] =	vst v63  }
0x18: {  	s15 =	simm.s32 $0x8400  }
0x19: {  	[tilespmem:s15], [sflag:$0x2] =	stream.indirect.gather [hbm4b:s4+s16], $0x40, s16, s16, $0xb8;
	[tilespmem:$0x16400] =	vst v63  }
0x1a: {  	s17 =	simm.s32 $0x100;
	s18 =	simm.s32 $0xA400  }
0x1b: {  	[tilespmem:s18], [sflag:$0x3] =	stream.indirect.gather [hbm4b:s4+s16], $0x40, s17, s16, $0xb8;
	[tilespmem:$0x16400] =	vst v63  }
0x1c: {  	s20 =	simm.s32 $0x180  }
0x1d: {  	[tilespmem:s22], [sflag:$0x4] =	stream.indirect.gather [hbm4b:s4+s16], $0x40, s20, s16, $0xb8;
	[tilespmem:$0x16400] =	vst v63  }
0x1e: {  	s14 =	simm.s32 $0x200  }
0x1f: {  	[tilespmem:s24], [sflag:$0x5] =	stream.indirect.gather [hbm4b:s4+s16], $0x40, s14, s16, $0xb8;
	[tilespmem:$0x16400] =	vst v63  }
0x20: {  	s15 =	simm.s32 $0x280  }
0x21: {  	[tilespmem:s26], [sflag:$0x6] =	stream.indirect.gather [hbm4b:s4+s16], $0x40, s15, s16, $0xb8;
	[tilespmem:$0x16400] =	vst v63  }
0x22: {  	s17 =	simm.s32 $0x300  }
0x23: {  	[tilespmem:s29], [sflag:$0x7] =	stream.indirect.gather [hbm4b:s4+s16], $0x40, s17, s16, $0xb8;
	[tilespmem:$0x16400] =	vst v63  }
0x24: {  	s18 =	rddreg [dreg:$0x5];
	s20 =	simm.s32 $0x380  }
0x25: {  	[tilespmem:s20], [sflag:$0x11] =	stream.linear.gather [hbm4b:s18+s3], $0x6080, $0x38;
	[tilespmem:$0x16400] =	vst v63  }
0x26: {  	_ =	swait.ge [sflag:s6], $0x6080  }
0x27: {  	[sflag:s6] =	ssyncset.done $0x0  }
0x28: {  	[sflag:s6] =	ssyncadd.s32 $0xFFFF9F80;
	s6 =	simm.s32 $0x0  }
.LBB2_2:
0x29: {  	p0 =	seq.s32 s6, $0x0  }
0x2a: {  	s5 =	simm.s32 @!p0 $0x10  }
0x2b: {  	s14 =	sshllo.u32 s6, $0x3;
	_ =	swait.ge @!p0 [sflag:s5], $0x2000  }
0x2c: {  	s15 =	sshll.u32 s14, $0x7;
	[sflag:s5] =	ssyncset.done @!p0 $0x0  }
0x2d: {  	s20 =	sand.u32 $0x3FFFFF80, s15;
	[sflag:s5] =	ssyncadd.s32 @!p0 $0xFFFFE000  }
0x2e: {  	[tilespmem:s31], [sflag:$0x8] =	stream.indirect.gather [hbm4b:s4+s16], $0x40, s20, s16, $0xb8;
	[tilespmem:$0x16400] =	vst v63  }
0x2f: {  	_ =	swait.ge [sflag:s1], $0x2000  }
0x30: {  	[sflag:s1] =	ssyncset.done $0x0  }
0x31: {  	s5 =	simm.s32 $0x6500;
	[sflag:s1] =	ssyncadd.s32 $0xFFFFE000  }
0x32: {  	v0 =	vld [tilespmem:s5+$0xF0]  }
0x33: {  	v1 =	vld [tilespmem:s5+$0xFFFFFF10]  }
0x34: {  	v2 =	vld [tilespmem:s5+$0xFFFFFF20]  }
0x35: {  	v3 =	vld [tilespmem:s5+$0xFFFFFF30]  }
0x36: {  	v4 =	vld [tilespmem:s5+$0xFFFFFF40]  }
0x37: {  	v5 =	vld [tilespmem:s5+$0xFFFFFF50];
	v0 =	vmul.f32 $8.000000000e+00, v0  }
0x38: {  	v6 =	vld [tilespmem:s5+$0xFFFFFF60];
	v1 =	vmul.f32 $8.000000000e+00, v1  }
0x39: {  	v7 =	vld [tilespmem:s5+$0xFFFFFF70];
	v2 =	vmul.f32 $8.000000000e+00, v2;
	[tilespmem:s5+$0xF0] =	vst v0  }
0x3a: {  	[tilespmem:s5+$0xFFFFFF10] =	vst v1;
	v0 =	vmul.f32 $8.000000000e+00, v3;
	v1 =	vld [tilespmem:s5+$0xFFFFFF80]  }
0x3b: {  	[tilespmem:s5+$0xFFFFFF20] =	vst v2;
	v2 =	vmul.f32 $8.000000000e+00, v4;
	v3 =	vld [tilespmem:s5+$0xFFFFFF90]  }
0x3c: {  	v4 =	vld [tilespmem:s5+$0xFFFFFFA0];
	[tilespmem:s5+$0xFFFFFF30] =	vst v0;
	v0 =	vmul.f32 $8.000000000e+00, v5  }
0x3d: {  	[tilespmem:s5+$0xFFFFFF40] =	vst v2;
	v2 =	vmul.f32 $8.000000000e+00, v6;
	v5 =	vld [tilespmem:s5+$0xFFFFFFB0]  }
0x3e: {  	v6 =	vld [tilespmem:s5+$0xFFFFFFC0];
	[tilespmem:s5+$0xFFFFFF50] =	vst v0;
	v0 =	vmul.f32 $8.000000000e+00, v7  }
0x3f: {  	[tilespmem:s5+$0xFFFFFF60] =	vst v2;
	v2 =	vld [tilespmem:s5+$0xFFFFFFD0];
	v1 =	vmul.f32 $8.000000000e+00, v1  }
0x40: {  	[tilespmem:s5+$0xFFFFFF70] =	vst v0;
	v0 =	vmul.f32 $8.000000000e+00, v3;
	v3 =	vld [tilespmem:s5+$0xFFFFFFE0]  }
0x41: {  	[tilespmem:s5+$0xFFFFFF80] =	vst v1;
	v1 =	vmul.f32 $8.000000000e+00, v4;
	v4 =	vld [tilespmem:s5+$0xFFFFFFF0]  }
0x42: {  	[tilespmem:s5+$0xFFFFFF90] =	vst v0;
	v0 =	vmul.f32 $8.000000000e+00, v5;
	v5 =	vld [tilespmem:s5+$0x0]  }
0x43: {  	[tilespmem:s5+$0xFFFFFFA0] =	vst v1;
	v1 =	vmul.f32 $8.000000000e+00, v6;
	v6 =	vld [tilespmem:s5+$0x10]  }
0x44: {  	[tilespmem:s5+$0xFFFFFFB0] =	vst v0;
	v0 =	vmul.f32 $8.000000000e+00, v2;
	v2 =	vld [tilespmem:s5+$0x20]  }
0x45: {  	[tilespmem:s5+$0xFFFFFFC0] =	vst v1;
	v1 =	vmul.f32 $8.000000000e+00, v3;
	v3 =	vld [tilespmem:s5+$0x30]  }
0x46: {  	[tilespmem:s5+$0xFFFFFFD0] =	vst v0;
	v0 =	vmul.f32 $8.000000000e+00, v4;
	v4 =	vld [tilespmem:s5+$0x40]  }
0x47: {  	[tilespmem:s5+$0xFFFFFFE0] =	vst v1;
	v1 =	vmul.f32 $8.000000000e+00, v5;
	v5 =	vld [tilespmem:s5+$0x50]  }
0x48: {  	[tilespmem:s5+$0xFFFFFFF0] =	vst v0;
	v0 =	vmul.f32 $8.000000000e+00, v6;
	v6 =	vld [tilespmem:s5+$0x60]  }
0x49: {  	[tilespmem:s5+$0x0] =	vst v1;
	v1 =	vmul.f32 $8.000000000e+00, v2;
	v2 =	vld [tilespmem:s5+$0x70]  }
0x4a: {  	[tilespmem:s5+$0x10] =	vst v0;
	v0 =	vmul.f32 $8.000000000e+00, v3;
	v3 =	vld [tilespmem:s5+$0x80]  }
0x4b: {  	[tilespmem:s5+$0x20] =	vst v1;
	v1 =	vmul.f32 $8.000000000e+00, v4;
	v4 =	vld [tilespmem:s5+$0x90]  }
0x4c: {  	v7 =	vld [tilespmem:s5+$0xA0];
	[tilespmem:s5+$0x30] =	vst v0;
	v5 =	vmul.f32 $8.000000000e+00, v5  }
0x4d: {  	v0 =	vld [tilespmem:s5+$0xB0];
	[tilespmem:s5+$0x40] =	vst v1;
	v6 =	vmul.f32 $8.000000000e+00, v6  }
0x4e: {  	v1 =	vld [tilespmem:s5+$0xC0];
	[tilespmem:s5+$0x50] =	vst v5;
	v5 =	vmul.f32 $8.000000000e+00, v2  }
0x4f: {  	v2 =	vld [tilespmem:s5+$0xD0];
	[tilespmem:s5+$0x60] =	vst v6;
	v6 =	vmul.f32 $8.000000000e+00, v3  }
0x50: {  	v3 =	vld [tilespmem:s5+$0xE0];
	[tilespmem:s5+$0x70] =	vst v5;
	v5 =	vmul.f32 $8.000000000e+00, v4  }
0x51: {  	s17 =	simm.s32 $0x6700;
	s15 =	simm.s32 $0x0;
	v4 =	vld [tilespmem:s5+$0xFFFFFF00];
	[tilespmem:s5+$0x80] =	vst v6;
	v6 =	vmul.f32 $8.000000000e+00, v7  }
.LBB2_3:
0x52: {  	v7 =	vld [tilespmem:s17+$0xF0];
	s15 =	sadd.s32 $0x8, s15;
	[tilespmem:s5+$0x90] =	vst v5;
	v0 =	vmul.f32 $8.000000000e+00, v0  }
0x53: {  	v5 =	vld [tilespmem:s17+$0xFFFFFF10];
	p0 =	slt.u32 s15, $0x78;
	[tilespmem:s5+$0xA0] =	vst v6;
	v1 =	vmul.f32 $8.000000000e+00, v1  }
0x54: {  	v6 =	vld [tilespmem:s17+$0xFFFFFF20];
	[tilespmem:s5+$0xB0] =	vst v0;
	v0 =	vmul.f32 $8.000000000e+00, v2  }
0x55: {  	v2 =	vld [tilespmem:s17+$0xFFFFFF30];
	[tilespmem:s5+$0xC0] =	vst v1;
	v1 =	vmul.f32 $8.000000000e+00, v3  }
0x56: {  	v3 =	vld [tilespmem:s17+$0xFFFFFF40];
	v4 =	vmul.f32 $8.000000000e+00, v4;
	[tilespmem:s5+$0xD0] =	vst v0  }
0x57: {  	v0 =	vld [tilespmem:s17+$0xFFFFFF50];
	v7 =	vmul.f32 $8.000000000e+00, v7;
	[tilespmem:s5+$0xE0] =	vst v1  }
0x58: {  	v1 =	vmul.f32 $8.000000000e+00, v5;
	v5 =	vld [tilespmem:s17+$0xFFFFFF60];
	[tilespmem:s5+$0xFFFFFF00] =	vst v4;
	s5 =	smov.u32 s17  }
0x59: {  	v4 =	vmul.f32 $8.000000000e+00, v6;
	v6 =	vld [tilespmem:s17+$0xFFFFFF70];
	[tilespmem:s17+$0xF0] =	vst v7  }
0x5a: {  	[tilespmem:s17+$0xFFFFFF10] =	vst v1;
	v1 =	vmul.f32 $8.000000000e+00, v2;
	v2 =	vld [tilespmem:s17+$0xFFFFFF80]  }
0x5b: {  	[tilespmem:s17+$0xFFFFFF20] =	vst v4;
	v3 =	vmul.f32 $8.000000000e+00, v3;
	v4 =	vld [tilespmem:s17+$0xFFFFFF90]  }
0x5c: {  	[tilespmem:s17+$0xFFFFFF30] =	vst v1;
	v0 =	vmul.f32 $8.000000000e+00, v0;
	v1 =	vld [tilespmem:s17+$0xFFFFFFA0]  }
0x5d: {  	[tilespmem:s17+$0xFFFFFF40] =	vst v3;
	v3 =	vmul.f32 $8.000000000e+00, v5;
	v5 =	vld [tilespmem:s17+$0xFFFFFFB0]  }
0x5e: {  	[tilespmem:s17+$0xFFFFFF50] =	vst v0;
	v0 =	vmul.f32 $8.000000000e+00, v6;
	v6 =	vld [tilespmem:s17+$0xFFFFFFC0]  }
0x5f: {  	[tilespmem:s17+$0xFFFFFF60] =	vst v3;
	v2 =	vmul.f32 $8.000000000e+00, v2;
	v3 =	vld [tilespmem:s17+$0xFFFFFFD0]  }
0x60: {  	[tilespmem:s17+$0xFFFFFF70] =	vst v0;
	v0 =	vmul.f32 $8.000000000e+00, v4;
	v4 =	vld [tilespmem:s17+$0xFFFFFFE0]  }
0x61: {  	[tilespmem:s17+$0xFFFFFF80] =	vst v2;
	v1 =	vmul.f32 $8.000000000e+00, v1;
	v2 =	vld [tilespmem:s17+$0xFFFFFFF0]  }
0x62: {  	[tilespmem:s17+$0xFFFFFF90] =	vst v0;
	v0 =	vmul.f32 $8.000000000e+00, v5;
	v5 =	vld [tilespmem:s17+$0x0]  }
0x63: {  	[tilespmem:s17+$0xFFFFFFA0] =	vst v1;
	v1 =	vmul.f32 $8.000000000e+00, v6;
	v6 =	vld [tilespmem:s17+$0x10]  }
0x64: {  	[tilespmem:s17+$0xFFFFFFB0] =	vst v0;
	v0 =	vmul.f32 $8.000000000e+00, v3;
	v3 =	vld [tilespmem:s17+$0x20]  }
0x65: {  	[tilespmem:s17+$0xFFFFFFC0] =	vst v1;
	v1 =	vmul.f32 $8.000000000e+00, v4;
	v4 =	vld [tilespmem:s17+$0x30]  }
0x66: {  	[tilespmem:s17+$0xFFFFFFD0] =	vst v0;
	v0 =	vmul.f32 $8.000000000e+00, v2;
	v2 =	vld [tilespmem:s17+$0x40]  }
0x67: {  	[tilespmem:s17+$0xFFFFFFE0] =	vst v1;
	v1 =	vmul.f32 $8.000000000e+00, v5;
	v5 =	vld [tilespmem:s17+$0x50]  }
0x68: {  	[tilespmem:s17+$0xFFFFFFF0] =	vst v0;
	v0 =	vmul.f32 $8.000000000e+00, v6;
	v6 =	vld [tilespmem:s17+$0x60]  }
0x69: {  	[tilespmem:s17+$0x0] =	vst v1;
	v1 =	vmul.f32 $8.000000000e+00, v3;
	v3 =	vld [tilespmem:s17+$0x70]  }
0x6a: {  	[tilespmem:s17+$0x10] =	vst v0;
	v0 =	vmul.f32 $8.000000000e+00, v4;
	v4 =	vld [tilespmem:s17+$0x80]  }
0x6b: {  	[tilespmem:s17+$0x20] =	vst v1;
	v1 =	vmul.f32 $8.000000000e+00, v2;
	v7 =	vld [tilespmem:s17+$0x90]  }
0x6c: {  	[tilespmem:s17+$0x30] =	vst v0;
	v2 =	vmul.f32 $8.000000000e+00, v5;
	v8 =	vld [tilespmem:s17+$0xA0]  }
.Ltmp0:
0x6d: {  	[tilespmem:s17+$0x40] =	vst v1;
	v5 =	vmul.f32 $8.000000000e+00, v6;
	v0 =	vld [tilespmem:s17+$0xB0];
	(pc) =	sbr.rel @p0 .LBB2_3-.Ltmp0, $4  }
0x6e: {  	[tilespmem:s17+$0x50] =	vst v2;
	v3 =	vmul.f32 $8.000000000e+00, v3;
	v1 =	vld [tilespmem:s17+$0xC0]  }
0x6f: {  	[tilespmem:s17+$0x60] =	vst v5;
	v6 =	vmul.f32 $8.000000000e+00, v4;
	v2 =	vld [tilespmem:s17+$0xD0]  }
0x70: {  	[tilespmem:s17+$0x70] =	vst v3;
	v5 =	vmul.f32 $8.000000000e+00, v7;
	v3 =	vld [tilespmem:s17+$0xE0]  }
0x71: {  	s17 =	sadd.s32 $0x200, s17;
	v4 =	vld [tilespmem:s5+$0xFFFFFF00];
	[tilespmem:s5+$0x80] =	vst v6;
	v6 =	vmul.f32 $8.000000000e+00, v8  }
0x72: {  	[tilespmem:s5+$0x90] =	vst v5;
	v0 =	vmul.f32 $8.000000000e+00, v0  }
0x73: {  	[tilespmem:s5+$0xA0] =	vst v6;
	v1 =	vmul.f32 $8.000000000e+00, v1  }
0x74: {  	[tilespmem:s5+$0xB0] =	vst v0;
	v0 =	vmul.f32 $8.000000000e+00, v2  }
0x75: {  	s15 =	sshll.u32 s6, $0x10;
	[tilespmem:s5+$0xC0] =	vst v1;
	v1 =	vmul.f32 $8.000000000e+00, v3  }
0x76: {  	s15 =	sadd.s32 s7, s15;
	v2 =	vmul.f32 $8.000000000e+00, v4;
	[tilespmem:s5+$0xD0] =	vst v0  }
0x77: {  	p0 =	seq.s32 s6, $0x18;
	s15 =	sshrl.u32 s15, $0x3;
	[tilespmem:s5+$0xE0] =	vst v1  }
0x78: {  	s20 =	simm.s32 $0x6400;
	s18 =	sadd.s32 s2, s15;
	[tilespmem:s5+$0xFFFFFF00] =	vst v2;
	s5 =	simm.s32 @!p0 $0x9  }
0x79: {  	[hbm4b:s18+s3] =	stream.linear.scatter [tilespmem:s20], [sflag:$0x9], $0x2000, $0x38;
	[tilespmem:$0x16400] =	vst v63  }
0x7a: {  	s15 =	sshll.u32 @!p0 s6, $0xA;
	_ =	swait.ge @!p0 [sflag:s5], $0x2000  }
0x7b: {  	s17 =	simm.s32 @!p0 $0x80;
	s15 =	sand.u32 @!p0 $0x3FFFFC00, s15;
	[sflag:s5] =	ssyncset.done @!p0 $0x0  }
0x7c: {  	s18 =	simm.s32 @!p0 $0x6400;
	[sflag:s5] =	ssyncadd.s32 @!p0 $0xFFFFE000;
	s5 =	sadd.s32 @!p0 $0x400, s15  }
0x7d: {  	[tilespmem:s18], [sflag:$0x1] =	stream.indirect.gather @!p0 [hbm4b:s4+s17], $0x40, s5, s17, $0xb8;
	[tilespmem:$0x16400] =	vst v63  }
0x7e: {  	_ =	swait.ge [sflag:s0], $0x2000  }
0x7f: {  	[sflag:s0] =	ssyncset.done $0x0  }
0x80: {  	s17 =	simm.s32 $0x85F0;
	[sflag:s0] =	ssyncadd.s32 $0xFFFFE000  }
0x81: {  	v0 =	vld [tilespmem:s17+$0x0]  }
0x82: {  	v1 =	vld [tilespmem:s17+$0xFFFFFE20]  }
0x83: {  	v2 =	vld [tilespmem:s17+$0xFFFFFE30]  }
0x84: {  	v3 =	vld [tilespmem:s17+$0xFFFFFE40]  }
0x85: {  	v4 =	vld [tilespmem:s17+$0xFFFFFE50]  }
0x86: {  	v5 =	vld [tilespmem:s17+$0xFFFFFE60];
	v0 =	vmul.f32 $8.000000000e+00, v0  }
0x87: {  	v6 =	vld [tilespmem:s17+$0xFFFFFE70];
	v1 =	vmul.f32 $8.000000000e+00, v1  }
0x88: {  	v7 =	vld [tilespmem:s17+$0xFFFFFE80];
	v2 =	vmul.f32 $8.000000000e+00, v2;
	[tilespmem:s17+$0x0] =	vst v0  }
0x89: {  	[tilespmem:s17+$0xFFFFFE20] =	vst v1;
	v0 =	vmul.f32 $8.000000000e+00, v3;
	v1 =	vld [tilespmem:s17+$0xFFFFFE90]  }
0x8a: {  	[tilespmem:s17+$0xFFFFFE30] =	vst v2;
	v2 =	vmul.f32 $8.000000000e+00, v4;
	v3 =	vld [tilespmem:s17+$0xFFFFFEA0]  }
0x8b: {  	v4 =	vld [tilespmem:s17+$0xFFFFFEB0];
	[tilespmem:s17+$0xFFFFFE40] =	vst v0;
	v0 =	vmul.f32 $8.000000000e+00, v5  }
0x8c: {  	[tilespmem:s17+$0xFFFFFE50] =	vst v2;
	v2 =	vmul.f32 $8.000000000e+00, v6;
	v5 =	vld [tilespmem:s17+$0xFFFFFEC0]  }
0x8d: {  	v6 =	vld [tilespmem:s17+$0xFFFFFED0];
	[tilespmem:s17+$0xFFFFFE60] =	vst v0;
	v0 =	vmul.f32 $8.000000000e+00, v7  }
0x8e: {  	[tilespmem:s17+$0xFFFFFE70] =	vst v2;
	v2 =	vld [tilespmem:s17+$0xFFFFFEE0];
	v1 =	vmul.f32 $8.000000000e+00, v1  }
0x8f: {  	[tilespmem:s17+$0xFFFFFE80] =	vst v0;
	v0 =	vmul.f32 $8.000000000e+00, v3;
	v3 =	vld [tilespmem:s17+$0xFFFFFEF0]  }
0x90: {  	[tilespmem:s17+$0xFFFFFE90] =	vst v1;
	v1 =	vmul.f32 $8.000000000e+00, v4;
	v4 =	vld [tilespmem:s17+$0xFFFFFF00]  }
0x91: {  	[tilespmem:s17+$0xFFFFFEA0] =	vst v0;
	v0 =	vmul.f32 $8.000000000e+00, v5;
	v5 =	vld [tilespmem:s17+$0xFFFFFF10]  }
0x92: {  	[tilespmem:s17+$0xFFFFFEB0] =	vst v1;
	v1 =	vmul.f32 $8.000000000e+00, v6;
	v6 =	vld [tilespmem:s17+$0xFFFFFF20]  }
0x93: {  	[tilespmem:s17+$0xFFFFFEC0] =	vst v0;
	v0 =	vmul.f32 $8.000000000e+00, v2;
	v2 =	vld [tilespmem:s17+$0xFFFFFF30]  }
0x94: {  	[tilespmem:s17+$0xFFFFFED0] =	vst v1;
	v1 =	vmul.f32 $8.000000000e+00, v3;
	v3 =	vld [tilespmem:s17+$0xFFFFFF40]  }
0x95: {  	[tilespmem:s17+$0xFFFFFEE0] =	vst v0;
	v0 =	vmul.f32 $8.000000000e+00, v4;
	v4 =	vld [tilespmem:s17+$0xFFFFFF50]  }
0x96: {  	[tilespmem:s17+$0xFFFFFEF0] =	vst v1;
	v1 =	vmul.f32 $8.000000000e+00, v5;
	v5 =	vld [tilespmem:s17+$0xFFFFFF60]  }
0x97: {  	[tilespmem:s17+$0xFFFFFF00] =	vst v0;
	v0 =	vmul.f32 $8.000000000e+00, v6;
	v6 =	vld [tilespmem:s17+$0xFFFFFF70]  }
0x98: {  	[tilespmem:s17+$0xFFFFFF10] =	vst v1;
	v1 =	vmul.f32 $8.000000000e+00, v2;
	v2 =	vld [tilespmem:s17+$0xFFFFFF80]  }
0x99: {  	[tilespmem:s17+$0xFFFFFF20] =	vst v0;
	v0 =	vmul.f32 $8.000000000e+00, v3;
	v3 =	vld [tilespmem:s17+$0xFFFFFF90]  }
0x9a: {  	v7 =	vld [tilespmem:s17+$0xFFFFFFA0];
	[tilespmem:s17+$0xFFFFFF30] =	vst v1;
	v1 =	vmul.f32 $8.000000000e+00, v4  }
0x9b: {  	v8 =	vld [tilespmem:s17+$0xFFFFFFB0];
	[tilespmem:s17+$0xFFFFFF40] =	vst v0;
	v4 =	vmul.f32 $8.000000000e+00, v5  }
0x9c: {  	v0 =	vld [tilespmem:s17+$0xFFFFFFC0];
	[tilespmem:s17+$0xFFFFFF50] =	vst v1;
	v5 =	vmul.f32 $8.000000000e+00, v6  }
0x9d: {  	v1 =	vld [tilespmem:s17+$0xFFFFFFD0];
	[tilespmem:s17+$0xFFFFFF60] =	vst v4;
	v2 =	vmul.f32 $8.000000000e+00, v2  }
0x9e: {  	v4 =	vld [tilespmem:s17+$0xFFFFFFE0];
	[tilespmem:s17+$0xFFFFFF70] =	vst v5;
	v6 =	vmul.f32 $8.000000000e+00, v3  }
0x9f: {  	v5 =	vmul.f32 $8.000000000e+00, v7;
	[tilespmem:s17+$0xFFFFFF80] =	vst v2;
	v2 =	vld [tilespmem:s17+$0xFFFFFFF0]  }
0xa0: {  	s5 =	simm.s32 $0x0;
	s18 =	simm.s32 $0x87F0;
	v3 =	vld [tilespmem:s17+$0xFFFFFE10];
	[tilespmem:s17+$0xFFFFFF90] =	vst v6;
	v6 =	vmul.f32 $8.000000000e+00, v8  }
.LBB2_5:
0xa1: {  	v7 =	vld [tilespmem:s18+$0x0];
	s5 =	sadd.s32 $0x8, s5;
	[tilespmem:s17+$0xFFFFFFA0] =	vst v5;
	v0 =	vmul.f32 $8.000000000e+00, v0  }
0xa2: {  	v5 =	vld [tilespmem:s18+$0xFFFFFE20];
	p1 =	slt.u32 s5, $0x78;
	[tilespmem:s17+$0xFFFFFFB0] =	vst v6;
	v1 =	vmul.f32 $8.000000000e+00, v1  }
0xa3: {  	v6 =	vld [tilespmem:s18+$0xFFFFFE30];
	[tilespmem:s17+$0xFFFFFFC0] =	vst v0;
	v0 =	vmul.f32 $8.000000000e+00, v4  }
0xa4: {  	v4 =	vld [tilespmem:s18+$0xFFFFFE40];
	[tilespmem:s17+$0xFFFFFFD0] =	vst v1;
	v1 =	vmul.f32 $8.000000000e+00, v2  }
0xa5: {  	v2 =	vld [tilespmem:s18+$0xFFFFFE50];
	v3 =	vmul.f32 $8.000000000e+00, v3;
	[tilespmem:s17+$0xFFFFFFE0] =	vst v0  }
0xa6: {  	v0 =	vld [tilespmem:s18+$0xFFFFFE60];
	v7 =	vmul.f32 $8.000000000e+00, v7;
	[tilespmem:s17+$0xFFFFFFF0] =	vst v1  }
0xa7: {  	v1 =	vmul.f32 $8.000000000e+00, v5;
	v5 =	vld [tilespmem:s18+$0xFFFFFE70];
	[tilespmem:s17+$0xFFFFFE10] =	vst v3;
	s17 =	smov.u32 s18  }
0xa8: {  	v3 =	vmul.f32 $8.000000000e+00, v6;
	v6 =	vld [tilespmem:s18+$0xFFFFFE80];
	[tilespmem:s18+$0x0] =	vst v7  }
0xa9: {  	[tilespmem:s18+$0xFFFFFE20] =	vst v1;
	v1 =	vmul.f32 $8.000000000e+00, v4;
	v4 =	vld [tilespmem:s18+$0xFFFFFE90]  }
0xaa: {  	[tilespmem:s18+$0xFFFFFE30] =	vst v3;
	v2 =	vmul.f32 $8.000000000e+00, v2;
	v3 =	vld [tilespmem:s18+$0xFFFFFEA0]  }
0xab: {  	[tilespmem:s18+$0xFFFFFE40] =	vst v1;
	v0 =	vmul.f32 $8.000000000e+00, v0;
	v1 =	vld [tilespmem:s18+$0xFFFFFEB0]  }
0xac: {  	[tilespmem:s18+$0xFFFFFE50] =	vst v2;
	v2 =	vmul.f32 $8.000000000e+00, v5;
	v5 =	vld [tilespmem:s18+$0xFFFFFEC0]  }
0xad: {  	[tilespmem:s18+$0xFFFFFE60] =	vst v0;
	v0 =	vmul.f32 $8.000000000e+00, v6;
	v6 =	vld [tilespmem:s18+$0xFFFFFED0]  }
0xae: {  	[tilespmem:s18+$0xFFFFFE70] =	vst v2;
	v2 =	vmul.f32 $8.000000000e+00, v4;
	v4 =	vld [tilespmem:s18+$0xFFFFFEE0]  }
0xaf: {  	[tilespmem:s18+$0xFFFFFE80] =	vst v0;
	v0 =	vmul.f32 $8.000000000e+00, v3;
	v3 =	vld [tilespmem:s18+$0xFFFFFEF0]  }
0xb0: {  	[tilespmem:s18+$0xFFFFFE90] =	vst v2;
	v1 =	vmul.f32 $8.000000000e+00, v1;
	v2 =	vld [tilespmem:s18+$0xFFFFFF00]  }
0xb1: {  	[tilespmem:s18+$0xFFFFFEA0] =	vst v0;
	v0 =	vmul.f32 $8.000000000e+00, v5;
	v5 =	vld [tilespmem:s18+$0xFFFFFF10]  }
0xb2: {  	[tilespmem:s18+$0xFFFFFEB0] =	vst v1;
	v1 =	vmul.f32 $8.000000000e+00, v6;
	v6 =	vld [tilespmem:s18+$0xFFFFFF20]  }
0xb3: {  	[tilespmem:s18+$0xFFFFFEC0] =	vst v0;
	v0 =	vmul.f32 $8.000000000e+00, v4;
	v4 =	vld [tilespmem:s18+$0xFFFFFF30]  }
0xb4: {  	[tilespmem:s18+$0xFFFFFED0] =	vst v1;
	v1 =	vmul.f32 $8.000000000e+00, v3;
	v3 =	vld [tilespmem:s18+$0xFFFFFF40]  }
0xb5: {  	[tilespmem:s18+$0xFFFFFEE0] =	vst v0;
	v0 =	vmul.f32 $8.000000000e+00, v2;
	v2 =	vld [tilespmem:s18+$0xFFFFFF50]  }
0xb6: {  	[tilespmem:s18+$0xFFFFFEF0] =	vst v1;
	v1 =	vmul.f32 $8.000000000e+00, v5;
	v5 =	vld [tilespmem:s18+$0xFFFFFF60]  }
0xb7: {  	[tilespmem:s18+$0xFFFFFF00] =	vst v0;
	v0 =	vmul.f32 $8.000000000e+00, v6;
	v6 =	vld [tilespmem:s18+$0xFFFFFF70]  }
0xb8: {  	[tilespmem:s18+$0xFFFFFF10] =	vst v1;
	v1 =	vmul.f32 $8.000000000e+00, v4;
	v4 =	vld [tilespmem:s18+$0xFFFFFF80]  }
0xb9: {  	[tilespmem:s18+$0xFFFFFF20] =	vst v0;
	v0 =	vmul.f32 $8.000000000e+00, v3;
	v3 =	vld [tilespmem:s18+$0xFFFFFF90]  }
0xba: {  	[tilespmem:s18+$0xFFFFFF30] =	vst v1;
	v1 =	vmul.f32 $8.000000000e+00, v2;
	v2 =	vld [tilespmem:s18+$0xFFFFFFA0]  }
0xbb: {  	[tilespmem:s18+$0xFFFFFF40] =	vst v0;
	v5 =	vmul.f32 $8.000000000e+00, v5;
	v7 =	vld [tilespmem:s18+$0xFFFFFFB0]  }
.Ltmp1:
0xbc: {  	[tilespmem:s18+$0xFFFFFF50] =	vst v1;
	v6 =	vmul.f32 $8.000000000e+00, v6;
	v0 =	vld [tilespmem:s18+$0xFFFFFFC0];
	(pc) =	sbr.rel @p1 .LBB2_5-.Ltmp1, $4  }
0xbd: {  	[tilespmem:s18+$0xFFFFFF60] =	vst v5;
	v5 =	vmul.f32 $8.000000000e+00, v4;
	v1 =	vld [tilespmem:s18+$0xFFFFFFD0]  }
0xbe: {  	[tilespmem:s18+$0xFFFFFF70] =	vst v6;
	v6 =	vmul.f32 $8.000000000e+00, v3;
	v4 =	vld [tilespmem:s18+$0xFFFFFFE0]  }
0xbf: {  	[tilespmem:s18+$0xFFFFFF80] =	vst v5;
	v5 =	vmul.f32 $8.000000000e+00, v2;
	v2 =	vld [tilespmem:s18+$0xFFFFFFF0]  }
0xc0: {  	s18 =	sadd.s32 $0x200, s18;
	v3 =	vld [tilespmem:s17+$0xFFFFFE10];
	[tilespmem:s17+$0xFFFFFF90] =	vst v6;
	v6 =	vmul.f32 $8.000000000e+00, v7  }
0xc1: {  	[tilespmem:s17+$0xFFFFFFA0] =	vst v5;
	v0 =	vmul.f32 $8.000000000e+00, v0  }
0xc2: {  	[tilespmem:s17+$0xFFFFFFB0] =	vst v6;
	v1 =	vmul.f32 $8.000000000e+00, v1  }
0xc3: {  	s5 =	sshll.u32 s6, $0xA;
	[tilespmem:s17+$0xFFFFFFC0] =	vst v0;
	v0 =	vmul.f32 $8.000000000e+00, v4  }
0xc4: {  	s18 =	sadd.s32 s5, s8;
	[tilespmem:s17+$0xFFFFFFD0] =	vst v1;
	v1 =	vmul.f32 $8.000000000e+00, v2  }
0xc5: {  	s18 =	sshll.u32 s18, $0x3;
	v2 =	vmul.f32 $8.000000000e+00, v3;
	[tilespmem:s17+$0xFFFFFFE0] =	vst v0  }
0xc6: {  	s18 =	sand.u32 $0x1FFFE400, s18;
	[tilespmem:s17+$0xFFFFFFF0] =	vst v1  }
0xc7: {  	s20 =	simm.s32 $0x8400;
	s18 =	sadd.s32 s2, s18;
	[tilespmem:s17+$0xFFFFFE10] =	vst v2;
	s17 =	simm.s32 @!p0 $0xA  }
0xc8: {  	[hbm4b:s18+s3] =	stream.linear.scatter [tilespmem:s20], [sflag:$0xA], $0x2000, $0x38;
	[tilespmem:$0x16400] =	vst v63  }
0xc9: {  	_ =	swait.ge @!p0 [sflag:s17], $0x2000  }
0xca: {  	s18 =	simm.s32 @!p0 $0x80;
	[sflag:s17] =	ssyncset.done @!p0 $0x0  }
0xcb: {  	s20 =	simm.s32 @!p0 $0x8400;
	[sflag:s17] =	ssyncadd.s32 @!p0 $0xFFFFE000;
	s17 =	sadd.s32 @!p0 $0x480, s15  }
0xcc: {  	[tilespmem:s20], [sflag:$0x2] =	stream.indirect.gather @!p0 [hbm4b:s4+s18], $0x40, s17, s18, $0xb8;
	[tilespmem:$0x16400] =	vst v63  }
0xcd: {  	_ =	swait.ge [sflag:s19], $0x2000  }
0xce: {  	[sflag:s19] =	ssyncset.done $0x0  }
0xcf: {  	s17 =	simm.s32 $0xA400;
	[sflag:s19] =	ssyncadd.s32 $0xFFFFE000  }
0xd0: {  	v0 =	vld [tilespmem:s17+$0x1F0]  }
0xd1: {  	v1 =	vld [tilespmem:s17+$0x10]  }
0xd2: {  	v2 =	vld [tilespmem:s17+$0x20]  }
0xd3: {  	v3 =	vld [tilespmem:s17+$0x30]  }
0xd4: {  	v4 =	vld [tilespmem:s17+$0x40]  }
0xd5: {  	v5 =	vld [tilespmem:s17+$0x50];
	v0 =	vmul.f32 $8.000000000e+00, v0  }
0xd6: {  	v6 =	vld [tilespmem:s17+$0x60];
	v1 =	vmul.f32 $8.000000000e+00, v1  }
0xd7: {  	v7 =	vld [tilespmem:s17+$0x70];
	v2 =	vmul.f32 $8.000000000e+00, v2;
	[tilespmem:s17+$0x1F0] =	vst v0  }
0xd8: {  	[tilespmem:s17+$0x10] =	vst v1;
	v0 =	vmul.f32 $8.000000000e+00, v3;
	v1 =	vld [tilespmem:s17+$0x80]  }
0xd9: {  	[tilespmem:s17+$0x20] =	vst v2;
	v2 =	vmul.f32 $8.000000000e+00, v4;
	v3 =	vld [tilespmem:s17+$0x90]  }
0xda: {  	v4 =	vld [tilespmem:s17+$0xA0];
	[tilespmem:s17+$0x30] =	vst v0;
	v0 =	vmul.f32 $8.000000000e+00, v5  }
0xdb: {  	[tilespmem:s17+$0x40] =	vst v2;
	v2 =	vmul.f32 $8.000000000e+00, v6;
	v5 =	vld [tilespmem:s17+$0xB0]  }
0xdc: {  	v6 =	vld [tilespmem:s17+$0xC0];
	[tilespmem:s17+$0x50] =	vst v0;
	v0 =	vmul.f32 $8.000000000e+00, v7  }
0xdd: {  	[tilespmem:s17+$0x60] =	vst v2;
	v2 =	vld [tilespmem:s17+$0xD0];
	v1 =	vmul.f32 $8.000000000e+00, v1  }
0xde: {  	[tilespmem:s17+$0x70] =	vst v0;
	v0 =	vmul.f32 $8.000000000e+00, v3;
	v3 =	vld [tilespmem:s17+$0xE0]  }
0xdf: {  	[tilespmem:s17+$0x80] =	vst v1;
	v1 =	vmul.f32 $8.000000000e+00, v4;
	v4 =	vld [tilespmem:s17+$0xF0]  }
0xe0: {  	[tilespmem:s17+$0x90] =	vst v0;
	v0 =	vmul.f32 $8.000000000e+00, v5;
	v5 =	vld [tilespmem:s17+$0x100]  }
0xe1: {  	[tilespmem:s17+$0xA0] =	vst v1;
	v1 =	vmul.f32 $8.000000000e+00, v6;
	v6 =	vld [tilespmem:s17+$0x110]  }
0xe2: {  	[tilespmem:s17+$0xB0] =	vst v0;
	v0 =	vmul.f32 $8.000000000e+00, v2;
	v2 =	vld [tilespmem:s17+$0x120]  }
0xe3: {  	[tilespmem:s17+$0xC0] =	vst v1;
	v1 =	vmul.f32 $8.000000000e+00, v3;
	v3 =	vld [tilespmem:s17+$0x130]  }
0xe4: {  	[tilespmem:s17+$0xD0] =	vst v0;
	v0 =	vmul.f32 $8.000000000e+00, v4;
	v4 =	vld [tilespmem:s17+$0x140]  }
0xe5: {  	[tilespmem:s17+$0xE0] =	vst v1;
	v1 =	vmul.f32 $8.000000000e+00, v5;
	v5 =	vld [tilespmem:s17+$0x150]  }
0xe6: {  	[tilespmem:s17+$0xF0] =	vst v0;
	v0 =	vmul.f32 $8.000000000e+00, v6;
	v6 =	vld [tilespmem:s17+$0x160]  }
0xe7: {  	[tilespmem:s17+$0x100] =	vst v1;
	v1 =	vmul.f32 $8.000000000e+00, v2;
	v2 =	vld [tilespmem:s17+$0x170]  }
0xe8: {  	[tilespmem:s17+$0x110] =	vst v0;
	v0 =	vmul.f32 $8.000000000e+00, v3;
	v3 =	vld [tilespmem:s17+$0x180]  }
0xe9: {  	[tilespmem:s17+$0x120] =	vst v1;
	v1 =	vmul.f32 $8.000000000e+00, v4;
	v4 =	vld [tilespmem:s17+$0x190]  }
0xea: {  	v7 =	vld [tilespmem:s17+$0x1A0];
	[tilespmem:s17+$0x130] =	vst v0;
	v5 =	vmul.f32 $8.000000000e+00, v5  }
0xeb: {  	v0 =	vld [tilespmem:s17+$0x1B0];
	[tilespmem:s17+$0x140] =	vst v1;
	v6 =	vmul.f32 $8.000000000e+00, v6  }
0xec: {  	v1 =	vld [tilespmem:s17+$0x1C0];
	[tilespmem:s17+$0x150] =	vst v5;
	v5 =	vmul.f32 $8.000000000e+00, v2  }
0xed: {  	v2 =	vld [tilespmem:s17+$0x1D0];
	[tilespmem:s17+$0x160] =	vst v6;
	v6 =	vmul.f32 $8.000000000e+00, v3  }
0xee: {  	v3 =	vld [tilespmem:s17+$0x1E0];
	[tilespmem:s17+$0x170] =	vst v5;
	v5 =	vmul.f32 $8.000000000e+00, v4  }
0xef: {  	s18 =	simm.s32 $0x0;
	s20 =	simm.s32 $0xA600;
	v4 =	vld [tilespmem:s17+$0x0];
	[tilespmem:s17+$0x180] =	vst v6;
	v6 =	vmul.f32 $8.000000000e+00, v7  }
.LBB2_7:
0xf0: {  	v7 =	vld [tilespmem:s20+$0x1F0];
	s18 =	sadd.s32 $0x8, s18;
	[tilespmem:s17+$0x190] =	vst v5;
	v0 =	vmul.f32 $8.000000000e+00, v0  }
0xf1: {  	v5 =	vld [tilespmem:s20+$0x10];
	p1 =	slt.u32 s18, $0x78;
	[tilespmem:s17+$0x1A0] =	vst v6;
	v1 =	vmul.f32 $8.000000000e+00, v1  }
0xf2: {  	v6 =	vld [tilespmem:s20+$0x20];
	[tilespmem:s17+$0x1B0] =	vst v0;
	v0 =	vmul.f32 $8.000000000e+00, v2  }
0xf3: {  	v2 =	vld [tilespmem:s20+$0x30];
	[tilespmem:s17+$0x1C0] =	vst v1;
	v1 =	vmul.f32 $8.000000000e+00, v3  }
0xf4: {  	v3 =	vld [tilespmem:s20+$0x40];
	v4 =	vmul.f32 $8.000000000e+00, v4;
	[tilespmem:s17+$0x1D0] =	vst v0  }
0xf5: {  	v0 =	vld [tilespmem:s20+$0x50];
	v7 =	vmul.f32 $8.000000000e+00, v7;
	[tilespmem:s17+$0x1E0] =	vst v1  }
0xf6: {  	v1 =	vmul.f32 $8.000000000e+00, v5;
	v5 =	vld [tilespmem:s20+$0x60];
	[tilespmem:s17+$0x0] =	vst v4;
	s17 =	smov.u32 s20  }
0xf7: {  	v4 =	vmul.f32 $8.000000000e+00, v6;
	v6 =	vld [tilespmem:s20+$0x70];
	[tilespmem:s20+$0x1F0] =	vst v7  }
0xf8: {  	[tilespmem:s20+$0x10] =	vst v1;
	v1 =	vmul.f32 $8.000000000e+00, v2;
	v2 =	vld [tilespmem:s20+$0x80]  }
0xf9: {  	[tilespmem:s20+$0x20] =	vst v4;
	v3 =	vmul.f32 $8.000000000e+00, v3;
	v4 =	vld [tilespmem:s20+$0x90]  }
0xfa: {  	[tilespmem:s20+$0x30] =	vst v1;
	v0 =	vmul.f32 $8.000000000e+00, v0;
	v1 =	vld [tilespmem:s20+$0xA0]  }
0xfb: {  	[tilespmem:s20+$0x40] =	vst v3;
	v3 =	vmul.f32 $8.000000000e+00, v5;
	v5 =	vld [tilespmem:s20+$0xB0]  }
0xfc: {  	[tilespmem:s20+$0x50] =	vst v0;
	v0 =	vmul.f32 $8.000000000e+00, v6;
	v6 =	vld [tilespmem:s20+$0xC0]  }
0xfd: {  	[tilespmem:s20+$0x60] =	vst v3;
	v2 =	vmul.f32 $8.000000000e+00, v2;
	v3 =	vld [tilespmem:s20+$0xD0]  }
0xfe: {  	[tilespmem:s20+$0x70] =	vst v0;
	v0 =	vmul.f32 $8.000000000e+00, v4;
	v4 =	vld [tilespmem:s20+$0xE0]  }
0xff: {  	[tilespmem:s20+$0x80] =	vst v2;
	v1 =	vmul.f32 $8.000000000e+00, v1;
	v2 =	vld [tilespmem:s20+$0xF0]  }
0x100: {  	[tilespmem:s20+$0x90] =	vst v0;
	v0 =	vmul.f32 $8.000000000e+00, v5;
	v5 =	vld [tilespmem:s20+$0x100]  }
0x101: {  	[tilespmem:s20+$0xA0] =	vst v1;
	v1 =	vmul.f32 $8.000000000e+00, v6;
	v6 =	vld [tilespmem:s20+$0x110]  }
0x102: {  	[tilespmem:s20+$0xB0] =	vst v0;
	v0 =	vmul.f32 $8.000000000e+00, v3;
	v3 =	vld [tilespmem:s20+$0x120]  }
0x103: {  	[tilespmem:s20+$0xC0] =	vst v1;
	v1 =	vmul.f32 $8.000000000e+00, v4;
	v4 =	vld [tilespmem:s20+$0x130]  }
0x104: {  	[tilespmem:s20+$0xD0] =	vst v0;
	v0 =	vmul.f32 $8.000000000e+00, v2;
	v2 =	vld [tilespmem:s20+$0x140]  }
0x105: {  	[tilespmem:s20+$0xE0] =	vst v1;
	v1 =	vmul.f32 $8.000000000e+00, v5;
	v5 =	vld [tilespmem:s20+$0x150]  }
0x106: {  	[tilespmem:s20+$0xF0] =	vst v0;
	v0 =	vmul.f32 $8.000000000e+00, v6;
	v6 =	vld [tilespmem:s20+$0x160]  }
0x107: {  	[tilespmem:s20+$0x100] =	vst v1;
	v1 =	vmul.f32 $8.000000000e+00, v3;
	v3 =	vld [tilespmem:s20+$0x170]  }
0x108: {  	[tilespmem:s20+$0x110] =	vst v0;
	v0 =	vmul.f32 $8.000000000e+00, v4;
	v4 =	vld [tilespmem:s20+$0x180]  }
0x109: {  	[tilespmem:s20+$0x120] =	vst v1;
	v1 =	vmul.f32 $8.000000000e+00, v2;
	v7 =	vld [tilespmem:s20+$0x190]  }
0x10a: {  	[tilespmem:s20+$0x130] =	vst v0;
	v2 =	vmul.f32 $8.000000000e+00, v5;
	v8 =	vld [tilespmem:s20+$0x1A0]  }
.Ltmp2:
0x10b: {  	[tilespmem:s20+$0x140] =	vst v1;
	v5 =	vmul.f32 $8.000000000e+00, v6;
	v0 =	vld [tilespmem:s20+$0x1B0];
	(pc) =	sbr.rel @p1 .LBB2_7-.Ltmp2, $4  }
0x10c: {  	[tilespmem:s20+$0x150] =	vst v2;
	v3 =	vmul.f32 $8.000000000e+00, v3;
	v1 =	vld [tilespmem:s20+$0x1C0]  }
0x10d: {  	[tilespmem:s20+$0x160] =	vst v5;
	v6 =	vmul.f32 $8.000000000e+00, v4;
	v2 =	vld [tilespmem:s20+$0x1D0]  }
0x10e: {  	[tilespmem:s20+$0x170] =	vst v3;
	v5 =	vmul.f32 $8.000000000e+00, v7;
	v3 =	vld [tilespmem:s20+$0x1E0]  }
0x10f: {  	s20 =	sadd.s32 $0x200, s20;
	v4 =	vld [tilespmem:s17+$0x0];
	[tilespmem:s17+$0x180] =	vst v6;
	v6 =	vmul.f32 $8.000000000e+00, v8  }
0x110: {  	[tilespmem:s17+$0x190] =	vst v5;
	v0 =	vmul.f32 $8.000000000e+00, v0  }
0x111: {  	[tilespmem:s17+$0x1A0] =	vst v6;
	v1 =	vmul.f32 $8.000000000e+00, v1  }
0x112: {  	[tilespmem:s17+$0x1B0] =	vst v0;
	v0 =	vmul.f32 $8.000000000e+00, v2  }
0x113: {  	s18 =	sadd.s32 s5, s9;
	[tilespmem:s17+$0x1C0] =	vst v1;
	v1 =	vmul.f32 $8.000000000e+00, v3  }
0x114: {  	s18 =	sshll.u32 s18, $0x3;
	v2 =	vmul.f32 $8.000000000e+00, v4;
	[tilespmem:s17+$0x1D0] =	vst v0  }
0x115: {  	s18 =	sand.u32 $0x1FFFE800, s18;
	[tilespmem:s17+$0x1E0] =	vst v1  }
0x116: {  	s20 =	simm.s32 $0xA400;
	s18 =	sadd.s32 s2, s18;
	[tilespmem:s17+$0x0] =	vst v2;
	s17 =	simm.s32 @!p0 $0xB  }
0x117: {  	[hbm4b:s18+s3] =	stream.linear.scatter [tilespmem:s20], [sflag:$0xB], $0x2000, $0x38;
	[tilespmem:$0x16400] =	vst v63  }
0x118: {  	_ =	swait.ge @!p0 [sflag:s17], $0x2000  }
0x119: {  	s18 =	simm.s32 @!p0 $0x80;
	[sflag:s17] =	ssyncset.done @!p0 $0x0  }
0x11a: {  	s20 =	simm.s32 @!p0 $0xA400;
	[sflag:s17] =	ssyncadd.s32 @!p0 $0xFFFFE000;
	s17 =	sadd.s32 @!p0 $0x500, s15  }
0x11b: {  	[tilespmem:s20], [sflag:$0x3] =	stream.indirect.gather @!p0 [hbm4b:s4+s18], $0x40, s17, s18, $0xb8;
	[tilespmem:$0x16400] =	vst v63  }
0x11c: {  	_ =	swait.ge [sflag:s21], $0x2000  }
0x11d: {  	[sflag:s21] =	ssyncset.done $0x0  }
0x11e: {  	s17 =	simm.s32 $0xC400;
	[sflag:s21] =	ssyncadd.s32 $0xFFFFE000  }
0x11f: {  	v0 =	vld [tilespmem:s17+$0x1F0]  }
0x120: {  	v1 =	vld [tilespmem:s17+$0x10]  }
0x121: {  	v2 =	vld [tilespmem:s17+$0x20]  }
0x122: {  	v3 =	vld [tilespmem:s17+$0x30]  }
0x123: {  	v4 =	vld [tilespmem:s17+$0x40]  }
0x124: {  	v5 =	vld [tilespmem:s17+$0x50];
	v0 =	vmul.f32 $8.000000000e+00, v0  }
0x125: {  	v6 =	vld [tilespmem:s17+$0x60];
	v1 =	vmul.f32 $8.000000000e+00, v1  }
0x126: {  	v7 =	vld [tilespmem:s17+$0x70];
	v2 =	vmul.f32 $8.000000000e+00, v2;
	[tilespmem:s17+$0x1F0] =	vst v0  }
0x127: {  	[tilespmem:s17+$0x10] =	vst v1;
	v0 =	vmul.f32 $8.000000000e+00, v3;
	v1 =	vld [tilespmem:s17+$0x80]  }
0x128: {  	[tilespmem:s17+$0x20] =	vst v2;
	v2 =	vmul.f32 $8.000000000e+00, v4;
	v3 =	vld [tilespmem:s17+$0x90]  }
0x129: {  	v4 =	vld [tilespmem:s17+$0xA0];
	[tilespmem:s17+$0x30] =	vst v0;
	v0 =	vmul.f32 $8.000000000e+00, v5  }
0x12a: {  	[tilespmem:s17+$0x40] =	vst v2;
	v2 =	vmul.f32 $8.000000000e+00, v6;
	v5 =	vld [tilespmem:s17+$0xB0]  }
0x12b: {  	v6 =	vld [tilespmem:s17+$0xC0];
	[tilespmem:s17+$0x50] =	vst v0;
	v0 =	vmul.f32 $8.000000000e+00, v7  }
0x12c: {  	[tilespmem:s17+$0x60] =	vst v2;
	v2 =	vld [tilespmem:s17+$0xD0];
	v1 =	vmul.f32 $8.000000000e+00, v1  }
0x12d: {  	[tilespmem:s17+$0x70] =	vst v0;
	v0 =	vmul.f32 $8.000000000e+00, v3;
	v3 =	vld [tilespmem:s17+$0xE0]  }
0x12e: {  	[tilespmem:s17+$0x80] =	vst v1;
	v1 =	vmul.f32 $8.000000000e+00, v4;
	v4 =	vld [tilespmem:s17+$0xF0]  }
0x12f: {  	[tilespmem:s17+$0x90] =	vst v0;
	v0 =	vmul.f32 $8.000000000e+00, v5;
	v5 =	vld [tilespmem:s17+$0x100]  }
0x130: {  	[tilespmem:s17+$0xA0] =	vst v1;
	v1 =	vmul.f32 $8.000000000e+00, v6;
	v6 =	vld [tilespmem:s17+$0x110]  }
0x131: {  	[tilespmem:s17+$0xB0] =	vst v0;
	v0 =	vmul.f32 $8.000000000e+00, v2;
	v2 =	vld [tilespmem:s17+$0x120]  }
0x132: {  	[tilespmem:s17+$0xC0] =	vst v1;
	v1 =	vmul.f32 $8.000000000e+00, v3;
	v3 =	vld [tilespmem:s17+$0x130]  }
0x133: {  	[tilespmem:s17+$0xD0] =	vst v0;
	v0 =	vmul.f32 $8.000000000e+00, v4;
	v4 =	vld [tilespmem:s17+$0x140]  }
0x134: {  	[tilespmem:s17+$0xE0] =	vst v1;
	v1 =	vmul.f32 $8.000000000e+00, v5;
	v5 =	vld [tilespmem:s17+$0x150]  }
0x135: {  	[tilespmem:s17+$0xF0] =	vst v0;
	v0 =	vmul.f32 $8.000000000e+00, v6;
	v6 =	vld [tilespmem:s17+$0x160]  }
0x136: {  	[tilespmem:s17+$0x100] =	vst v1;
	v1 =	vmul.f32 $8.000000000e+00, v2;
	v2 =	vld [tilespmem:s17+$0x170]  }
0x137: {  	[tilespmem:s17+$0x110] =	vst v0;
	v0 =	vmul.f32 $8.000000000e+00, v3;
	v3 =	vld [tilespmem:s17+$0x180]  }
0x138: {  	[tilespmem:s17+$0x120] =	vst v1;
	v1 =	vmul.f32 $8.000000000e+00, v4;
	v4 =	vld [tilespmem:s17+$0x190]  }
0x139: {  	v7 =	vld [tilespmem:s17+$0x1A0];
	[tilespmem:s17+$0x130] =	vst v0;
	v5 =	vmul.f32 $8.000000000e+00, v5  }
0x13a: {  	v0 =	vld [tilespmem:s17+$0x1B0];
	[tilespmem:s17+$0x140] =	vst v1;
	v6 =	vmul.f32 $8.000000000e+00, v6  }
0x13b: {  	v1 =	vld [tilespmem:s17+$0x1C0];
	[tilespmem:s17+$0x150] =	vst v5;
	v5 =	vmul.f32 $8.000000000e+00, v2  }
0x13c: {  	v2 =	vld [tilespmem:s17+$0x1D0];
	[tilespmem:s17+$0x160] =	vst v6;
	v6 =	vmul.f32 $8.000000000e+00, v3  }
0x13d: {  	v3 =	vld [tilespmem:s17+$0x1E0];
	[tilespmem:s17+$0x170] =	vst v5;
	v5 =	vmul.f32 $8.000000000e+00, v4  }
0x13e: {  	s18 =	simm.s32 $0x0;
	s20 =	simm.s32 $0xC600;
	v4 =	vld [tilespmem:s17+$0x0];
	[tilespmem:s17+$0x180] =	vst v6;
	v6 =	vmul.f32 $8.000000000e+00, v7  }
.LBB2_9:
0x13f: {  	v7 =	vld [tilespmem:s20+$0x1F0];
	s18 =	sadd.s32 $0x8, s18;
	[tilespmem:s17+$0x190] =	vst v5;
	v0 =	vmul.f32 $8.000000000e+00, v0  }
0x140: {  	v5 =	vld [tilespmem:s20+$0x10];
	p1 =	slt.u32 s18, $0x78;
	[tilespmem:s17+$0x1A0] =	vst v6;
	v1 =	vmul.f32 $8.000000000e+00, v1  }
0x141: {  	v6 =	vld [tilespmem:s20+$0x20];
	[tilespmem:s17+$0x1B0] =	vst v0;
	v0 =	vmul.f32 $8.000000000e+00, v2  }
0x142: {  	v2 =	vld [tilespmem:s20+$0x30];
	[tilespmem:s17+$0x1C0] =	vst v1;
	v1 =	vmul.f32 $8.000000000e+00, v3  }
0x143: {  	v3 =	vld [tilespmem:s20+$0x40];
	v4 =	vmul.f32 $8.000000000e+00, v4;
	[tilespmem:s17+$0x1D0] =	vst v0  }
0x144: {  	v0 =	vld [tilespmem:s20+$0x50];
	v7 =	vmul.f32 $8.000000000e+00, v7;
	[tilespmem:s17+$0x1E0] =	vst v1  }
0x145: {  	v1 =	vmul.f32 $8.000000000e+00, v5;
	v5 =	vld [tilespmem:s20+$0x60];
	[tilespmem:s17+$0x0] =	vst v4;
	s17 =	smov.u32 s20  }
0x146: {  	v4 =	vmul.f32 $8.000000000e+00, v6;
	v6 =	vld [tilespmem:s20+$0x70];
	[tilespmem:s20+$0x1F0] =	vst v7  }
0x147: {  	[tilespmem:s20+$0x10] =	vst v1;
	v1 =	vmul.f32 $8.000000000e+00, v2;
	v2 =	vld [tilespmem:s20+$0x80]  }
0x148: {  	[tilespmem:s20+$0x20] =	vst v4;
	v3 =	vmul.f32 $8.000000000e+00, v3;
	v4 =	vld [tilespmem:s20+$0x90]  }
0x149: {  	[tilespmem:s20+$0x30] =	vst v1;
	v0 =	vmul.f32 $8.000000000e+00, v0;
	v1 =	vld [tilespmem:s20+$0xA0]  }
0x14a: {  	[tilespmem:s20+$0x40] =	vst v3;
	v3 =	vmul.f32 $8.000000000e+00, v5;
	v5 =	vld [tilespmem:s20+$0xB0]  }
0x14b: {  	[tilespmem:s20+$0x50] =	vst v0;
	v0 =	vmul.f32 $8.000000000e+00, v6;
	v6 =	vld [tilespmem:s20+$0xC0]  }
0x14c: {  	[tilespmem:s20+$0x60] =	vst v3;
	v2 =	vmul.f32 $8.000000000e+00, v2;
	v3 =	vld [tilespmem:s20+$0xD0]  }
0x14d: {  	[tilespmem:s20+$0x70] =	vst v0;
	v0 =	vmul.f32 $8.000000000e+00, v4;
	v4 =	vld [tilespmem:s20+$0xE0]  }
0x14e: {  	[tilespmem:s20+$0x80] =	vst v2;
	v1 =	vmul.f32 $8.000000000e+00, v1;
	v2 =	vld [tilespmem:s20+$0xF0]  }
0x14f: {  	[tilespmem:s20+$0x90] =	vst v0;
	v0 =	vmul.f32 $8.000000000e+00, v5;
	v5 =	vld [tilespmem:s20+$0x100]  }
0x150: {  	[tilespmem:s20+$0xA0] =	vst v1;
	v1 =	vmul.f32 $8.000000000e+00, v6;
	v6 =	vld [tilespmem:s20+$0x110]  }
0x151: {  	[tilespmem:s20+$0xB0] =	vst v0;
	v0 =	vmul.f32 $8.000000000e+00, v3;
	v3 =	vld [tilespmem:s20+$0x120]  }
0x152: {  	[tilespmem:s20+$0xC0] =	vst v1;
	v1 =	vmul.f32 $8.000000000e+00, v4;
	v4 =	vld [tilespmem:s20+$0x130]  }
0x153: {  	[tilespmem:s20+$0xD0] =	vst v0;
	v0 =	vmul.f32 $8.000000000e+00, v2;
	v2 =	vld [tilespmem:s20+$0x140]  }
0x154: {  	[tilespmem:s20+$0xE0] =	vst v1;
	v1 =	vmul.f32 $8.000000000e+00, v5;
	v5 =	vld [tilespmem:s20+$0x150]  }
0x155: {  	[tilespmem:s20+$0xF0] =	vst v0;
	v0 =	vmul.f32 $8.000000000e+00, v6;
	v6 =	vld [tilespmem:s20+$0x160]  }
0x156: {  	[tilespmem:s20+$0x100] =	vst v1;
	v1 =	vmul.f32 $8.000000000e+00, v3;
	v3 =	vld [tilespmem:s20+$0x170]  }
0x157: {  	[tilespmem:s20+$0x110] =	vst v0;
	v0 =	vmul.f32 $8.000000000e+00, v4;
	v4 =	vld [tilespmem:s20+$0x180]  }
0x158: {  	[tilespmem:s20+$0x120] =	vst v1;
	v1 =	vmul.f32 $8.000000000e+00, v2;
	v7 =	vld [tilespmem:s20+$0x190]  }
0x159: {  	[tilespmem:s20+$0x130] =	vst v0;
	v2 =	vmul.f32 $8.000000000e+00, v5;
	v8 =	vld [tilespmem:s20+$0x1A0]  }
.Ltmp3:
0x15a: {  	[tilespmem:s20+$0x140] =	vst v1;
	v5 =	vmul.f32 $8.000000000e+00, v6;
	v0 =	vld [tilespmem:s20+$0x1B0];
	(pc) =	sbr.rel @p1 .LBB2_9-.Ltmp3, $4  }
0x15b: {  	[tilespmem:s20+$0x150] =	vst v2;
	v3 =	vmul.f32 $8.000000000e+00, v3;
	v1 =	vld [tilespmem:s20+$0x1C0]  }
0x15c: {  	[tilespmem:s20+$0x160] =	vst v5;
	v6 =	vmul.f32 $8.000000000e+00, v4;
	v2 =	vld [tilespmem:s20+$0x1D0]  }
0x15d: {  	[tilespmem:s20+$0x170] =	vst v3;
	v5 =	vmul.f32 $8.000000000e+00, v7;
	v3 =	vld [tilespmem:s20+$0x1E0]  }
0x15e: {  	s20 =	sadd.s32 $0x200, s20;
	v4 =	vld [tilespmem:s17+$0x0];
	[tilespmem:s17+$0x180] =	vst v6;
	v6 =	vmul.f32 $8.000000000e+00, v8  }
0x15f: {  	[tilespmem:s17+$0x190] =	vst v5;
	v0 =	vmul.f32 $8.000000000e+00, v0  }
0x160: {  	[tilespmem:s17+$0x1A0] =	vst v6;
	v1 =	vmul.f32 $8.000000000e+00, v1  }
0x161: {  	[tilespmem:s17+$0x1B0] =	vst v0;
	v0 =	vmul.f32 $8.000000000e+00, v2  }
0x162: {  	s18 =	sadd.s32 s5, s10;
	[tilespmem:s17+$0x1C0] =	vst v1;
	v1 =	vmul.f32 $8.000000000e+00, v3  }
0x163: {  	s18 =	sshll.u32 s18, $0x3;
	v2 =	vmul.f32 $8.000000000e+00, v4;
	[tilespmem:s17+$0x1D0] =	vst v0  }
0x164: {  	s18 =	sand.u32 $0x1FFFEC00, s18;
	[tilespmem:s17+$0x1E0] =	vst v1  }
0x165: {  	s20 =	sadd.s32 s2, s18;
	[tilespmem:s17+$0x0] =	vst v2;
	s17 =	simm.s32 @!p0 $0xC  }
0x166: {  	[hbm4b:s20+s3] =	stream.linear.scatter [tilespmem:s22], [sflag:$0xC], $0x2000, $0x38;
	[tilespmem:$0x16400] =	vst v63  }
0x167: {  	_ =	swait.ge @!p0 [sflag:s17], $0x2000  }
0x168: {  	s18 =	simm.s32 @!p0 $0x80;
	[sflag:s17] =	ssyncset.done @!p0 $0x0  }
0x169: {  	s20 =	simm.s32 @!p0 $0xC400;
	[sflag:s17] =	ssyncadd.s32 @!p0 $0xFFFFE000;
	s17 =	sadd.s32 @!p0 $0x580, s15  }
0x16a: {  	[tilespmem:s20], [sflag:$0x4] =	stream.indirect.gather @!p0 [hbm4b:s4+s18], $0x40, s17, s18, $0xb8;
	[tilespmem:$0x16400] =	vst v63  }
0x16b: {  	_ =	swait.ge [sflag:s23], $0x2000  }
0x16c: {  	[sflag:s23] =	ssyncset.done $0x0  }
0x16d: {  	s17 =	simm.s32 $0xE400;
	[sflag:s23] =	ssyncadd.s32 $0xFFFFE000  }
0x16e: {  	v0 =	vld [tilespmem:s17+$0x1F0]  }
0x16f: {  	v1 =	vld [tilespmem:s17+$0x10]  }
0x170: {  	v2 =	vld [tilespmem:s17+$0x20]  }
0x171: {  	v3 =	vld [tilespmem:s17+$0x30]  }
0x172: {  	v4 =	vld [tilespmem:s17+$0x40]  }
0x173: {  	v5 =	vld [tilespmem:s17+$0x50];
	v0 =	vmul.f32 $8.000000000e+00, v0  }
0x174: {  	v6 =	vld [tilespmem:s17+$0x60];
	v1 =	vmul.f32 $8.000000000e+00, v1  }
0x175: {  	v7 =	vld [tilespmem:s17+$0x70];
	v2 =	vmul.f32 $8.000000000e+00, v2;
	[tilespmem:s17+$0x1F0] =	vst v0  }
0x176: {  	[tilespmem:s17+$0x10] =	vst v1;
	v0 =	vmul.f32 $8.000000000e+00, v3;
	v1 =	vld [tilespmem:s17+$0x80]  }
0x177: {  	[tilespmem:s17+$0x20] =	vst v2;
	v2 =	vmul.f32 $8.000000000e+00, v4;
	v3 =	vld [tilespmem:s17+$0x90]  }
0x178: {  	v4 =	vld [tilespmem:s17+$0xA0];
	[tilespmem:s17+$0x30] =	vst v0;
	v0 =	vmul.f32 $8.000000000e+00, v5  }
0x179: {  	[tilespmem:s17+$0x40] =	vst v2;
	v2 =	vmul.f32 $8.000000000e+00, v6;
	v5 =	vld [tilespmem:s17+$0xB0]  }
0x17a: {  	v6 =	vld [tilespmem:s17+$0xC0];
	[tilespmem:s17+$0x50] =	vst v0;
	v0 =	vmul.f32 $8.000000000e+00, v7  }
0x17b: {  	[tilespmem:s17+$0x60] =	vst v2;
	v2 =	vld [tilespmem:s17+$0xD0];
	v1 =	vmul.f32 $8.000000000e+00, v1  }
0x17c: {  	[tilespmem:s17+$0x70] =	vst v0;
	v0 =	vmul.f32 $8.000000000e+00, v3;
	v3 =	vld [tilespmem:s17+$0xE0]  }
0x17d: {  	[tilespmem:s17+$0x80] =	vst v1;
	v1 =	vmul.f32 $8.000000000e+00, v4;
	v4 =	vld [tilespmem:s17+$0xF0]  }
0x17e: {  	[tilespmem:s17+$0x90] =	vst v0;
	v0 =	vmul.f32 $8.000000000e+00, v5;
	v5 =	vld [tilespmem:s17+$0x100]  }
0x17f: {  	[tilespmem:s17+$0xA0] =	vst v1;
	v1 =	vmul.f32 $8.000000000e+00, v6;
	v6 =	vld [tilespmem:s17+$0x110]  }
0x180: {  	[tilespmem:s17+$0xB0] =	vst v0;
	v0 =	vmul.f32 $8.000000000e+00, v2;
	v2 =	vld [tilespmem:s17+$0x120]  }
0x181: {  	[tilespmem:s17+$0xC0] =	vst v1;
	v1 =	vmul.f32 $8.000000000e+00, v3;
	v3 =	vld [tilespmem:s17+$0x130]  }
0x182: {  	[tilespmem:s17+$0xD0] =	vst v0;
	v0 =	vmul.f32 $8.000000000e+00, v4;
	v4 =	vld [tilespmem:s17+$0x140]  }
0x183: {  	[tilespmem:s17+$0xE0] =	vst v1;
	v1 =	vmul.f32 $8.000000000e+00, v5;
	v5 =	vld [tilespmem:s17+$0x150]  }
0x184: {  	[tilespmem:s17+$0xF0] =	vst v0;
	v0 =	vmul.f32 $8.000000000e+00, v6;
	v6 =	vld [tilespmem:s17+$0x160]  }
0x185: {  	[tilespmem:s17+$0x100] =	vst v1;
	v1 =	vmul.f32 $8.000000000e+00, v2;
	v2 =	vld [tilespmem:s17+$0x170]  }
0x186: {  	[tilespmem:s17+$0x110] =	vst v0;
	v0 =	vmul.f32 $8.000000000e+00, v3;
	v3 =	vld [tilespmem:s17+$0x180]  }
0x187: {  	[tilespmem:s17+$0x120] =	vst v1;
	v1 =	vmul.f32 $8.000000000e+00, v4;
	v4 =	vld [tilespmem:s17+$0x190]  }
0x188: {  	v7 =	vld [tilespmem:s17+$0x1A0];
	[tilespmem:s17+$0x130] =	vst v0;
	v5 =	vmul.f32 $8.000000000e+00, v5  }
0x189: {  	v0 =	vld [tilespmem:s17+$0x1B0];
	[tilespmem:s17+$0x140] =	vst v1;
	v6 =	vmul.f32 $8.000000000e+00, v6  }
0x18a: {  	v1 =	vld [tilespmem:s17+$0x1C0];
	[tilespmem:s17+$0x150] =	vst v5;
	v5 =	vmul.f32 $8.000000000e+00, v2  }
0x18b: {  	v2 =	vld [tilespmem:s17+$0x1D0];
	[tilespmem:s17+$0x160] =	vst v6;
	v6 =	vmul.f32 $8.000000000e+00, v3  }
0x18c: {  	v3 =	vld [tilespmem:s17+$0x1E0];
	[tilespmem:s17+$0x170] =	vst v5;
	v5 =	vmul.f32 $8.000000000e+00, v4  }
0x18d: {  	s18 =	simm.s32 $0x0;
	s20 =	simm.s32 $0xE600;
	v4 =	vld [tilespmem:s17+$0x0];
	[tilespmem:s17+$0x180] =	vst v6;
	v6 =	vmul.f32 $8.000000000e+00, v7  }
.LBB2_11:
0x18e: {  	v7 =	vld [tilespmem:s20+$0x1F0];
	s18 =	sadd.s32 $0x8, s18;
	[tilespmem:s17+$0x190] =	vst v5;
	v0 =	vmul.f32 $8.000000000e+00, v0  }
0x18f: {  	v5 =	vld [tilespmem:s20+$0x10];
	p1 =	slt.u32 s18, $0x78;
	[tilespmem:s17+$0x1A0] =	vst v6;
	v1 =	vmul.f32 $8.000000000e+00, v1  }
0x190: {  	v6 =	vld [tilespmem:s20+$0x20];
	[tilespmem:s17+$0x1B0] =	vst v0;
	v0 =	vmul.f32 $8.000000000e+00, v2  }
0x191: {  	v2 =	vld [tilespmem:s20+$0x30];
	[tilespmem:s17+$0x1C0] =	vst v1;
	v1 =	vmul.f32 $8.000000000e+00, v3  }
0x192: {  	v3 =	vld [tilespmem:s20+$0x40];
	v4 =	vmul.f32 $8.000000000e+00, v4;
	[tilespmem:s17+$0x1D0] =	vst v0  }
0x193: {  	v0 =	vld [tilespmem:s20+$0x50];
	v7 =	vmul.f32 $8.000000000e+00, v7;
	[tilespmem:s17+$0x1E0] =	vst v1  }
0x194: {  	v1 =	vmul.f32 $8.000000000e+00, v5;
	v5 =	vld [tilespmem:s20+$0x60];
	[tilespmem:s17+$0x0] =	vst v4;
	s17 =	smov.u32 s20  }
0x195: {  	v4 =	vmul.f32 $8.000000000e+00, v6;
	v6 =	vld [tilespmem:s20+$0x70];
	[tilespmem:s20+$0x1F0] =	vst v7  }
0x196: {  	[tilespmem:s20+$0x10] =	vst v1;
	v1 =	vmul.f32 $8.000000000e+00, v2;
	v2 =	vld [tilespmem:s20+$0x80]  }
0x197: {  	[tilespmem:s20+$0x20] =	vst v4;
	v3 =	vmul.f32 $8.000000000e+00, v3;
	v4 =	vld [tilespmem:s20+$0x90]  }
0x198: {  	[tilespmem:s20+$0x30] =	vst v1;
	v0 =	vmul.f32 $8.000000000e+00, v0;
	v1 =	vld [tilespmem:s20+$0xA0]  }
0x199: {  	[tilespmem:s20+$0x40] =	vst v3;
	v3 =	vmul.f32 $8.000000000e+00, v5;
	v5 =	vld [tilespmem:s20+$0xB0]  }
0x19a: {  	[tilespmem:s20+$0x50] =	vst v0;
	v0 =	vmul.f32 $8.000000000e+00, v6;
	v6 =	vld [tilespmem:s20+$0xC0]  }
0x19b: {  	[tilespmem:s20+$0x60] =	vst v3;
	v2 =	vmul.f32 $8.000000000e+00, v2;
	v3 =	vld [tilespmem:s20+$0xD0]  }
0x19c: {  	[tilespmem:s20+$0x70] =	vst v0;
	v0 =	vmul.f32 $8.000000000e+00, v4;
	v4 =	vld [tilespmem:s20+$0xE0]  }
0x19d: {  	[tilespmem:s20+$0x80] =	vst v2;
	v1 =	vmul.f32 $8.000000000e+00, v1;
	v2 =	vld [tilespmem:s20+$0xF0]  }
0x19e: {  	[tilespmem:s20+$0x90] =	vst v0;
	v0 =	vmul.f32 $8.000000000e+00, v5;
	v5 =	vld [tilespmem:s20+$0x100]  }
0x19f: {  	[tilespmem:s20+$0xA0] =	vst v1;
	v1 =	vmul.f32 $8.000000000e+00, v6;
	v6 =	vld [tilespmem:s20+$0x110]  }
0x1a0: {  	[tilespmem:s20+$0xB0] =	vst v0;
	v0 =	vmul.f32 $8.000000000e+00, v3;
	v3 =	vld [tilespmem:s20+$0x120]  }
0x1a1: {  	[tilespmem:s20+$0xC0] =	vst v1;
	v1 =	vmul.f32 $8.000000000e+00, v4;
	v4 =	vld [tilespmem:s20+$0x130]  }
0x1a2: {  	[tilespmem:s20+$0xD0] =	vst v0;
	v0 =	vmul.f32 $8.000000000e+00, v2;
	v2 =	vld [tilespmem:s20+$0x140]  }
0x1a3: {  	[tilespmem:s20+$0xE0] =	vst v1;
	v1 =	vmul.f32 $8.000000000e+00, v5;
	v5 =	vld [tilespmem:s20+$0x150]  }
0x1a4: {  	[tilespmem:s20+$0xF0] =	vst v0;
	v0 =	vmul.f32 $8.000000000e+00, v6;
	v6 =	vld [tilespmem:s20+$0x160]  }
0x1a5: {  	[tilespmem:s20+$0x100] =	vst v1;
	v1 =	vmul.f32 $8.000000000e+00, v3;
	v3 =	vld [tilespmem:s20+$0x170]  }
0x1a6: {  	[tilespmem:s20+$0x110] =	vst v0;
	v0 =	vmul.f32 $8.000000000e+00, v4;
	v4 =	vld [tilespmem:s20+$0x180]  }
0x1a7: {  	[tilespmem:s20+$0x120] =	vst v1;
	v1 =	vmul.f32 $8.000000000e+00, v2;
	v7 =	vld [tilespmem:s20+$0x190]  }
0x1a8: {  	[tilespmem:s20+$0x130] =	vst v0;
	v2 =	vmul.f32 $8.000000000e+00, v5;
	v8 =	vld [tilespmem:s20+$0x1A0]  }
.Ltmp4:
0x1a9: {  	[tilespmem:s20+$0x140] =	vst v1;
	v5 =	vmul.f32 $8.000000000e+00, v6;
	v0 =	vld [tilespmem:s20+$0x1B0];
	(pc) =	sbr.rel @p1 .LBB2_11-.Ltmp4, $4  }
0x1aa: {  	[tilespmem:s20+$0x150] =	vst v2;
	v3 =	vmul.f32 $8.000000000e+00, v3;
	v1 =	vld [tilespmem:s20+$0x1C0]  }
0x1ab: {  	[tilespmem:s20+$0x160] =	vst v5;
	v6 =	vmul.f32 $8.000000000e+00, v4;
	v2 =	vld [tilespmem:s20+$0x1D0]  }
0x1ac: {  	[tilespmem:s20+$0x170] =	vst v3;
	v5 =	vmul.f32 $8.000000000e+00, v7;
	v3 =	vld [tilespmem:s20+$0x1E0]  }
0x1ad: {  	s20 =	sadd.s32 $0x200, s20;
	v4 =	vld [tilespmem:s17+$0x0];
	[tilespmem:s17+$0x180] =	vst v6;
	v6 =	vmul.f32 $8.000000000e+00, v8  }
0x1ae: {  	[tilespmem:s17+$0x190] =	vst v5;
	v0 =	vmul.f32 $8.000000000e+00, v0  }
0x1af: {  	[tilespmem:s17+$0x1A0] =	vst v6;
	v1 =	vmul.f32 $8.000000000e+00, v1  }
0x1b0: {  	[tilespmem:s17+$0x1B0] =	vst v0;
	v0 =	vmul.f32 $8.000000000e+00, v2  }
0x1b1: {  	s18 =	sadd.s32 s5, s11;
	[tilespmem:s17+$0x1C0] =	vst v1;
	v1 =	vmul.f32 $8.000000000e+00, v3  }
0x1b2: {  	s18 =	sshll.u32 s18, $0x3;
	v2 =	vmul.f32 $8.000000000e+00, v4;
	[tilespmem:s17+$0x1D0] =	vst v0  }
0x1b3: {  	s18 =	sand.u32 $0x1FFFF000, s18;
	[tilespmem:s17+$0x1E0] =	vst v1  }
0x1b4: {  	s20 =	sadd.s32 s2, s18;
	[tilespmem:s17+$0x0] =	vst v2;
	s17 =	simm.s32 @!p0 $0xD  }
0x1b5: {  	[hbm4b:s20+s3] =	stream.linear.scatter [tilespmem:s24], [sflag:$0xD], $0x2000, $0x38;
	[tilespmem:$0x16400] =	vst v63  }
0x1b6: {  	_ =	swait.ge @!p0 [sflag:s17], $0x2000  }
0x1b7: {  	s18 =	simm.s32 @!p0 $0x80;
	[sflag:s17] =	ssyncset.done @!p0 $0x0  }
0x1b8: {  	s20 =	simm.s32 @!p0 $0xE400;
	[sflag:s17] =	ssyncadd.s32 @!p0 $0xFFFFE000;
	s17 =	sadd.s32 @!p0 $0x600, s15  }
0x1b9: {  	[tilespmem:s20], [sflag:$0x5] =	stream.indirect.gather @!p0 [hbm4b:s4+s18], $0x40, s17, s18, $0xb8;
	[tilespmem:$0x16400] =	vst v63  }
0x1ba: {  	_ =	swait.ge [sflag:s25], $0x2000  }
0x1bb: {  	[sflag:s25] =	ssyncset.done $0x0  }
0x1bc: {  	s17 =	simm.s32 $0x10400;
	[sflag:s25] =	ssyncadd.s32 $0xFFFFE000  }
0x1bd: {  	v0 =	vld [tilespmem:s17+$0x1F0]  }
0x1be: {  	v1 =	vld [tilespmem:s17+$0x10]  }
0x1bf: {  	v2 =	vld [tilespmem:s17+$0x20]  }
0x1c0: {  	v3 =	vld [tilespmem:s17+$0x30]  }
0x1c1: {  	v4 =	vld [tilespmem:s17+$0x40]  }
0x1c2: {  	v5 =	vld [tilespmem:s17+$0x50];
	v0 =	vmul.f32 $8.000000000e+00, v0  }
0x1c3: {  	v6 =	vld [tilespmem:s17+$0x60];
	v1 =	vmul.f32 $8.000000000e+00, v1  }
0x1c4: {  	v7 =	vld [tilespmem:s17+$0x70];
	v2 =	vmul.f32 $8.000000000e+00, v2;
	[tilespmem:s17+$0x1F0] =	vst v0  }
0x1c5: {  	[tilespmem:s17+$0x10] =	vst v1;
	v0 =	vmul.f32 $8.000000000e+00, v3;
	v1 =	vld [tilespmem:s17+$0x80]  }
0x1c6: {  	[tilespmem:s17+$0x20] =	vst v2;
	v2 =	vmul.f32 $8.000000000e+00, v4;
	v3 =	vld [tilespmem:s17+$0x90]  }
0x1c7: {  	v4 =	vld [tilespmem:s17+$0xA0];
	[tilespmem:s17+$0x30] =	vst v0;
	v0 =	vmul.f32 $8.000000000e+00, v5  }
0x1c8: {  	[tilespmem:s17+$0x40] =	vst v2;
	v2 =	vmul.f32 $8.000000000e+00, v6;
	v5 =	vld [tilespmem:s17+$0xB0]  }
0x1c9: {  	v6 =	vld [tilespmem:s17+$0xC0];
	[tilespmem:s17+$0x50] =	vst v0;
	v0 =	vmul.f32 $8.000000000e+00, v7  }
0x1ca: {  	[tilespmem:s17+$0x60] =	vst v2;
	v2 =	vld [tilespmem:s17+$0xD0];
	v1 =	vmul.f32 $8.000000000e+00, v1  }
0x1cb: {  	[tilespmem:s17+$0x70] =	vst v0;
	v0 =	vmul.f32 $8.000000000e+00, v3;
	v3 =	vld [tilespmem:s17+$0xE0]  }
0x1cc: {  	[tilespmem:s17+$0x80] =	vst v1;
	v1 =	vmul.f32 $8.000000000e+00, v4;
	v4 =	vld [tilespmem:s17+$0xF0]  }
0x1cd: {  	[tilespmem:s17+$0x90] =	vst v0;
	v0 =	vmul.f32 $8.000000000e+00, v5;
	v5 =	vld [tilespmem:s17+$0x100]  }
0x1ce: {  	[tilespmem:s17+$0xA0] =	vst v1;
	v1 =	vmul.f32 $8.000000000e+00, v6;
	v6 =	vld [tilespmem:s17+$0x110]  }
0x1cf: {  	[tilespmem:s17+$0xB0] =	vst v0;
	v0 =	vmul.f32 $8.000000000e+00, v2;
	v2 =	vld [tilespmem:s17+$0x120]  }
0x1d0: {  	[tilespmem:s17+$0xC0] =	vst v1;
	v1 =	vmul.f32 $8.000000000e+00, v3;
	v3 =	vld [tilespmem:s17+$0x130]  }
0x1d1: {  	[tilespmem:s17+$0xD0] =	vst v0;
	v0 =	vmul.f32 $8.000000000e+00, v4;
	v4 =	vld [tilespmem:s17+$0x140]  }
0x1d2: {  	[tilespmem:s17+$0xE0] =	vst v1;
	v1 =	vmul.f32 $8.000000000e+00, v5;
	v5 =	vld [tilespmem:s17+$0x150]  }
0x1d3: {  	[tilespmem:s17+$0xF0] =	vst v0;
	v0 =	vmul.f32 $8.000000000e+00, v6;
	v6 =	vld [tilespmem:s17+$0x160]  }
0x1d4: {  	[tilespmem:s17+$0x100] =	vst v1;
	v1 =	vmul.f32 $8.000000000e+00, v2;
	v2 =	vld [tilespmem:s17+$0x170]  }
0x1d5: {  	[tilespmem:s17+$0x110] =	vst v0;
	v0 =	vmul.f32 $8.000000000e+00, v3;
	v3 =	vld [tilespmem:s17+$0x180]  }
0x1d6: {  	[tilespmem:s17+$0x120] =	vst v1;
	v1 =	vmul.f32 $8.000000000e+00, v4;
	v4 =	vld [tilespmem:s17+$0x190]  }
0x1d7: {  	v7 =	vld [tilespmem:s17+$0x1A0];
	[tilespmem:s17+$0x130] =	vst v0;
	v5 =	vmul.f32 $8.000000000e+00, v5  }
0x1d8: {  	v0 =	vld [tilespmem:s17+$0x1B0];
	[tilespmem:s17+$0x140] =	vst v1;
	v6 =	vmul.f32 $8.000000000e+00, v6  }
0x1d9: {  	v1 =	vld [tilespmem:s17+$0x1C0];
	[tilespmem:s17+$0x150] =	vst v5;
	v5 =	vmul.f32 $8.000000000e+00, v2  }
0x1da: {  	v2 =	vld [tilespmem:s17+$0x1D0];
	[tilespmem:s17+$0x160] =	vst v6;
	v6 =	vmul.f32 $8.000000000e+00, v3  }
0x1db: {  	v3 =	vld [tilespmem:s17+$0x1E0];
	[tilespmem:s17+$0x170] =	vst v5;
	v5 =	vmul.f32 $8.000000000e+00, v4  }
0x1dc: {  	s18 =	simm.s32 $0x0;
	s20 =	simm.s32 $0x10600;
	v4 =	vld [tilespmem:s17+$0x0];
	[tilespmem:s17+$0x180] =	vst v6;
	v6 =	vmul.f32 $8.000000000e+00, v7  }
.LBB2_13:
0x1dd: {  	v7 =	vld [tilespmem:s20+$0x1F0];
	s18 =	sadd.s32 $0x8, s18;
	[tilespmem:s17+$0x190] =	vst v5;
	v0 =	vmul.f32 $8.000000000e+00, v0  }
0x1de: {  	v5 =	vld [tilespmem:s20+$0x10];
	p1 =	slt.u32 s18, $0x78;
	[tilespmem:s17+$0x1A0] =	vst v6;
	v1 =	vmul.f32 $8.000000000e+00, v1  }
0x1df: {  	v6 =	vld [tilespmem:s20+$0x20];
	[tilespmem:s17+$0x1B0] =	vst v0;
	v0 =	vmul.f32 $8.000000000e+00, v2  }
0x1e0: {  	v2 =	vld [tilespmem:s20+$0x30];
	[tilespmem:s17+$0x1C0] =	vst v1;
	v1 =	vmul.f32 $8.000000000e+00, v3  }
0x1e1: {  	v3 =	vld [tilespmem:s20+$0x40];
	v4 =	vmul.f32 $8.000000000e+00, v4;
	[tilespmem:s17+$0x1D0] =	vst v0  }
0x1e2: {  	v0 =	vld [tilespmem:s20+$0x50];
	v7 =	vmul.f32 $8.000000000e+00, v7;
	[tilespmem:s17+$0x1E0] =	vst v1  }
0x1e3: {  	v1 =	vmul.f32 $8.000000000e+00, v5;
	v5 =	vld [tilespmem:s20+$0x60];
	[tilespmem:s17+$0x0] =	vst v4;
	s17 =	smov.u32 s20  }
0x1e4: {  	v4 =	vmul.f32 $8.000000000e+00, v6;
	v6 =	vld [tilespmem:s20+$0x70];
	[tilespmem:s20+$0x1F0] =	vst v7  }
0x1e5: {  	[tilespmem:s20+$0x10] =	vst v1;
	v1 =	vmul.f32 $8.000000000e+00, v2;
	v2 =	vld [tilespmem:s20+$0x80]  }
0x1e6: {  	[tilespmem:s20+$0x20] =	vst v4;
	v3 =	vmul.f32 $8.000000000e+00, v3;
	v4 =	vld [tilespmem:s20+$0x90]  }
0x1e7: {  	[tilespmem:s20+$0x30] =	vst v1;
	v0 =	vmul.f32 $8.000000000e+00, v0;
	v1 =	vld [tilespmem:s20+$0xA0]  }
0x1e8: {  	[tilespmem:s20+$0x40] =	vst v3;
	v3 =	vmul.f32 $8.000000000e+00, v5;
	v5 =	vld [tilespmem:s20+$0xB0]  }
0x1e9: {  	[tilespmem:s20+$0x50] =	vst v0;
	v0 =	vmul.f32 $8.000000000e+00, v6;
	v6 =	vld [tilespmem:s20+$0xC0]  }
0x1ea: {  	[tilespmem:s20+$0x60] =	vst v3;
	v2 =	vmul.f32 $8.000000000e+00, v2;
	v3 =	vld [tilespmem:s20+$0xD0]  }
0x1eb: {  	[tilespmem:s20+$0x70] =	vst v0;
	v0 =	vmul.f32 $8.000000000e+00, v4;
	v4 =	vld [tilespmem:s20+$0xE0]  }
0x1ec: {  	[tilespmem:s20+$0x80] =	vst v2;
	v1 =	vmul.f32 $8.000000000e+00, v1;
	v2 =	vld [tilespmem:s20+$0xF0]  }
0x1ed: {  	[tilespmem:s20+$0x90] =	vst v0;
	v0 =	vmul.f32 $8.000000000e+00, v5;
	v5 =	vld [tilespmem:s20+$0x100]  }
0x1ee: {  	[tilespmem:s20+$0xA0] =	vst v1;
	v1 =	vmul.f32 $8.000000000e+00, v6;
	v6 =	vld [tilespmem:s20+$0x110]  }
0x1ef: {  	[tilespmem:s20+$0xB0] =	vst v0;
	v0 =	vmul.f32 $8.000000000e+00, v3;
	v3 =	vld [tilespmem:s20+$0x120]  }
0x1f0: {  	[tilespmem:s20+$0xC0] =	vst v1;
	v1 =	vmul.f32 $8.000000000e+00, v4;
	v4 =	vld [tilespmem:s20+$0x130]  }
0x1f1: {  	[tilespmem:s20+$0xD0] =	vst v0;
	v0 =	vmul.f32 $8.000000000e+00, v2;
	v2 =	vld [tilespmem:s20+$0x140]  }
0x1f2: {  	[tilespmem:s20+$0xE0] =	vst v1;
	v1 =	vmul.f32 $8.000000000e+00, v5;
	v5 =	vld [tilespmem:s20+$0x150]  }
0x1f3: {  	[tilespmem:s20+$0xF0] =	vst v0;
	v0 =	vmul.f32 $8.000000000e+00, v6;
	v6 =	vld [tilespmem:s20+$0x160]  }
0x1f4: {  	[tilespmem:s20+$0x100] =	vst v1;
	v1 =	vmul.f32 $8.000000000e+00, v3;
	v3 =	vld [tilespmem:s20+$0x170]  }
0x1f5: {  	[tilespmem:s20+$0x110] =	vst v0;
	v0 =	vmul.f32 $8.000000000e+00, v4;
	v4 =	vld [tilespmem:s20+$0x180]  }
0x1f6: {  	[tilespmem:s20+$0x120] =	vst v1;
	v1 =	vmul.f32 $8.000000000e+00, v2;
	v7 =	vld [tilespmem:s20+$0x190]  }
0x1f7: {  	[tilespmem:s20+$0x130] =	vst v0;
	v2 =	vmul.f32 $8.000000000e+00, v5;
	v8 =	vld [tilespmem:s20+$0x1A0]  }
.Ltmp5:
0x1f8: {  	[tilespmem:s20+$0x140] =	vst v1;
	v5 =	vmul.f32 $8.000000000e+00, v6;
	v0 =	vld [tilespmem:s20+$0x1B0];
	(pc) =	sbr.rel @p1 .LBB2_13-.Ltmp5, $4  }
0x1f9: {  	[tilespmem:s20+$0x150] =	vst v2;
	v3 =	vmul.f32 $8.000000000e+00, v3;
	v1 =	vld [tilespmem:s20+$0x1C0]  }
0x1fa: {  	[tilespmem:s20+$0x160] =	vst v5;
	v6 =	vmul.f32 $8.000000000e+00, v4;
	v2 =	vld [tilespmem:s20+$0x1D0]  }
0x1fb: {  	[tilespmem:s20+$0x170] =	vst v3;
	v5 =	vmul.f32 $8.000000000e+00, v7;
	v3 =	vld [tilespmem:s20+$0x1E0]  }
0x1fc: {  	s20 =	sadd.s32 $0x200, s20;
	v4 =	vld [tilespmem:s17+$0x0];
	[tilespmem:s17+$0x180] =	vst v6;
	v6 =	vmul.f32 $8.000000000e+00, v8  }
0x1fd: {  	[tilespmem:s17+$0x190] =	vst v5;
	v0 =	vmul.f32 $8.000000000e+00, v0  }
0x1fe: {  	[tilespmem:s17+$0x1A0] =	vst v6;
	v1 =	vmul.f32 $8.000000000e+00, v1  }
0x1ff: {  	[tilespmem:s17+$0x1B0] =	vst v0;
	v0 =	vmul.f32 $8.000000000e+00, v2  }
0x200: {  	s18 =	sadd.s32 s5, s12;
	[tilespmem:s17+$0x1C0] =	vst v1;
	v1 =	vmul.f32 $8.000000000e+00, v3  }
0x201: {  	s18 =	sshll.u32 s18, $0x3;
	v2 =	vmul.f32 $8.000000000e+00, v4;
	[tilespmem:s17+$0x1D0] =	vst v0  }
0x202: {  	s18 =	sand.u32 $0x1FFFF400, s18;
	[tilespmem:s17+$0x1E0] =	vst v1  }
0x203: {  	s20 =	sadd.s32 s2, s18;
	[tilespmem:s17+$0x0] =	vst v2;
	s17 =	simm.s32 @!p0 $0xE  }
0x204: {  	[hbm4b:s20+s3] =	stream.linear.scatter [tilespmem:s26], [sflag:$0xE], $0x2000, $0x38;
	[tilespmem:$0x16400] =	vst v63  }
0x205: {  	_ =	swait.ge @!p0 [sflag:s17], $0x2000  }
0x206: {  	s18 =	simm.s32 @!p0 $0x80;
	[sflag:s17] =	ssyncset.done @!p0 $0x0  }
0x207: {  	s20 =	simm.s32 @!p0 $0x10400;
	[sflag:s17] =	ssyncadd.s32 @!p0 $0xFFFFE000;
	s17 =	sadd.s32 @!p0 $0x680, s15  }
0x208: {  	[tilespmem:s20], [sflag:$0x6] =	stream.indirect.gather @!p0 [hbm4b:s4+s18], $0x40, s17, s18, $0xb8;
	[tilespmem:$0x16400] =	vst v63  }
0x209: {  	_ =	swait.ge [sflag:s28], $0x2000  }
0x20a: {  	[sflag:s28] =	ssyncset.done $0x0  }
0x20b: {  	s17 =	simm.s32 $0x12400;
	[sflag:s28] =	ssyncadd.s32 $0xFFFFE000  }
0x20c: {  	v0 =	vld [tilespmem:s17+$0x1F0]  }
0x20d: {  	v1 =	vld [tilespmem:s17+$0x10]  }
0x20e: {  	v2 =	vld [tilespmem:s17+$0x20]  }
0x20f: {  	v3 =	vld [tilespmem:s17+$0x30]  }
0x210: {  	v4 =	vld [tilespmem:s17+$0x40]  }
0x211: {  	v5 =	vld [tilespmem:s17+$0x50];
	v0 =	vmul.f32 $8.000000000e+00, v0  }
0x212: {  	v6 =	vld [tilespmem:s17+$0x60];
	v1 =	vmul.f32 $8.000000000e+00, v1  }
0x213: {  	v7 =	vld [tilespmem:s17+$0x70];
	v2 =	vmul.f32 $8.000000000e+00, v2;
	[tilespmem:s17+$0x1F0] =	vst v0  }
0x214: {  	[tilespmem:s17+$0x10] =	vst v1;
	v0 =	vmul.f32 $8.000000000e+00, v3;
	v1 =	vld [tilespmem:s17+$0x80]  }
0x215: {  	[tilespmem:s17+$0x20] =	vst v2;
	v2 =	vmul.f32 $8.000000000e+00, v4;
	v3 =	vld [tilespmem:s17+$0x90]  }
0x216: {  	v4 =	vld [tilespmem:s17+$0xA0];
	[tilespmem:s17+$0x30] =	vst v0;
	v0 =	vmul.f32 $8.000000000e+00, v5  }
0x217: {  	[tilespmem:s17+$0x40] =	vst v2;
	v2 =	vmul.f32 $8.000000000e+00, v6;
	v5 =	vld [tilespmem:s17+$0xB0]  }
0x218: {  	v6 =	vld [tilespmem:s17+$0xC0];
	[tilespmem:s17+$0x50] =	vst v0;
	v0 =	vmul.f32 $8.000000000e+00, v7  }
0x219: {  	[tilespmem:s17+$0x60] =	vst v2;
	v2 =	vld [tilespmem:s17+$0xD0];
	v1 =	vmul.f32 $8.000000000e+00, v1  }
0x21a: {  	[tilespmem:s17+$0x70] =	vst v0;
	v0 =	vmul.f32 $8.000000000e+00, v3;
	v3 =	vld [tilespmem:s17+$0xE0]  }
0x21b: {  	[tilespmem:s17+$0x80] =	vst v1;
	v1 =	vmul.f32 $8.000000000e+00, v4;
	v4 =	vld [tilespmem:s17+$0xF0]  }
0x21c: {  	[tilespmem:s17+$0x90] =	vst v0;
	v0 =	vmul.f32 $8.000000000e+00, v5;
	v5 =	vld [tilespmem:s17+$0x100]  }
0x21d: {  	[tilespmem:s17+$0xA0] =	vst v1;
	v1 =	vmul.f32 $8.000000000e+00, v6;
	v6 =	vld [tilespmem:s17+$0x110]  }
0x21e: {  	[tilespmem:s17+$0xB0] =	vst v0;
	v0 =	vmul.f32 $8.000000000e+00, v2;
	v2 =	vld [tilespmem:s17+$0x120]  }
0x21f: {  	[tilespmem:s17+$0xC0] =	vst v1;
	v1 =	vmul.f32 $8.000000000e+00, v3;
	v3 =	vld [tilespmem:s17+$0x130]  }
0x220: {  	[tilespmem:s17+$0xD0] =	vst v0;
	v0 =	vmul.f32 $8.000000000e+00, v4;
	v4 =	vld [tilespmem:s17+$0x140]  }
0x221: {  	[tilespmem:s17+$0xE0] =	vst v1;
	v1 =	vmul.f32 $8.000000000e+00, v5;
	v5 =	vld [tilespmem:s17+$0x150]  }
0x222: {  	[tilespmem:s17+$0xF0] =	vst v0;
	v0 =	vmul.f32 $8.000000000e+00, v6;
	v6 =	vld [tilespmem:s17+$0x160]  }
0x223: {  	[tilespmem:s17+$0x100] =	vst v1;
	v1 =	vmul.f32 $8.000000000e+00, v2;
	v2 =	vld [tilespmem:s17+$0x170]  }
0x224: {  	[tilespmem:s17+$0x110] =	vst v0;
	v0 =	vmul.f32 $8.000000000e+00, v3;
	v3 =	vld [tilespmem:s17+$0x180]  }
0x225: {  	[tilespmem:s17+$0x120] =	vst v1;
	v1 =	vmul.f32 $8.000000000e+00, v4;
	v4 =	vld [tilespmem:s17+$0x190]  }
0x226: {  	v7 =	vld [tilespmem:s17+$0x1A0];
	[tilespmem:s17+$0x130] =	vst v0;
	v5 =	vmul.f32 $8.000000000e+00, v5  }
0x227: {  	v0 =	vld [tilespmem:s17+$0x1B0];
	[tilespmem:s17+$0x140] =	vst v1;
	v6 =	vmul.f32 $8.000000000e+00, v6  }
0x228: {  	v1 =	vld [tilespmem:s17+$0x1C0];
	[tilespmem:s17+$0x150] =	vst v5;
	v5 =	vmul.f32 $8.000000000e+00, v2  }
0x229: {  	v2 =	vld [tilespmem:s17+$0x1D0];
	[tilespmem:s17+$0x160] =	vst v6;
	v6 =	vmul.f32 $8.000000000e+00, v3  }
0x22a: {  	v3 =	vld [tilespmem:s17+$0x1E0];
	[tilespmem:s17+$0x170] =	vst v5;
	v5 =	vmul.f32 $8.000000000e+00, v4  }
0x22b: {  	s18 =	simm.s32 $0x0;
	s20 =	simm.s32 $0x12600;
	v4 =	vld [tilespmem:s17+$0x0];
	[tilespmem:s17+$0x180] =	vst v6;
	v6 =	vmul.f32 $8.000000000e+00, v7  }
.LBB2_15:
0x22c: {  	v7 =	vld [tilespmem:s20+$0x1F0];
	s18 =	sadd.s32 $0x8, s18;
	[tilespmem:s17+$0x190] =	vst v5;
	v0 =	vmul.f32 $8.000000000e+00, v0  }
0x22d: {  	v5 =	vld [tilespmem:s20+$0x10];
	p1 =	slt.u32 s18, $0x78;
	[tilespmem:s17+$0x1A0] =	vst v6;
	v1 =	vmul.f32 $8.000000000e+00, v1  }
0x22e: {  	v6 =	vld [tilespmem:s20+$0x20];
	[tilespmem:s17+$0x1B0] =	vst v0;
	v0 =	vmul.f32 $8.000000000e+00, v2  }
0x22f: {  	v2 =	vld [tilespmem:s20+$0x30];
	[tilespmem:s17+$0x1C0] =	vst v1;
	v1 =	vmul.f32 $8.000000000e+00, v3  }
0x230: {  	v3 =	vld [tilespmem:s20+$0x40];
	v4 =	vmul.f32 $8.000000000e+00, v4;
	[tilespmem:s17+$0x1D0] =	vst v0  }
0x231: {  	v0 =	vld [tilespmem:s20+$0x50];
	v7 =	vmul.f32 $8.000000000e+00, v7;
	[tilespmem:s17+$0x1E0] =	vst v1  }
0x232: {  	v1 =	vmul.f32 $8.000000000e+00, v5;
	v5 =	vld [tilespmem:s20+$0x60];
	[tilespmem:s17+$0x0] =	vst v4;
	s17 =	smov.u32 s20  }
0x233: {  	v4 =	vmul.f32 $8.000000000e+00, v6;
	v6 =	vld [tilespmem:s20+$0x70];
	[tilespmem:s20+$0x1F0] =	vst v7  }
0x234: {  	[tilespmem:s20+$0x10] =	vst v1;
	v1 =	vmul.f32 $8.000000000e+00, v2;
	v2 =	vld [tilespmem:s20+$0x80]  }
0x235: {  	[tilespmem:s20+$0x20] =	vst v4;
	v3 =	vmul.f32 $8.000000000e+00, v3;
	v4 =	vld [tilespmem:s20+$0x90]  }
0x236: {  	[tilespmem:s20+$0x30] =	vst v1;
	v0 =	vmul.f32 $8.000000000e+00, v0;
	v1 =	vld [tilespmem:s20+$0xA0]  }
0x237: {  	[tilespmem:s20+$0x40] =	vst v3;
	v3 =	vmul.f32 $8.000000000e+00, v5;
	v5 =	vld [tilespmem:s20+$0xB0]  }
0x238: {  	[tilespmem:s20+$0x50] =	vst v0;
	v0 =	vmul.f32 $8.000000000e+00, v6;
	v6 =	vld [tilespmem:s20+$0xC0]  }
0x239: {  	[tilespmem:s20+$0x60] =	vst v3;
	v2 =	vmul.f32 $8.000000000e+00, v2;
	v3 =	vld [tilespmem:s20+$0xD0]  }
0x23a: {  	[tilespmem:s20+$0x70] =	vst v0;
	v0 =	vmul.f32 $8.000000000e+00, v4;
	v4 =	vld [tilespmem:s20+$0xE0]  }
0x23b: {  	[tilespmem:s20+$0x80] =	vst v2;
	v1 =	vmul.f32 $8.000000000e+00, v1;
	v2 =	vld [tilespmem:s20+$0xF0]  }
0x23c: {  	[tilespmem:s20+$0x90] =	vst v0;
	v0 =	vmul.f32 $8.000000000e+00, v5;
	v5 =	vld [tilespmem:s20+$0x100]  }
0x23d: {  	[tilespmem:s20+$0xA0] =	vst v1;
	v1 =	vmul.f32 $8.000000000e+00, v6;
	v6 =	vld [tilespmem:s20+$0x110]  }
0x23e: {  	[tilespmem:s20+$0xB0] =	vst v0;
	v0 =	vmul.f32 $8.000000000e+00, v3;
	v3 =	vld [tilespmem:s20+$0x120]  }
0x23f: {  	[tilespmem:s20+$0xC0] =	vst v1;
	v1 =	vmul.f32 $8.000000000e+00, v4;
	v4 =	vld [tilespmem:s20+$0x130]  }
0x240: {  	[tilespmem:s20+$0xD0] =	vst v0;
	v0 =	vmul.f32 $8.000000000e+00, v2;
	v2 =	vld [tilespmem:s20+$0x140]  }
0x241: {  	[tilespmem:s20+$0xE0] =	vst v1;
	v1 =	vmul.f32 $8.000000000e+00, v5;
	v5 =	vld [tilespmem:s20+$0x150]  }
0x242: {  	[tilespmem:s20+$0xF0] =	vst v0;
	v0 =	vmul.f32 $8.000000000e+00, v6;
	v6 =	vld [tilespmem:s20+$0x160]  }
0x243: {  	[tilespmem:s20+$0x100] =	vst v1;
	v1 =	vmul.f32 $8.000000000e+00, v3;
	v3 =	vld [tilespmem:s20+$0x170]  }
0x244: {  	[tilespmem:s20+$0x110] =	vst v0;
	v0 =	vmul.f32 $8.000000000e+00, v4;
	v4 =	vld [tilespmem:s20+$0x180]  }
0x245: {  	[tilespmem:s20+$0x120] =	vst v1;
	v1 =	vmul.f32 $8.000000000e+00, v2;
	v7 =	vld [tilespmem:s20+$0x190]  }
0x246: {  	[tilespmem:s20+$0x130] =	vst v0;
	v2 =	vmul.f32 $8.000000000e+00, v5;
	v8 =	vld [tilespmem:s20+$0x1A0]  }
.Ltmp6:
0x247: {  	[tilespmem:s20+$0x140] =	vst v1;
	v5 =	vmul.f32 $8.000000000e+00, v6;
	v0 =	vld [tilespmem:s20+$0x1B0];
	(pc) =	sbr.rel @p1 .LBB2_15-.Ltmp6, $4  }
0x248: {  	[tilespmem:s20+$0x150] =	vst v2;
	v3 =	vmul.f32 $8.000000000e+00, v3;
	v1 =	vld [tilespmem:s20+$0x1C0]  }
0x249: {  	[tilespmem:s20+$0x160] =	vst v5;
	v6 =	vmul.f32 $8.000000000e+00, v4;
	v2 =	vld [tilespmem:s20+$0x1D0]  }
0x24a: {  	[tilespmem:s20+$0x170] =	vst v3;
	v5 =	vmul.f32 $8.000000000e+00, v7;
	v3 =	vld [tilespmem:s20+$0x1E0]  }
0x24b: {  	s20 =	sadd.s32 $0x200, s20;
	v4 =	vld [tilespmem:s17+$0x0];
	[tilespmem:s17+$0x180] =	vst v6;
	v6 =	vmul.f32 $8.000000000e+00, v8  }
0x24c: {  	[tilespmem:s17+$0x190] =	vst v5;
	v0 =	vmul.f32 $8.000000000e+00, v0  }
0x24d: {  	[tilespmem:s17+$0x1A0] =	vst v6;
	v1 =	vmul.f32 $8.000000000e+00, v1  }
0x24e: {  	[tilespmem:s17+$0x1B0] =	vst v0;
	v0 =	vmul.f32 $8.000000000e+00, v2  }
0x24f: {  	s5 =	sadd.s32 s5, s13;
	[tilespmem:s17+$0x1C0] =	vst v1;
	v1 =	vmul.f32 $8.000000000e+00, v3  }
0x250: {  	s5 =	sshll.u32 s5, $0x3;
	v2 =	vmul.f32 $8.000000000e+00, v4;
	[tilespmem:s17+$0x1D0] =	vst v0  }
0x251: {  	s5 =	sand.u32 $0x1FFFF800, s5;
	[tilespmem:s17+$0x1E0] =	vst v1  }
0x252: {  	s5 =	sadd.s32 s2, s5;
	[tilespmem:s17+$0x0] =	vst v2  }
0x253: {  	[hbm4b:s5+s3] =	stream.linear.scatter [tilespmem:s29], [sflag:$0xF], $0x2000, $0x38;
	[tilespmem:$0x16400] =	vst v63  }
0x254: {  	s5 =	simm.s32 @!p0 $0xF  }
0x255: {  	_ =	swait.ge @!p0 [sflag:s5], $0x2000  }
0x256: {  	s17 =	simm.s32 @!p0 $0x12400;
	[sflag:s5] =	ssyncset.done @!p0 $0x0  }
0x257: {  	[sflag:s5] =	ssyncadd.s32 @!p0 $0xFFFFE000;
	s5 =	sadd.s32 @!p0 $0x700, s15;
	s15 =	simm.s32 @!p0 $0x80  }
0x258: {  	[tilespmem:s17], [sflag:$0x7] =	stream.indirect.gather @!p0 [hbm4b:s4+s15], $0x40, s5, s15, $0xb8;
	[tilespmem:$0x16400] =	vst v63  }
0x259: {  	_ =	swait.ge [sflag:s30], $0x2000  }
0x25a: {  	[sflag:s30] =	ssyncset.done $0x0  }
0x25b: {  	s5 =	simm.s32 $0x14400;
	[sflag:s30] =	ssyncadd.s32 $0xFFFFE000  }
0x25c: {  	v0 =	vld [tilespmem:s5+$0x1F0]  }
0x25d: {  	v1 =	vld [tilespmem:s5+$0x10]  }
0x25e: {  	v2 =	vld [tilespmem:s5+$0x20]  }
0x25f: {  	v3 =	vld [tilespmem:s5+$0x30]  }
0x260: {  	v4 =	vld [tilespmem:s5+$0x40]  }
0x261: {  	v5 =	vld [tilespmem:s5+$0x50];
	v0 =	vmul.f32 $8.000000000e+00, v0  }
0x262: {  	v6 =	vld [tilespmem:s5+$0x60];
	v1 =	vmul.f32 $8.000000000e+00, v1  }
0x263: {  	v7 =	vld [tilespmem:s5+$0x70];
	v2 =	vmul.f32 $8.000000000e+00, v2;
	[tilespmem:s5+$0x1F0] =	vst v0  }
0x264: {  	[tilespmem:s5+$0x10] =	vst v1;
	v0 =	vmul.f32 $8.000000000e+00, v3;
	v1 =	vld [tilespmem:s5+$0x80]  }
0x265: {  	[tilespmem:s5+$0x20] =	vst v2;
	v2 =	vmul.f32 $8.000000000e+00, v4;
	v3 =	vld [tilespmem:s5+$0x90]  }
0x266: {  	v4 =	vld [tilespmem:s5+$0xA0];
	[tilespmem:s5+$0x30] =	vst v0;
	v0 =	vmul.f32 $8.000000000e+00, v5  }
0x267: {  	[tilespmem:s5+$0x40] =	vst v2;
	v2 =	vmul.f32 $8.000000000e+00, v6;
	v5 =	vld [tilespmem:s5+$0xB0]  }
0x268: {  	v6 =	vld [tilespmem:s5+$0xC0];
	[tilespmem:s5+$0x50] =	vst v0;
	v0 =	vmul.f32 $8.000000000e+00, v7  }
0x269: {  	[tilespmem:s5+$0x60] =	vst v2;
	v2 =	vld [tilespmem:s5+$0xD0];
	v1 =	vmul.f32 $8.000000000e+00, v1  }
0x26a: {  	[tilespmem:s5+$0x70] =	vst v0;
	v0 =	vmul.f32 $8.000000000e+00, v3;
	v3 =	vld [tilespmem:s5+$0xE0]  }
0x26b: {  	[tilespmem:s5+$0x80] =	vst v1;
	v1 =	vmul.f32 $8.000000000e+00, v4;
	v4 =	vld [tilespmem:s5+$0xF0]  }
0x26c: {  	[tilespmem:s5+$0x90] =	vst v0;
	v0 =	vmul.f32 $8.000000000e+00, v5;
	v5 =	vld [tilespmem:s5+$0x100]  }
0x26d: {  	[tilespmem:s5+$0xA0] =	vst v1;
	v1 =	vmul.f32 $8.000000000e+00, v6;
	v6 =	vld [tilespmem:s5+$0x110]  }
0x26e: {  	[tilespmem:s5+$0xB0] =	vst v0;
	v0 =	vmul.f32 $8.000000000e+00, v2;
	v2 =	vld [tilespmem:s5+$0x120]  }
0x26f: {  	[tilespmem:s5+$0xC0] =	vst v1;
	v1 =	vmul.f32 $8.000000000e+00, v3;
	v3 =	vld [tilespmem:s5+$0x130]  }
0x270: {  	[tilespmem:s5+$0xD0] =	vst v0;
	v0 =	vmul.f32 $8.000000000e+00, v4;
	v4 =	vld [tilespmem:s5+$0x140]  }
0x271: {  	[tilespmem:s5+$0xE0] =	vst v1;
	v1 =	vmul.f32 $8.000000000e+00, v5;
	v5 =	vld [tilespmem:s5+$0x150]  }
0x272: {  	[tilespmem:s5+$0xF0] =	vst v0;
	v0 =	vmul.f32 $8.000000000e+00, v6;
	v6 =	vld [tilespmem:s5+$0x160]  }
0x273: {  	[tilespmem:s5+$0x100] =	vst v1;
	v1 =	vmul.f32 $8.000000000e+00, v2;
	v2 =	vld [tilespmem:s5+$0x170]  }
0x274: {  	[tilespmem:s5+$0x110] =	vst v0;
	v0 =	vmul.f32 $8.000000000e+00, v3;
	v3 =	vld [tilespmem:s5+$0x180]  }
0x275: {  	[tilespmem:s5+$0x120] =	vst v1;
	v1 =	vmul.f32 $8.000000000e+00, v4;
	v4 =	vld [tilespmem:s5+$0x190]  }
0x276: {  	v7 =	vld [tilespmem:s5+$0x1A0];
	[tilespmem:s5+$0x130] =	vst v0;
	v5 =	vmul.f32 $8.000000000e+00, v5  }
0x277: {  	v0 =	vld [tilespmem:s5+$0x1B0];
	[tilespmem:s5+$0x140] =	vst v1;
	v6 =	vmul.f32 $8.000000000e+00, v6  }
0x278: {  	v1 =	vld [tilespmem:s5+$0x1C0];
	[tilespmem:s5+$0x150] =	vst v5;
	v5 =	vmul.f32 $8.000000000e+00, v2  }
0x279: {  	v2 =	vld [tilespmem:s5+$0x1D0];
	[tilespmem:s5+$0x160] =	vst v6;
	v6 =	vmul.f32 $8.000000000e+00, v3  }
0x27a: {  	v3 =	vld [tilespmem:s5+$0x1E0];
	[tilespmem:s5+$0x170] =	vst v5;
	v5 =	vmul.f32 $8.000000000e+00, v4  }
0x27b: {  	s15 =	simm.s32 $0x0;
	s17 =	simm.s32 $0x14600;
	v4 =	vld [tilespmem:s5+$0x0];
	[tilespmem:s5+$0x180] =	vst v6;
	v6 =	vmul.f32 $8.000000000e+00, v7  }
.LBB2_17:
0x27c: {  	v7 =	vld [tilespmem:s17+$0x1F0];
	s15 =	sadd.s32 $0x8, s15;
	[tilespmem:s5+$0x190] =	vst v5;
	v0 =	vmul.f32 $8.000000000e+00, v0  }
0x27d: {  	v5 =	vld [tilespmem:s17+$0x10];
	p0 =	slt.u32 s15, $0x78;
	[tilespmem:s5+$0x1A0] =	vst v6;
	v1 =	vmul.f32 $8.000000000e+00, v1  }
0x27e: {  	v6 =	vld [tilespmem:s17+$0x20];
	[tilespmem:s5+$0x1B0] =	vst v0;
	v0 =	vmul.f32 $8.000000000e+00, v2  }
0x27f: {  	v2 =	vld [tilespmem:s17+$0x30];
	[tilespmem:s5+$0x1C0] =	vst v1;
	v1 =	vmul.f32 $8.000000000e+00, v3  }
0x280: {  	v3 =	vld [tilespmem:s17+$0x40];
	v4 =	vmul.f32 $8.000000000e+00, v4;
	[tilespmem:s5+$0x1D0] =	vst v0  }
0x281: {  	v0 =	vld [tilespmem:s17+$0x50];
	v7 =	vmul.f32 $8.000000000e+00, v7;
	[tilespmem:s5+$0x1E0] =	vst v1  }
0x282: {  	v1 =	vmul.f32 $8.000000000e+00, v5;
	v5 =	vld [tilespmem:s17+$0x60];
	[tilespmem:s5+$0x0] =	vst v4;
	s5 =	smov.u32 s17  }
0x283: {  	v4 =	vmul.f32 $8.000000000e+00, v6;
	v6 =	vld [tilespmem:s17+$0x70];
	[tilespmem:s17+$0x1F0] =	vst v7  }
0x284: {  	[tilespmem:s17+$0x10] =	vst v1;
	v1 =	vmul.f32 $8.000000000e+00, v2;
	v2 =	vld [tilespmem:s17+$0x80]  }
0x285: {  	[tilespmem:s17+$0x20] =	vst v4;
	v3 =	vmul.f32 $8.000000000e+00, v3;
	v4 =	vld [tilespmem:s17+$0x90]  }
0x286: {  	[tilespmem:s17+$0x30] =	vst v1;
	v0 =	vmul.f32 $8.000000000e+00, v0;
	v1 =	vld [tilespmem:s17+$0xA0]  }
0x287: {  	[tilespmem:s17+$0x40] =	vst v3;
	v3 =	vmul.f32 $8.000000000e+00, v5;
	v5 =	vld [tilespmem:s17+$0xB0]  }
0x288: {  	[tilespmem:s17+$0x50] =	vst v0;
	v0 =	vmul.f32 $8.000000000e+00, v6;
	v6 =	vld [tilespmem:s17+$0xC0]  }
0x289: {  	[tilespmem:s17+$0x60] =	vst v3;
	v2 =	vmul.f32 $8.000000000e+00, v2;
	v3 =	vld [tilespmem:s17+$0xD0]  }
0x28a: {  	[tilespmem:s17+$0x70] =	vst v0;
	v0 =	vmul.f32 $8.000000000e+00, v4;
	v4 =	vld [tilespmem:s17+$0xE0]  }
0x28b: {  	[tilespmem:s17+$0x80] =	vst v2;
	v1 =	vmul.f32 $8.000000000e+00, v1;
	v2 =	vld [tilespmem:s17+$0xF0]  }
0x28c: {  	[tilespmem:s17+$0x90] =	vst v0;
	v0 =	vmul.f32 $8.000000000e+00, v5;
	v5 =	vld [tilespmem:s17+$0x100]  }
0x28d: {  	[tilespmem:s17+$0xA0] =	vst v1;
	v1 =	vmul.f32 $8.000000000e+00, v6;
	v6 =	vld [tilespmem:s17+$0x110]  }
0x28e: {  	[tilespmem:s17+$0xB0] =	vst v0;
	v0 =	vmul.f32 $8.000000000e+00, v3;
	v3 =	vld [tilespmem:s17+$0x120]  }
0x28f: {  	[tilespmem:s17+$0xC0] =	vst v1;
	v1 =	vmul.f32 $8.000000000e+00, v4;
	v4 =	vld [tilespmem:s17+$0x130]  }
0x290: {  	[tilespmem:s17+$0xD0] =	vst v0;
	v0 =	vmul.f32 $8.000000000e+00, v2;
	v2 =	vld [tilespmem:s17+$0x140]  }
0x291: {  	[tilespmem:s17+$0xE0] =	vst v1;
	v1 =	vmul.f32 $8.000000000e+00, v5;
	v5 =	vld [tilespmem:s17+$0x150]  }
0x292: {  	[tilespmem:s17+$0xF0] =	vst v0;
	v0 =	vmul.f32 $8.000000000e+00, v6;
	v6 =	vld [tilespmem:s17+$0x160]  }
0x293: {  	[tilespmem:s17+$0x100] =	vst v1;
	v1 =	vmul.f32 $8.000000000e+00, v3;
	v3 =	vld [tilespmem:s17+$0x170]  }
0x294: {  	[tilespmem:s17+$0x110] =	vst v0;
	v0 =	vmul.f32 $8.000000000e+00, v4;
	v4 =	vld [tilespmem:s17+$0x180]  }
0x295: {  	[tilespmem:s17+$0x120] =	vst v1;
	v1 =	vmul.f32 $8.000000000e+00, v2;
	v7 =	vld [tilespmem:s17+$0x190]  }
0x296: {  	[tilespmem:s17+$0x130] =	vst v0;
	v2 =	vmul.f32 $8.000000000e+00, v5;
	v8 =	vld [tilespmem:s17+$0x1A0]  }
.Ltmp7:
0x297: {  	[tilespmem:s17+$0x140] =	vst v1;
	v5 =	vmul.f32 $8.000000000e+00, v6;
	v0 =	vld [tilespmem:s17+$0x1B0];
	(pc) =	sbr.rel @p0 .LBB2_17-.Ltmp7, $4  }
0x298: {  	[tilespmem:s17+$0x150] =	vst v2;
	v3 =	vmul.f32 $8.000000000e+00, v3;
	v1 =	vld [tilespmem:s17+$0x1C0]  }
0x299: {  	[tilespmem:s17+$0x160] =	vst v5;
	v6 =	vmul.f32 $8.000000000e+00, v4;
	v2 =	vld [tilespmem:s17+$0x1D0]  }
0x29a: {  	[tilespmem:s17+$0x170] =	vst v3;
	v5 =	vmul.f32 $8.000000000e+00, v7;
	v3 =	vld [tilespmem:s17+$0x1E0]  }
0x29b: {  	s17 =	sadd.s32 $0x200, s17;
	v4 =	vld [tilespmem:s5+$0x0];
	[tilespmem:s5+$0x180] =	vst v6;
	v6 =	vmul.f32 $8.000000000e+00, v8  }
0x29c: {  	[tilespmem:s5+$0x190] =	vst v5;
	v0 =	vmul.f32 $8.000000000e+00, v0  }
0x29d: {  	s6 =	sadd.s32 $0x1, s6;
	[tilespmem:s5+$0x1A0] =	vst v6;
	v1 =	vmul.f32 $8.000000000e+00, v1  }
0x29e: {  	p0 =	sne.s32 s6, $0x19;
	[tilespmem:s5+$0x1B0] =	vst v0;
	v61 =	vmul.f32 $8.000000000e+00, v2  }
.Ltmp8:
0x29f: {  	s14 =	sshll.u32 s14, $0xD;
	[tilespmem:s5+$0x1C0] =	vst v1;
	v62 =	vmul.f32 $8.000000000e+00, v3;
	(pc) =	sbr.rel @p0 .LBB2_2-.Ltmp8, $4  }
0x2a0: {  	s14 =	sadd.s32 s7, s14;
	v63 =	vmul.f32 $8.000000000e+00, v4;
	[tilespmem:s5+$0x1D0] =	vst v61  }
0x2a1: {  	s14 =	sshrl.u32 s14, $0x3;
	[tilespmem:s5+$0x1E0] =	vst v62  }
0x2a2: {  	s20 =	sadd.s32 s2, s14;
	[tilespmem:s5+$0x0] =	vst v63  }
0x2a3: {  	[hbm4b:s20+s3] =	stream.linear.scatter [tilespmem:s31], [sflag:$0x10], $0x2000, $0x38;
	[tilespmem:$0x16400] =	vst v63  }
0x2a4: {  	s5 =	simm.s32 $0x9  }
0x2a5: {  	_ =	swait.ge [sflag:s5], $0x2000  }
0x2a6: {  	[sflag:s5] =	ssyncset.done $0x0  }
0x2a7: {  	s20 =	simm.s32 $0xA;
	[sflag:s5] =	ssyncadd.s32 $0xFFFFE000  }
0x2a8: {  	_ =	swait.ge [sflag:s20], $0x2000  }
0x2a9: {  	[sflag:s20] =	ssyncset.done $0x0  }
0x2aa: {  	s6 =	simm.s32 $0xB;
	[sflag:s20] =	ssyncadd.s32 $0xFFFFE000  }
0x2ab: {  	_ =	swait.ge [sflag:s6], $0x2000  }
0x2ac: {  	[sflag:s6] =	ssyncset.done $0x0  }
0x2ad: {  	s14 =	simm.s32 $0xC;
	[sflag:s6] =	ssyncadd.s32 $0xFFFFE000  }
0x2ae: {  	_ =	swait.ge [sflag:s14], $0x2000  }
0x2af: {  	[sflag:s14] =	ssyncset.done $0x0  }
0x2b0: {  	s15 =	simm.s32 $0xD;
	[sflag:s14] =	ssyncadd.s32 $0xFFFFE000  }
0x2b1: {  	_ =	swait.ge [sflag:s15], $0x2000  }
0x2b2: {  	[sflag:s15] =	ssyncset.done $0x0  }
0x2b3: {  	s17 =	simm.s32 $0xE;
	[sflag:s15] =	ssyncadd.s32 $0xFFFFE000  }
0x2b4: {  	_ =	swait.ge [sflag:s17], $0x2000  }
0x2b5: {  	[sflag:s17] =	ssyncset.done $0x0  }
0x2b6: {  	s18 =	simm.s32 $0xF;
	[sflag:s17] =	ssyncadd.s32 $0xFFFFE000  }
0x2b7: {  	_ =	swait.ge [sflag:s18], $0x2000  }
0x2b8: {  	[sflag:s18] =	ssyncset.done $0x0  }
0x2b9: {  	s6 =	simm.s32 $0x10;
	[sflag:s18] =	ssyncadd.s32 $0xFFFFE000  }
0x2ba: {  	_ =	swait.ge [sflag:s6], $0x2000  }
0x2bb: {  	s14 =	rddreg [dreg:$0x7]  }
0x2bc: {  	s20 =	rddreg [dreg:$0x6];
	s14 =	sadd.s32 $0x1, s14  }
0x2bd: {  	p0 =	sne.s32 s14, s20  }
.Ltmp9:
0x2be: {  	_ = 	snop;
	(pc) =	sbr.rel @p0 .LBB2_1-.Ltmp9, $3  }
0x2bf: {  	_ =	sdelay $0x1  }
0x2c0: {  	[sflag:s6] =	ssyncset.done $0x0  }
0x2c1: {  	[sflag:s6] =	ssyncadd.s32 $0xFFFFE000  }
0x2c2: {  	_ =	sfence.sel $0x180000  }
0x2c3: {  	[bflag:$0x0] =	sbarrier.arrive $0xFFFF  }
0x2c4: {  	_ =	strace $0x90000047  }
0x2c5: {  	s0 =	stileid.u32;
	[bflag:$0x2] =	sbarrier.arrive $0xFFFF  }
0x2c6: {  	p0 =	sne.s32 s0, $0x0;
	s0 =	rddreg [dreg:$0x3]  }
0x2c7: {  	s0 =	sadd.s32 @!p0 $0x100000, s0  }
0x2c8: {  	[sflag:s0] =	ssyncadd.tile.s32 @!p0 $0x1;
	_ =	shalt  }
.Lfunc_end2:
_tile_overlayer_lowered:
.L_overlay_start_2:
0x2c9: {  	(tag) =	ssettag $0x2  }
0x2ca: {  	s0 =	rddreg [dreg:$0x0];
	s2 =	stileid.u32  }
0x2cb: {  	s1 =	rddreg [dreg:$0x1];
	p0 =	sne.s32 s2, $0x0  }
0x2cc: {  	s3 =	rddreg [dreg:$0x2];
	[bflag:$0x3] =	sbarrier.arrive $0xFFFF;
	s2 =	simm.s32 @!p0 $0x1C11  }
0x2cd: {  	[timem:s3], [sflag:s2] =	dma.local @!p0 [hbm:s0], s1  }
0x2ce: {  	s0 =	simm.s32 @!p0 $0x11  }
0x2cf: {  	_ =	swait.ge @!p0 [sflag:s0], s1  }
0x2d0: {  	s1 =	ssub.s32 @!p0 $0x0, s1;
	[sflag:s0] =	ssyncset.done @!p0 $0x0  }
0x2d1: {  	[sflag:s0] =	ssyncadd.s32 @!p0 s1  }
0x2d2: {  	[bflag:$0x3] =	sbarrier.arrive $0xFFFF  }
0x2d3: {  	_ =	shalt  }

// kernel: sparse-core-data-format-call.cloned.1.call-start
scs
called_computation_lowered:
.L_overlay_start_0:
0x0: {  	s2 =	sld [smem:$0x3FD9]  }
0x1: {  	s3 =	sld [smem:$0x3FFE];
	_ =	sdelay $0x1  }
0x2: {  	s1 =	srdreg.scid  }
0x3: {  	s0 =	sand.u32 $0x1, s1  }
0x4: {  	s18 =	sshll.u32 s0, $0xA;
	s2 =	sadd.s32 s3, s2  }
0x5: {  	s2 =	sadd.s32 s2, s18  }
0x6: {  	[smem:$0x3FC6] =	sst s2  }
0x7: {  	_ = 	snop  }
0x8: {  	s2 =	sld [smem:$0x3FD0];
	(tm) =	ssettm $0x1  }
0x9: {  	s19 =	sld [smem:$0x3FFB];
	_ =	sdelay $0x3  }
0xa: {  	_ =	strace s19  }
0xb: {  	s3 =	sld [smem:$0x3FFC];
	_ =	sdelay $0x3  }
0xc: {  	_ =	strace s3  }
0xd: {  	s3 =	sld [smem:$0x3FFD];
	_ =	sdelay $0x3  }
0xe: {  	_ =	strace s3  }
0xf: {  	_ =	strace $0x8FFFFFFF  }
0x10: {  	s20 =	sld [smem:$0x3FDB];
	_ =	sdelay $0x1  }
0x11: {  	s4 =	simm.s32 $_scs_section_size  }
0x12: {  	s5 =	simm.s32 $_size__tile_overlayer_lowered;
	s6 =	simm.s32 $_tile_overlayer_lowered  }
0x13: {  	s23 =	simm.s32 $0x1BFF;
	s22 =	sshll.u32 s6, $0x1;
	s3 =	sadd.s32 s4, s20  }
0x14: {  	s7 =	simm.s32 $0x0;
	s21 =	sshll.u32 s5, $0x1;
	s5 =	sadd.s32 s22, s3  }
0x15: {  	[timem:s7], [sflag:s23] =	dma.local [hbm:s5], s21  }
0x16: {  	_ =	swait.ge [sflag:s23], s21  }
0x17: {  	s4 =	ssub.s32 $0x0, s21;
	[sflag:s23] =	ssyncset.done $0x0  }
0x18: {  	[sflag:s23] =	ssyncadd.s32 s4;
	_ =	sdelay $0x1  }
0x19: {  	s24 =	simm.s32 $0x1B8B  }
0x1a: {  	_ =	swait.ge [sflag:s24], $0x1  }
0x1b: {  	[sflag:s24] =	ssyncset.done $0x0  }
0x1c: {  	s26 =	simm.s32 $0x1B8E;
	s25 =	sld [smem:$0x3FFE];
	[sflag:s24] =	ssyncadd.s32 $0xFFFFFFFF  }
0x1d: {  	s27 =	simm.s32 $execute0_lowered;
	[smem:$0x3FD2] =	sst s26  }
0x1e: {  	s5 =	sshll.u32 s27, $0x1;
	_ =	strace $0x80000049;
	[dreg:$0x1] =	wrdreg $0xFFFFFFFF  }
0x1f: {  	s28 =	simm.s32 $_size_execute0_lowered;
	s3 =	sadd.s32 s3, s5;
	[dreg:$0x0] =	wrdreg $0x0  }
0x20: {  	s5 =	sshll.u32 s28, $0x1;
	[dreg:$0x2] =	wrdreg s3  }
0x21: {  	[dreg:$0x3] =	wrdreg s5  }
0x22: {  	[dreg:$0x4] =	wrdreg $0xC0  }
0x23: {  	_ =	task [dreg:s7], $0x5FFFF  }
0x24: {  	[dreg:$0x1] =	wrdreg $0xFFFFFFFF  }
0x25: {  	[dreg:$0x0] =	wrdreg $0x60  }
0x26: {  	[dreg:$0x2] =	wrdreg s25  }
0x27: {  	[dreg:$0x3] =	wrdreg s2  }
0x28: {  	[dreg:$0x4] =	wrdreg $0x9  }
0x29: {  	_ =	task.clear_ibuf [dreg:s7], $0x5FFFF;
	_ =	strace $0x90000049  }
0x2a: {  	s29 =	simm.s32 $0x9;
	_ =	strace $0x8000004B  }
0x2b: {  	_ =	swait.ge [sflag:s29], $0x1  }
0x2c: {  	[sflag:s29] =	ssyncadd.s32 $0xFFFFFFFF  }
0x2d: {  	_ =	strace $0x9000004B  }
0x2e: {  	_ =	sfence  }
0x2f: {  	s30 =	sld [smem:$0x0];
	_ =	sdelay $0x2  }
0x30: {  	s31 =	sshll.u32 s1, $0xD;
	s1 =	sshrl.u32 s1, $0x2  }
0x31: {  	s3 =	sand.u32 $0x4000, s31;
	s1 =	sadd.s32 s1, s30  }
0x32: {  	s0 =	sor.u32 s3, s0;
	s1 =	sshll.u32 s1, $0x11  }
0x33: {  	s0 =	sor.u32 s1, s0  }
0x34: {  	s0 =	sadd.s32 $0x8F2B, s0  }
0x35: {  	[sflag:s0] =	ssyncadd.remote.s32 $0x1  }
0x36: {  	_ =	sfence.sel $0xFFFF  }
0x37: {  	[dreg:$0x0] =	wrdreg $0xFFFFFFFF;
	(pc) =	sbr.abs _section_cstart, $3  }
0x38: {  	[dreg:$0x1] =	wrdreg $0xFFFFFFFF  }
0x39: {  	_ =	task.clear_ibuf [dreg:s7], $0x2FFFF;
	_ =	strace $0x9FFFFFFF  }
0x3a: {  	(tm) =	ssettm $0x7FFFFFFF  }
0x3b: {  	_ =	shalt  }
tec
execute0_lowered:
.L_overlay_start_1:
0x0: {  	(tag) =	ssettag $0x1  }
0x1: {  	s0 =	srdreg.scid  }
0x2: {  	s1 =	sshll.u32 s0, $0x4  }
0x3: {  	s4 =	rddreg [dreg:$0x0];
	s0 =	stileid.u32;
	s1 =	sand.u32 $0x10, s1  }
0x4: {  	s2 =	rddreg [dreg:$0x1];
	s7 =	simm.s32 $0x1;
	s1 =	sor.u32 s0, s1  }
0x5: {  	s8 =	simm.s32 $0x2;
	s11 =	simm.s32 $0x0;
	s3 =	sshll.u32 s1, $0x7  }
0x6: {  	s10 =	simm.s32 $0x0;
	s4 =	sadd.s32 $0x800, s4;
	s6 =	ssub.s32 $0xC8000, s3  }
.Ltmp0:
0x7: {  	s1 =	rddreg [dreg:$0x2];
	s5 =	sand.u32 $0xF80, s6;
	(pc) =	sbr.rel .LBB1_1-.Ltmp0, $4  }
0x8: {  	_ =	strace $0x8000004A;
	s9 =	smov.u32 s3;
	p0 =	sne.s32 s5, $0x0  }
0x9: {  	s6 =	sshrl.u32 s6, $0xC;
	s5 =	simm.s32 $0x1;
	s7 =	simm.s32 @!p0 $0x0  }
0xa: {  	[sflag:s5] =	ssyncpa.u1 $0x0;
	p0 =	por $0x0, $0x0;
	s6 =	sadd.s32 s7, s6  }
0xb: {  	[sflag:s8] =	ssyncpa.u1 $0x0;
	s8 =	simm.s32 $0x640000;
	s7 =	sadd.s32 $0x1, s6  }
.LBB1_4:
0xc: {  	s14 =	sshll.u32 s11, $0x3  }
0xd: {  	s30 =	sand.u32 $0x7F, s11;
	s15 =	sand.u32 $0xFFFFFC00, s14  }
0xe: {  	s11 =	sor.u32 s30, s15  }
0xf: {  	s15 =	smulhi.u32 $0x51EB851F, s11  }
0x10: {  	s14 =	smulhi.u32 $0x51EB851F, s14  }
0x11: {  	s15 =	sshrl.u32 s15, $0x12  }
0x12: {  	s14 =	sshrl.u32 s14, $0x12;
	s15 =	smul.u32 $0xC8000, s15  }
0x13: {  	s14 =	sand.u32 $0x3F, s14  }
0x14: {  	s14 =	smul.u32 $0x19000, s14;
	s11 =	ssub.s32 s11, s15  }
0x15: {  	[tilespmem:s13+$0x810 ss:$0x81] =	vst.msk $0xffff, v2;
	s15 =	sand.u32 $0x7, s11  }
0x16: {  	[tilespmem:s13+$0x1020 ss:$0x81] =	vst.msk $0xffff, v0;
	s14 =	sadd.s32 s2, s14;
	s11 =	sshrl.u32 s11, $0x3;
	s15 =	sshll.u32 s15, $0x12  }
0x17: {  	[tilespmem:s13+$0x0 ss:$0x81] =	vst.msk $0xffff, v1;
	s11 =	sadd.s32 s11, s14;
	s31 =	sor.u32 $0x400, s15  }
0x18: {  	[hbm4b:s11+s31] =	stream.strided.scatter [tilespmem:s12], [sflag:$0x2], $0x2000, s8, s31, $0x20;
	[tilespmem:$0x8080] =	vst v63  }
.LBB1_5:
0x19: {  	s13 =	sadd.s32 $0x1000, s9  }
0x1a: {  	p2 =	sgt.s32 s13, $0xC7FFF  }
0x1b: {  	s13 =	smov.u32 @p2 s3;
	p2 =	sne.s32 s10, s7  }
.Ltmp1:
0x1c: {  	p1 =	slt.u32 s10, $0x2;
	(pc) =	sbr.rel @!p2 .LBB1_6-.Ltmp1, $4  }
0x1d: {  	s12 =	simm.s32 @!p1 $0x2  }
0x1e: {  	s14 =	sadd.s32 $0x1, s10;
	_ =	swait.ge @!p1 [sflag:s12], $0x2000  }
0x1f: {  	s11 =	smov.u32 s9;
	p0 =	por !p0, !p0;
	[sflag:s12] =	ssyncset.done @!p1 $0x0  }
0x20: {  	s10 =	smov.u32 s14;
	s9 =	smov.u32 s13;
	[sflag:s12] =	ssyncadd.s32 @!p1 $0xFFFFE000  }
.LBB1_1:
0x21: {  	p1 =	sge.u32 s10, s6  }
0x22: {  	s12 =	sand.u32 @!p1 $0x1FFFFFF, s9  }
0x23: {  	s13 =	smulhi.u32 @!p1 $0x147AE15, s12;
	_ =	sdelay $0x1  }
0x24: {  	s13 =	sshrl.u32 @!p1 s13, $0xC  }
0x25: {  	s13 =	smul.u32 @!p1 $0xC8000, s13;
	_ =	sdelay $0x1  }
0x26: {  	s31 =	sadd.s32 $0xFFFFFFFF, s10;
	s14 =	sxor.u32 @!p1 $0xFFFFFFFF, s10;
	s12 =	ssub.s32 @!p1 s12, s13  }
0x27: {  	s15 =	simm.s32 @!p1 $0x80;
	s14 =	sshll.u32 @!p1 s14, $0xD;
	s12 =	sshll.u32 @!p1 s12, $0x4  }
0x28: {  	s13 =	sand.u32 @!p1 $0x2000, s14;
	s14 =	simm.s32 @!p1 $0x40;
	s12 =	sadd.s32 @!p1 s4, s12  }
0x29: {  	[tilespmem:s13], [sflag:$0x1] =	stream.strided.gather @!p1 [hbm4b:s12+s14], $0x2000, s15, s14, $0x38;
	[tilespmem:$0x8080] =	vst v63  }
0x2a: {  	p1 =	sge.u32 s31, s6  }
.Ltmp2:
0x2b: {  	_ = 	snop;
	(pc) =	sbr.rel @p1 .LBB1_5-.Ltmp2, $1  }
0x2c: {  	_ =	sdelay $0x3  }
0x2d: {  	s12 =	simm.s32 $0x1  }
0x2e: {  	_ =	swait.ge [sflag:s5], $0x2000;
	s12 =	simm.s32 @!p0 $0x0  }
0x2f: {  	[sflag:s5] =	ssyncset.done $0x0;
	s13 =	sshll.u32 s12, $0xD  }
0x30: {  	[sflag:s5] =	ssyncadd.s32 $0xFFFFE000;
	s16 =	sor.u32 $0x20, s13  }
0x31: {  	s12 =	smul.u32 $0x8100, s12;
	v3 =	vld [tilespmem:s16+$0x10]  }
0x32: {  	s30 =	sand.u32 $0x1, s10;
	v2 =	vld [tilespmem:s16+$0xFFFFFFF0]  }
0x33: {  	s13 =	smul.u32 $0x8100, s30;
	s12 =	sshrl.u32 s12, $0x2;
	v0 =	vld [tilespmem:s16+$0x0]  }
0x34: {  	v1 =	vld [tilespmem:s16+$0xFFFFFFE0];
	s14 =	sor.u32 $0x4000, s12  }
0x35: {  	s31 =	sshrl.u32 s13, $0x2;
	s13 =	sadd.s32 $0x0, s14  }
0x36: {  	s15 =	simm.s32 $0x4;
	s16 =	sadd.s32 $0x40, s16;
	s12 =	sor.u32 $0x4000, s31;
	[tilespmem:s13+$0x1830 ss:$0x81] =	vst.msk $0xffff, v3  }
.LBB1_3:
0x37: {  	v3 =	vld [tilespmem:s16+$0x10];
	p1 =	sne.s32 s15, $0x1FC;
	[tilespmem:s13+$0x810 ss:$0x81] =	vst.msk $0xffff, v2;
	s17 =	smov.u32 s15;
	s15 =	sadd.s32 $0x4, s15  }
.Ltmp3:
0x38: {  	v2 =	vld [tilespmem:s16+$0xFFFFFFF0];
	[tilespmem:s13+$0x1020 ss:$0x81] =	vst.msk $0xffff, v0;
	(pc) =	sbr.rel @p1 .LBB1_3-.Ltmp3, $4  }
0x39: {  	v0 =	vld [tilespmem:s16+$0x0];
	[tilespmem:s13+$0x0 ss:$0x81] =	vst.msk $0xffff, v1  }
0x3a: {  	s13 =	sshra.s32 s17, $0x2;
	v1 =	vld [tilespmem:s16+$0xFFFFFFE0]  }
0x3b: {  	s13 =	sadd.s32 s13, s14  }
0x3c: {  	s16 =	sadd.s32 $0x40, s16;
	[tilespmem:s13+$0x1830 ss:$0x81] =	vst.msk $0xffff, v3  }
.Ltmp4:
0x3d: {  	_ = 	snop;
	(pc) =	sbr.rel .LBB1_4-.Ltmp4, $1  }
0x3e: {  	_ =	sdelay $0x3  }
.LBB1_6:
0x3f: {  	_ =	sfence.sel $0x180000  }
0x40: {  	s2 =	simm.s32 $0x1;
	[bflag:$0x0] =	sbarrier.arrive $0xFFFF  }
0x41: {  	s31 =	simm.s32 $0x2;
	[sflag:s2] =	ssyncpa.u1 $0x1  }
0x42: {  	[sflag:s31] =	ssyncpa.u1 $0x1  }
0x43: {  	p0 =	sne.s32 s0, $0x0;
	_ =	strace $0x9000004A  }
0x44: {  	s0 =	sadd.s32 @!p0 $0x100000, s1;
	[bflag:$0x2] =	sbarrier.arrive $0xFFFF  }
0x45: {  	[sflag:s0] =	ssyncadd.tile.s32 @!p0 $0x1;
	_ =	shalt  }
.Lfunc_end1:
_tile_overlayer_lowered:
.L_overlay_start_2:
0x46: {  	(tag) =	ssettag $0x2  }
0x47: {  	s0 =	rddreg [dreg:$0x0];
	s2 =	stileid.u32  }
0x48: {  	s1 =	rddreg [dreg:$0x1];
	p0 =	sne.s32 s2, $0x0  }
0x49: {  	s3 =	rddreg [dreg:$0x2];
	[bflag:$0x3] =	sbarrier.arrive $0xFFFF;
	s2 =	simm.s32 @!p0 $0x1C01  }
0x4a: {  	[timem:s3], [sflag:s2] =	dma.local @!p0 [hbm:s0], s1  }
0x4b: {  	s0 =	simm.s32 @!p0 $0x1  }
0x4c: {  	_ =	swait.ge @!p0 [sflag:s0], s1  }
0x4d: {  	s1 =	ssub.s32 @!p0 $0x0, s1;
	[sflag:s0] =	ssyncset.done @!p0 $0x0  }
0x4e: {  	[sflag:s0] =	ssyncadd.s32 @!p0 s1  }
0x4f: {  	[bflag:$0x3] =	sbarrier.arrive $0xFFFF  }
0x50: {  	_ =	shalt  }

</sc_bundles>
